<compile_context>
chip_gen: v7x
topology: tpu7x:2x2x1
jax: 0.10.2.dev20260603
libtpu: 0.0.44.dev20260713+nightly
codegen_flags: <defaults>
</compile_context>

<pallas_src>
import functools

import jax
import jax.numpy as jnp
from jax import lax
from jax.experimental import pallas as pl
from jax.experimental.pallas import tpu as pltpu
from jax.experimental.pallas import tpu_sc as plsc

B, N, E, D, H, NEF = 1, 10000, 320000, 128, 128, 140

EDGE_BLK = 2560

NC, NS = 2, 16
NT = NC * NS
EPT = E // NT
BATCH = 80
NB = EPT // BATCH
SUBB = 5
NG = NB // SUBB
NP = 10240
ZR = NP // NS
ZSTEPS = ZR // BATCH
CW = 128


def _edge_mlp_body(ea_ref, w1_ref, b1_ref, w2_ref, b2_ref, out_ref):
    x = ea_ref[...]
    h = jnp.dot(x, w1_ref[...], preferred_element_type=jnp.float32) + b1_ref[...]
    h = h * jax.nn.sigmoid(h)
    out_ref[...] = (
        jnp.dot(h, w2_ref[...], preferred_element_type=jnp.float32) + b2_ref[...]
    )


def _edge_mlp(edge_attr2d, W1, b1, W2, b2):
    grid = (E // EDGE_BLK,)
    return pl.pallas_call(
        _edge_mlp_body,
        grid=grid,
        in_specs=[
            pl.BlockSpec((EDGE_BLK, NEF), lambda i: (i, 0)),
            pl.BlockSpec((NEF, H), lambda i: (0, 0)),
            pl.BlockSpec((1, H), lambda i: (0, 0)),
            pl.BlockSpec((H, H), lambda i: (0, 0)),
            pl.BlockSpec((1, H), lambda i: (0, 0)),
        ],
        out_specs=pl.BlockSpec((EDGE_BLK, H), lambda i: (i, 0)),
        out_shape=jax.ShapeDtypeStruct((E, H), jnp.float32),
    )(edge_attr2d, W1, b1.reshape(1, H), W2, b2.reshape(1, H))


def _sc_sums(msgs, dst2d, zeros_h):
    mesh = plsc.VectorSubcoreMesh(core_axis_name="c", subcore_axis_name="s")

    @functools.partial(
        pl.kernel,
        mesh=mesh,
        out_type=jax.ShapeDtypeStruct((NC, NP, H), jnp.float32),
        scratch_types=[
            pltpu.VMEM((SUBB, BATCH), jnp.int32),
            pltpu.VMEM((BATCH, H), jnp.float32),
            pltpu.VMEM_SHARED((NP, H), jnp.float32),
        ],
    )
    def k(msgs_hbm, dst_hbm, zh_hbm, sums_out, idx_v, rows_v, sums_sh):
        c = lax.axis_index("c")
        s = lax.axis_index("s")
        wid = s * NC + c
        ebase = wid * EPT
        zr = s * ZR

        pltpu.sync_copy(zh_hbm, rows_v)
        for i in range(ZSTEPS):
            pltpu.sync_copy(rows_v, sums_sh.at[pl.ds(zr + i * BATCH, BATCH)])
        plsc.subcore_barrier()

        def group_body(g, carry):
            pltpu.sync_copy(dst_hbm.at[wid, g], idx_v)
            for j in range(SUBB):
                kk = g * SUBB + j
                pltpu.sync_copy(msgs_hbm.at[pl.ds(ebase + kk * BATCH, BATCH)],
                                rows_v)
                pltpu.sync_copy(rows_v, sums_sh.at[idx_v.at[j]], add=True)
            return carry

        lax.fori_loop(0, NG, group_body, 0)
        plsc.subcore_barrier()

        for i in range(ZSTEPS):
            pltpu.sync_copy(sums_sh.at[pl.ds(zr + i * BATCH, BATCH)], rows_v)
            pltpu.sync_copy(rows_v, sums_out.at[c, pl.ds(zr + i * BATCH, BATCH)])

    return k(msgs, dst2d, zeros_h)


def _sc_counts(dst2d, zeros_c, ones_c):
    mesh = plsc.VectorSubcoreMesh(core_axis_name="c", subcore_axis_name="s")

    @functools.partial(
        pl.kernel,
        mesh=mesh,
        out_type=jax.ShapeDtypeStruct((NC, NP, CW), jnp.float32),
        scratch_types=[
            pltpu.VMEM((SUBB, BATCH), jnp.int32),
            pltpu.VMEM((BATCH, CW), jnp.float32),
            pltpu.VMEM((BATCH, CW), jnp.float32),
            pltpu.VMEM_SHARED((NP, CW), jnp.float32),
        ],
    )
    def k(dst_hbm, zc_hbm, ones_hbm, cnts_out, idx_v, ones_v, cst_v, cnts_sh):
        c = lax.axis_index("c")
        s = lax.axis_index("s")
        wid = s * NC + c
        zr = s * ZR

        pltpu.sync_copy(zc_hbm, cst_v)
        pltpu.sync_copy(ones_hbm, ones_v)
        for i in range(ZSTEPS):
            pltpu.sync_copy(cst_v, cnts_sh.at[pl.ds(zr + i * BATCH, BATCH)])
        plsc.subcore_barrier()

        def group_body(g, carry):
            pltpu.sync_copy(dst_hbm.at[wid, g], idx_v)
            for j in range(SUBB):
                pltpu.sync_copy(ones_v, cnts_sh.at[idx_v.at[j]], add=True)
            return carry

        lax.fori_loop(0, NG, group_body, 0)
        plsc.subcore_barrier()

        for i in range(ZSTEPS):
            pltpu.sync_copy(cnts_sh.at[pl.ds(zr + i * BATCH, BATCH)], cst_v)
            pltpu.sync_copy(cst_v, cnts_out.at[c, pl.ds(zr + i * BATCH, BATCH)])

    return k(dst2d, zeros_c, ones_c)


def _final_body(s0_ref, s1_ref, c0_ref, c1_ref, x_ref, wres_ref, bres_ref,
                wo1_ref, bo1_ref, wo2_ref, bo2_ref, wo3_ref, bo3_ref, out_ref):
    sums = s0_ref[...] + s1_ref[...]
    cnt = c0_ref[...] + c1_ref[...]
    agg = sums / jnp.maximum(cnt, 1.0)
    aug = agg + (
        jnp.dot(x_ref[...], wres_ref[...], preferred_element_type=jnp.float32)
        + bres_ref[...]
    )
    h = jnp.maximum(
        jnp.dot(aug, wo1_ref[...], preferred_element_type=jnp.float32)
        + bo1_ref[...], 0.0)
    h = jnp.maximum(
        jnp.dot(h, wo2_ref[...], preferred_element_type=jnp.float32)
        + bo2_ref[...], 0.0)
    out_ref[...] = (
        jnp.dot(h, wo3_ref[...], preferred_element_type=jnp.float32)
        + bo3_ref[...]
    )


def _final_mlp(s0, s1, c0, c1, x2d, Wres, bres, Wo1, bo1, Wo2, bo2, Wo3, bo3):
    NBLK = 2000
    grid = (N // NBLK,)
    wspec = pl.BlockSpec((H, H), lambda i: (0, 0))
    bspec = pl.BlockSpec((1, H), lambda i: (0, 0))
    return pl.pallas_call(
        _final_body,
        grid=grid,
        in_specs=[
            pl.BlockSpec((NBLK, H), lambda i: (i, 0)),
            pl.BlockSpec((NBLK, H), lambda i: (i, 0)),
            pl.BlockSpec((NBLK, 1), lambda i: (i, 0)),
            pl.BlockSpec((NBLK, 1), lambda i: (i, 0)),
            pl.BlockSpec((NBLK, D), lambda i: (i, 0)),
            pl.BlockSpec((D, H), lambda i: (0, 0)), bspec,
            wspec, bspec, wspec, bspec,
            pl.BlockSpec((H, D), lambda i: (0, 0)),
            pl.BlockSpec((1, D), lambda i: (0, 0)),
        ],
        out_specs=pl.BlockSpec((NBLK, D), lambda i: (i, 0)),
        out_shape=jax.ShapeDtypeStruct((N, D), jnp.float32),
    )(s0, s1, c0, c1, x2d, Wres, bres.reshape(1, H), Wo1, bo1.reshape(1, H),
      Wo2, bo2.reshape(1, H), Wo3, bo3.reshape(1, D))


def kernel(inputs, edge_attr, edges, W1, b1, W2, b2, Wres, bres,
           Wo1, bo1, Wo2, bo2, Wo3, bo3):
    edge_attr2d = edge_attr.reshape(E, NEF)
    msgs = _edge_mlp(edge_attr2d, W1, b1, W2, b2)

    dst2d = edges[1].reshape(NT, NG, SUBB, BATCH)
    zeros_h = jnp.zeros((BATCH, H), jnp.float32)
    zeros_c = jnp.zeros((BATCH, CW), jnp.float32)
    ones_c = jnp.ones((BATCH, CW), jnp.float32)
    cnts = _sc_counts(dst2d, zeros_c, ones_c)
    sums = _sc_sums(msgs, dst2d, zeros_h)

    pred = _final_mlp(sums[0, :N], sums[1, :N], cnts[0, :N, 0:1],
                      cnts[1, :N, 0:1], inputs.reshape(N, D),
                      Wres, bres, Wo1, bo1, Wo2, bo2, Wo3, bo3)
    return pred.reshape(B, N, D)

# --- scband reference (transcript-rebuilt; emitter-appended) ---
"""Pipeline reference for scband-gnn-61984968016265 (READ-ONLY COPY).

The authoritative reference and input builder live on the scoring server;
editing this copy changes nothing except your own understanding.
"""

import jax, jax.numpy as jnp
import numpy as np

B, N, E, D, H, NEF = 1, 10000, 320000, 128, 128, 140

def _lin(k, fan_in, fan_out):
    kw, kb = jax.random.split(k)
    lim = 1.0 / np.sqrt(fan_in)
    W = jax.random.uniform(kw, (fan_in, fan_out), dtype=jnp.float32, minval=-lim, maxval=lim)
    b = jax.random.uniform(kb, (fan_out,), dtype=jnp.float32, minval=-lim, maxval=lim)
    return W, b

def setup_inputs(seed: int = 0) -> dict:
    key = jax.random.key(seed)
    ks = jax.random.split(key, 10)
    inp = {}
    inp["inputs"] = jax.random.normal(ks[0], (B, N, D), dtype=jnp.float32)
    inp["edge_attr"] = jax.random.normal(ks[1], (B, E, NEF), dtype=jnp.float32)
    inp["edges"] = jax.random.randint(ks[2], (2, E), 0, N, dtype=jnp.int32)
    inp["W1"], inp["b1"] = _lin(ks[3], NEF, H)
    inp["W2"], inp["b2"] = _lin(ks[4], H, H)
    inp["Wres"], inp["bres"] = _lin(ks[5], D, H)
    inp["Wo1"], inp["bo1"] = _lin(ks[6], H, H)
    inp["Wo2"], inp["bo2"] = _lin(ks[7], H, H)
    inp["Wo3"], inp["bo3"] = _lin(ks[8], H, D)
    return inp

def reference(inputs, edge_attr, edges, W1, b1, W2, b2, Wres, bres, Wo1, bo1, Wo2, bo2, Wo3, bo3):
    # edge_filter: Linear -> SiLU -> Linear
    msgs = jax.nn.silu(edge_attr @ W1 + b1) @ W2 + b2  # [B, E, H]
    dst = edges[1]  # [E]
    # scatter mean along dim=1 (torch_scatter semantics: empty segments -> 0)
    sums = jax.vmap(lambda m: jax.ops.segment_sum(m, dst, num_segments=N))(msgs)  # [B, N, H]
    counts = jax.ops.segment_sum(jnp.ones((E,), dtype=jnp.float32), dst, num_segments=N)  # [N]
    agg_msgs = sums / jnp.clip(counts, 1.0)[None, :, None]
    aug = agg_msgs + (inputs @ Wres + bres)
    # out_mlp (dropout p=0.0 -> identity)
    h = jax.nn.relu(aug @ Wo1 + bo1)
    h = jax.nn.relu(h @ Wo2 + bo2)
    pred = h @ Wo3 + bo3
    return pred

if __name__ == "__main__":
    import jax
    _d = setup_inputs()
    print(jax.jit(kernel)(*tuple(_d.values())))

</pallas_src>

<mosaic_0001>
#map = affine_map<(d0, d1) -> (0, 0)>
#map1 = affine_map<(d0, d1) -> (0, 0, 0, 0)>
#map2 = affine_map<(d0, d1) -> (0, 0, 0)>
module attributes {stable_mosaic.version = 14 : i64} {
  func.func @k(%arg0: i32, %arg1: i32, %arg2: memref<320000x128xf32, #tpu.memory_space<hbm>>, %arg3: memref<32x25x5x80xi32, #tpu.memory_space<hbm>>, %arg4: memref<80x128xf32, #tpu.memory_space<hbm>>, %arg5: memref<2x10240x128xf32, #tpu.memory_space<hbm>>, %arg6: memref<5x80xi32, #tpu.memory_space<vmem>>, %arg7: memref<80x128xf32, #tpu.memory_space<vmem>>, %arg8: memref<10240x128xf32, #tpu.memory_space<vmem_shared>>) attributes {dimension_semantics = [#tpu.dimension_semantics<core_parallel>, #tpu.dimension_semantics<subcore_parallel>], iteration_bounds = array<i64: 2, 16>, scalar_prefetch = 0 : i64, scratch_operands = 3 : i64, tpu.core_type = #tpu.core_type<sc_vector_subcore>, window_params = [{transform_indices = #map}, {transform_indices = #map1}, {transform_indices = #map}, {transform_indices = #map2}]} {
    %mul3A = arith.constant 2 : i32
    %mul3A_0 = arith.muli %arg1, %mul3A : i32
    %add3A = arith.addi %mul3A_0, %arg0 : i32
    %mul3A_1 = arith.constant 10000 : i32
    %mul3A_2 = arith.muli %add3A, %mul3A_1 : i32
    %mul3A_3 = arith.constant 640 : i32
    %mul3A_4 = arith.muli %arg1, %mul3A_3 : i32
    "tpu.region"() ({
      %run_scoped3A = tpu.sem_alloc : memref<!tpu.dma_semaphore, #tpu.memory_space<semaphore_mem>>
      tpu.enqueue_dma source(%arg4 : memref<80x128xf32, #tpu.memory_space<hbm>>) target(%arg7 : memref<80x128xf32, #tpu.memory_space<vmem>>) target_semaphore(%run_scoped3A : memref<!tpu.dma_semaphore, #tpu.memory_space<semaphore_mem>>)
      tpu.wait_dma2 semaphore(%run_scoped3A : memref<!tpu.dma_semaphore, #tpu.memory_space<semaphore_mem>>) src(%arg4 : memref<80x128xf32, #tpu.memory_space<hbm>>) dst(%arg7 : memref<80x128xf32, #tpu.memory_space<vmem>>)
      tpu.yield
    }) : () -> ()
    %add3A_5 = arith.constant 0 : i32
    %add3A_6 = arith.addi %mul3A_4, %add3A_5 : i32
    "tpu.region"() ({
      %run_scoped3A = tpu.sem_alloc : memref<!tpu.dma_semaphore, #tpu.memory_space<semaphore_mem>>
      %dma_start3A = arith.constant 0 : i32
      %dma_start3A_59 = tpu.memref_slice %arg8[%add3A_6, %dma_start3A] : memref<10240x128xf32, #tpu.memory_space<vmem_shared>> -> memref<80x128xf32, #tpu.memory_space<vmem_shared>>
      %dma_start3A_60 = arith.constant 0 : i32
      %dma_start3A_61 = tpu.memref_slice %arg8[%add3A_6, %dma_start3A_60] : memref<10240x128xf32, #tpu.memory_space<vmem_shared>> -> memref<80x128xf32, #tpu.memory_space<vmem_shared>>
      tpu.enqueue_dma source(%arg7 : memref<80x128xf32, #tpu.memory_space<vmem>>) target(%dma_start3A_61 : memref<80x128xf32, #tpu.memory_space<vmem_shared>>) target_semaphore(%run_scoped3A : memref<!tpu.dma_semaphore, #tpu.memory_space<semaphore_mem>>)
      %dma_wait3A = arith.constant 0 : i32
      %dma_wait3A_62 = tpu.memref_slice %arg8[%add3A_6, %dma_wait3A] : memref<10240x128xf32, #tpu.memory_space<vmem_shared>> -> memref<80x128xf32, #tpu.memory_space<vmem_shared>>
      %dma_wait3A_63 = arith.constant 0 : i32
      %dma_wait3A_64 = tpu.memref_slice %arg8[%add3A_6, %dma_wait3A_63] : memref<10240x128xf32, #tpu.memory_space<vmem_shared>> -> memref<80x128xf32, #tpu.memory_space<vmem_shared>>
      tpu.wait_dma2 semaphore(%run_scoped3A : memref<!tpu.dma_semaphore, #tpu.memory_space<semaphore_mem>>) src(%arg7 : memref<80x128xf32, #tpu.memory_space<vmem>>) dst(%dma_wait3A_64 : memref<80x128xf32, #tpu.memory_space<vmem_shared>>)
      tpu.yield
    }) : () -> ()
    %add3A_7 = arith.constant 80 : i32
    %add3A_8 = arith.addi %mul3A_4, %add3A_7 : i32
    "tpu.region"() ({
      %run_scoped3A = tpu.sem_alloc : memref<!tpu.dma_semaphore, #tpu.memory_space<semaphore_mem>>
      %dma_start3A = arith.constant 0 : i32
      %dma_start3A_59 = tpu.memref_slice %arg8[%add3A_8, %dma_start3A] : memref<10240x128xf32, #tpu.memory_space<vmem_shared>> -> memref<80x128xf32, #tpu.memory_space<vmem_shared>>
      %dma_start3A_60 = arith.constant 0 : i32
      %dma_start3A_61 = tpu.memref_slice %arg8[%add3A_8, %dma_start3A_60] : memref<10240x128xf32, #tpu.memory_space<vmem_shared>> -> memref<80x128xf32, #tpu.memory_space<vmem_shared>>
      tpu.enqueue_dma source(%arg7 : memref<80x128xf32, #tpu.memory_space<vmem>>) target(%dma_start3A_61 : memref<80x128xf32, #tpu.memory_space<vmem_shared>>) target_semaphore(%run_scoped3A : memref<!tpu.dma_semaphore, #tpu.memory_space<semaphore_mem>>)
      %dma_wait3A = arith.constant 0 : i32
      %dma_wait3A_62 = tpu.memref_slice %arg8[%add3A_8, %dma_wait3A] : memref<10240x128xf32, #tpu.memory_space<vmem_shared>> -> memref<80x128xf32, #tpu.memory_space<vmem_shared>>
      %dma_wait3A_63 = arith.constant 0 : i32
      %dma_wait3A_64 = tpu.memref_slice %arg8[%add3A_8, %dma_wait3A_63] : memref<10240x128xf32, #tpu.memory_space<vmem_shared>> -> memref<80x128xf32, #tpu.memory_space<vmem_shared>>
      tpu.wait_dma2 semaphore(%run_scoped3A : memref<!tpu.dma_semaphore, #tpu.memory_space<semaphore_mem>>) src(%arg7 : memref<80x128xf32, #tpu.memory_space<vmem>>) dst(%dma_wait3A_64 : memref<80x128xf32, #tpu.memory_space<vmem_shared>>)
      tpu.yield
    }) : () -> ()
    %add3A_9 = arith.constant 160 : i32
    %add3A_10 = arith.addi %mul3A_4, %add3A_9 : i32
    "tpu.region"() ({
      %run_scoped3A = tpu.sem_alloc : memref<!tpu.dma_semaphore, #tpu.memory_space<semaphore_mem>>
      %dma_start3A = arith.constant 0 : i32
      %dma_start3A_59 = tpu.memref_slice %arg8[%add3A_10, %dma_start3A] : memref<10240x128xf32, #tpu.memory_space<vmem_shared>> -> memref<80x128xf32, #tpu.memory_space<vmem_shared>>
      %dma_start3A_60 = arith.constant 0 : i32
      %dma_start3A_61 = tpu.memref_slice %arg8[%add3A_10, %dma_start3A_60] : memref<10240x128xf32, #tpu.memory_space<vmem_shared>> -> memref<80x128xf32, #tpu.memory_space<vmem_shared>>
      tpu.enqueue_dma source(%arg7 : memref<80x128xf32, #tpu.memory_space<vmem>>) target(%dma_start3A_61 : memref<80x128xf32, #tpu.memory_space<vmem_shared>>) target_semaphore(%run_scoped3A : memref<!tpu.dma_semaphore, #tpu.memory_space<semaphore_mem>>)
      %dma_wait3A = arith.constant 0 : i32
      %dma_wait3A_62 = tpu.memref_slice %arg8[%add3A_10, %dma_wait3A] : memref<10240x128xf32, #tpu.memory_space<vmem_shared>> -> memref<80x128xf32, #tpu.memory_space<vmem_shared>>
      %dma_wait3A_63 = arith.constant 0 : i32
      %dma_wait3A_64 = tpu.memref_slice %arg8[%add3A_10, %dma_wait3A_63] : memref<10240x128xf32, #tpu.memory_space<vmem_shared>> -> memref<80x128xf32, #tpu.memory_space<vmem_shared>>
      tpu.wait_dma2 semaphore(%run_scoped3A : memref<!tpu.dma_semaphore, #tpu.memory_space<semaphore_mem>>) src(%arg7 : memref<80x128xf32, #tpu.memory_space<vmem>>) dst(%dma_wait3A_64 : memref<80x128xf32, #tpu.memory_space<vmem_shared>>)
      tpu.yield
    }) : () -> ()
    %add3A_11 = arith.constant 240 : i32
    %add3A_12 = arith.addi %mul3A_4, %add3A_11 : i32
    "tpu.region"() ({
      %run_scoped3A = tpu.sem_alloc : memref<!tpu.dma_semaphore, #tpu.memory_space<semaphore_mem>>
      %dma_start3A = arith.constant 0 : i32
      %dma_start3A_59 = tpu.memref_slice %arg8[%add3A_12, %dma_start3A] : memref<10240x128xf32, #tpu.memory_space<vmem_shared>> -> memref<80x128xf32, #tpu.memory_space<vmem_shared>>
      %dma_start3A_60 = arith.constant 0 : i32
      %dma_start3A_61 = tpu.memref_slice %arg8[%add3A_12, %dma_start3A_60] : memref<10240x128xf32, #tpu.memory_space<vmem_shared>> -> memref<80x128xf32, #tpu.memory_space<vmem_shared>>
      tpu.enqueue_dma source(%arg7 : memref<80x128xf32, #tpu.memory_space<vmem>>) target(%dma_start3A_61 : memref<80x128xf32, #tpu.memory_space<vmem_shared>>) target_semaphore(%run_scoped3A : memref<!tpu.dma_semaphore, #tpu.memory_space<semaphore_mem>>)
      %dma_wait3A = arith.constant 0 : i32
      %dma_wait3A_62 = tpu.memref_slice %arg8[%add3A_12, %dma_wait3A] : memref<10240x128xf32, #tpu.memory_space<vmem_shared>> -> memref<80x128xf32, #tpu.memory_space<vmem_shared>>
      %dma_wait3A_63 = arith.constant 0 : i32
      %dma_wait3A_64 = tpu.memref_slice %arg8[%add3A_12, %dma_wait3A_63] : memref<10240x128xf32, #tpu.memory_space<vmem_shared>> -> memref<80x128xf32, #tpu.memory_space<vmem_shared>>
      tpu.wait_dma2 semaphore(%run_scoped3A : memref<!tpu.dma_semaphore, #tpu.memory_space<semaphore_mem>>) src(%arg7 : memref<80x128xf32, #tpu.memory_space<vmem>>) dst(%dma_wait3A_64 : memref<80x128xf32, #tpu.memory_space<vmem_shared>>)
      tpu.yield
    }) : () -> ()
    %add3A_13 = arith.constant 320 : i32
    %add3A_14 = arith.addi %mul3A_4, %add3A_13 : i32
    "tpu.region"() ({
      %run_scoped3A = tpu.sem_alloc : memref<!tpu.dma_semaphore, #tpu.memory_space<semaphore_mem>>
      %dma_start3A = arith.constant 0 : i32
      %dma_start3A_59 = tpu.memref_slice %arg8[%add3A_14, %dma_start3A] : memref<10240x128xf32, #tpu.memory_space<vmem_shared>> -> memref<80x128xf32, #tpu.memory_space<vmem_shared>>
      %dma_start3A_60 = arith.constant 0 : i32
      %dma_start3A_61 = tpu.memref_slice %arg8[%add3A_14, %dma_start3A_60] : memref<10240x128xf32, #tpu.memory_space<vmem_shared>> -> memref<80x128xf32, #tpu.memory_space<vmem_shared>>
      tpu.enqueue_dma source(%arg7 : memref<80x128xf32, #tpu.memory_space<vmem>>) target(%dma_start3A_61 : memref<80x128xf32, #tpu.memory_space<vmem_shared>>) target_semaphore(%run_scoped3A : memref<!tpu.dma_semaphore, #tpu.memory_space<semaphore_mem>>)
      %dma_wait3A = arith.constant 0 : i32
      %dma_wait3A_62 = tpu.memref_slice %arg8[%add3A_14, %dma_wait3A] : memref<10240x128xf32, #tpu.memory_space<vmem_shared>> -> memref<80x128xf32, #tpu.memory_space<vmem_shared>>
      %dma_wait3A_63 = arith.constant 0 : i32
      %dma_wait3A_64 = tpu.memref_slice %arg8[%add3A_14, %dma_wait3A_63] : memref<10240x128xf32, #tpu.memory_space<vmem_shared>> -> memref<80x128xf32, #tpu.memory_space<vmem_shared>>
      tpu.wait_dma2 semaphore(%run_scoped3A : memref<!tpu.dma_semaphore, #tpu.memory_space<semaphore_mem>>) src(%arg7 : memref<80x128xf32, #tpu.memory_space<vmem>>) dst(%dma_wait3A_64 : memref<80x128xf32, #tpu.memory_space<vmem_shared>>)
      tpu.yield
    }) : () -> ()
    %add3A_15 = arith.constant 400 : i32
    %add3A_16 = arith.addi %mul3A_4, %add3A_15 : i32
    "tpu.region"() ({
      %run_scoped3A = tpu.sem_alloc : memref<!tpu.dma_semaphore, #tpu.memory_space<semaphore_mem>>
      %dma_start3A = arith.constant 0 : i32
      %dma_start3A_59 = tpu.memref_slice %arg8[%add3A_16, %dma_start3A] : memref<10240x128xf32, #tpu.memory_space<vmem_shared>> -> memref<80x128xf32, #tpu.memory_space<vmem_shared>>
      %dma_start3A_60 = arith.constant 0 : i32
      %dma_start3A_61 = tpu.memref_slice %arg8[%add3A_16, %dma_start3A_60] : memref<10240x128xf32, #tpu.memory_space<vmem_shared>> -> memref<80x128xf32, #tpu.memory_space<vmem_shared>>
      tpu.enqueue_dma source(%arg7 : memref<80x128xf32, #tpu.memory_space<vmem>>) target(%dma_start3A_61 : memref<80x128xf32, #tpu.memory_space<vmem_shared>>) target_semaphore(%run_scoped3A : memref<!tpu.dma_semaphore, #tpu.memory_space<semaphore_mem>>)
      %dma_wait3A = arith.constant 0 : i32
      %dma_wait3A_62 = tpu.memref_slice %arg8[%add3A_16, %dma_wait3A] : memref<10240x128xf32, #tpu.memory_space<vmem_shared>> -> memref<80x128xf32, #tpu.memory_space<vmem_shared>>
      %dma_wait3A_63 = arith.constant 0 : i32
      %dma_wait3A_64 = tpu.memref_slice %arg8[%add3A_16, %dma_wait3A_63] : memref<10240x128xf32, #tpu.memory_space<vmem_shared>> -> memref<80x128xf32, #tpu.memory_space<vmem_shared>>
      tpu.wait_dma2 semaphore(%run_scoped3A : memref<!tpu.dma_semaphore, #tpu.memory_space<semaphore_mem>>) src(%arg7 : memref<80x128xf32, #tpu.memory_space<vmem>>) dst(%dma_wait3A_64 : memref<80x128xf32, #tpu.memory_space<vmem_shared>>)
      tpu.yield
    }) : () -> ()
    %add3A_17 = arith.constant 480 : i32
    %add3A_18 = arith.addi %mul3A_4, %add3A_17 : i32
    "tpu.region"() ({
      %run_scoped3A = tpu.sem_alloc : memref<!tpu.dma_semaphore, #tpu.memory_space<semaphore_mem>>
      %dma_start3A = arith.constant 0 : i32
      %dma_start3A_59 = tpu.memref_slice %arg8[%add3A_18, %dma_start3A] : memref<10240x128xf32, #tpu.memory_space<vmem_shared>> -> memref<80x128xf32, #tpu.memory_space<vmem_shared>>
      %dma_start3A_60 = arith.constant 0 : i32
      %dma_start3A_61 = tpu.memref_slice %arg8[%add3A_18, %dma_start3A_60] : memref<10240x128xf32, #tpu.memory_space<vmem_shared>> -> memref<80x128xf32, #tpu.memory_space<vmem_shared>>
      tpu.enqueue_dma source(%arg7 : memref<80x128xf32, #tpu.memory_space<vmem>>) target(%dma_start3A_61 : memref<80x128xf32, #tpu.memory_space<vmem_shared>>) target_semaphore(%run_scoped3A : memref<!tpu.dma_semaphore, #tpu.memory_space<semaphore_mem>>)
      %dma_wait3A = arith.constant 0 : i32
      %dma_wait3A_62 = tpu.memref_slice %arg8[%add3A_18, %dma_wait3A] : memref<10240x128xf32, #tpu.memory_space<vmem_shared>> -> memref<80x128xf32, #tpu.memory_space<vmem_shared>>
      %dma_wait3A_63 = arith.constant 0 : i32
      %dma_wait3A_64 = tpu.memref_slice %arg8[%add3A_18, %dma_wait3A_63] : memref<10240x128xf32, #tpu.memory_space<vmem_shared>> -> memref<80x128xf32, #tpu.memory_space<vmem_shared>>
      tpu.wait_dma2 semaphore(%run_scoped3A : memref<!tpu.dma_semaphore, #tpu.memory_space<semaphore_mem>>) src(%arg7 : memref<80x128xf32, #tpu.memory_space<vmem>>) dst(%dma_wait3A_64 : memref<80x128xf32, #tpu.memory_space<vmem_shared>>)
      tpu.yield
    }) : () -> ()
    %add3A_19 = arith.constant 560 : i32
    %add3A_20 = arith.addi %mul3A_4, %add3A_19 : i32
    "tpu.region"() ({
      %run_scoped3A = tpu.sem_alloc : memref<!tpu.dma_semaphore, #tpu.memory_space<semaphore_mem>>
      %dma_start3A = arith.constant 0 : i32
      %dma_start3A_59 = tpu.memref_slice %arg8[%add3A_20, %dma_start3A] : memref<10240x128xf32, #tpu.memory_space<vmem_shared>> -> memref<80x128xf32, #tpu.memory_space<vmem_shared>>
      %dma_start3A_60 = arith.constant 0 : i32
      %dma_start3A_61 = tpu.memref_slice %arg8[%add3A_20, %dma_start3A_60] : memref<10240x128xf32, #tpu.memory_space<vmem_shared>> -> memref<80x128xf32, #tpu.memory_space<vmem_shared>>
      tpu.enqueue_dma source(%arg7 : memref<80x128xf32, #tpu.memory_space<vmem>>) target(%dma_start3A_61 : memref<80x128xf32, #tpu.memory_space<vmem_shared>>) target_semaphore(%run_scoped3A : memref<!tpu.dma_semaphore, #tpu.memory_space<semaphore_mem>>)
      %dma_wait3A = arith.constant 0 : i32
      %dma_wait3A_62 = tpu.memref_slice %arg8[%add3A_20, %dma_wait3A] : memref<10240x128xf32, #tpu.memory_space<vmem_shared>> -> memref<80x128xf32, #tpu.memory_space<vmem_shared>>
      %dma_wait3A_63 = arith.constant 0 : i32
      %dma_wait3A_64 = tpu.memref_slice %arg8[%add3A_20, %dma_wait3A_63] : memref<10240x128xf32, #tpu.memory_space<vmem_shared>> -> memref<80x128xf32, #tpu.memory_space<vmem_shared>>
      tpu.wait_dma2 semaphore(%run_scoped3A : memref<!tpu.dma_semaphore, #tpu.memory_space<semaphore_mem>>) src(%arg7 : memref<80x128xf32, #tpu.memory_space<vmem>>) dst(%dma_wait3A_64 : memref<80x128xf32, #tpu.memory_space<vmem_shared>>)
      tpu.yield
    }) : () -> ()
    %barrier3A = arith.constant 0 : index
    tpu.barrier barrier_id(%barrier3A)
    %scan3A = arith.constant 0 : i32
    %scan3A_21 = arith.constant 0 : i32
    %scan3A_22 = arith.constant 25 : i32
    %scan3A_23 = arith.addi %scan3A_21, %scan3A_22 : i32
    %scan3A_24 = arith.constant 1 : i32
    scf.for %scan3A_59 = %scan3A_21 to %scan3A_23 step %scan3A_24  : i32 {
      "tpu.region"() ({
        %run_scoped3A_99 = tpu.sem_alloc : memref<!tpu.dma_semaphore, #tpu.memory_space<semaphore_mem>>
        %dma_start3A = arith.constant 0 : i32
        %dma_start3A_100 = arith.constant 0 : i32
        %dma_start3A_101 = tpu.memref_slice %arg3[%add3A, %scan3A_59, %dma_start3A, %dma_start3A_100] : memref<32x25x5x80xi32, #tpu.memory_space<hbm>> -> memref<1x1x5x80xi32, #tpu.memory_space<hbm>>
        %dma_start3A_102 = tpu.memref_squeeze %dma_start3A_101 : memref<1x1x5x80xi32, #tpu.memory_space<hbm>> -> memref<5x80xi32, #tpu.memory_space<hbm>>
        %dma_start3A_103 = arith.constant 0 : i32
        %dma_start3A_104 = arith.constant 0 : i32
        %dma_start3A_105 = tpu.memref_slice %arg3[%add3A, %scan3A_59, %dma_start3A_103, %dma_start3A_104] : memref<32x25x5x80xi32, #tpu.memory_space<hbm>> -> memref<1x1x5x80xi32, #tpu.memory_space<hbm>>
        %dma_start3A_106 = tpu.memref_squeeze %dma_start3A_105 : memref<1x1x5x80xi32, #tpu.memory_space<hbm>> -> memref<5x80xi32, #tpu.memory_space<hbm>>
        tpu.enqueue_dma source(%dma_start3A_106 : memref<5x80xi32, #tpu.memory_space<hbm>>) target(%arg6 : memref<5x80xi32, #tpu.memory_space<vmem>>) target_semaphore(%run_scoped3A_99 : memref<!tpu.dma_semaphore, #tpu.memory_space<semaphore_mem>>)
        %dma_wait3A = arith.constant 0 : i32
        %dma_wait3A_107 = arith.constant 0 : i32
        %dma_wait3A_108 = tpu.memref_slice %arg3[%add3A, %scan3A_59, %dma_wait3A, %dma_wait3A_107] : memref<32x25x5x80xi32, #tpu.memory_space<hbm>> -> memref<1x1x5x80xi32, #tpu.memory_space<hbm>>
        %dma_wait3A_109 = tpu.memref_squeeze %dma_wait3A_108 : memref<1x1x5x80xi32, #tpu.memory_space<hbm>> -> memref<5x80xi32, #tpu.memory_space<hbm>>
        %dma_wait3A_110 = arith.constant 0 : i32
        %dma_wait3A_111 = arith.constant 0 : i32
        %dma_wait3A_112 = tpu.memref_slice %arg3[%add3A, %scan3A_59, %dma_wait3A_110, %dma_wait3A_111] : memref<32x25x5x80xi32, #tpu.memory_space<hbm>> -> memref<1x1x5x80xi32, #tpu.memory_space<hbm>>
        %dma_wait3A_113 = tpu.memref_squeeze %dma_wait3A_112 : memref<1x1x5x80xi32, #tpu.memory_space<hbm>> -> memref<5x80xi32, #tpu.memory_space<hbm>>
        tpu.wait_dma2 semaphore(%run_scoped3A_99 : memref<!tpu.dma_semaphore, #tpu.memory_space<semaphore_mem>>) src(%dma_wait3A_113 : memref<5x80xi32, #tpu.memory_space<hbm>>) dst(%arg6 : memref<5x80xi32, #tpu.memory_space<vmem>>)
        tpu.yield
      }) : () -> ()
      %mul3A_60 = arith.constant 5 : i32
      %mul3A_61 = arith.muli %scan3A_59, %mul3A_60 : i32
      %add3A_62 = arith.constant 0 : i32
      %add3A_63 = arith.addi %mul3A_61, %add3A_62 : i32
      %mul3A_64 = arith.constant 80 : i32
      %mul3A_65 = arith.muli %add3A_63, %mul3A_64 : i32
      %add3A_66 = arith.addi %mul3A_2, %mul3A_65 : i32
      "tpu.region"() ({
        %run_scoped3A_99 = tpu.sem_alloc : memref<!tpu.dma_semaphore, #tpu.memory_space<semaphore_mem>>
        %dma_start3A = arith.constant 0 : i32
        %dma_start3A_100 = tpu.memref_slice %arg2[%add3A_66, %dma_start3A] : memref<320000x128xf32, #tpu.memory_space<hbm>> -> memref<80x128xf32, #tpu.memory_space<hbm>>
        %dma_start3A_101 = arith.constant 0 : i32
        %dma_start3A_102 = tpu.memref_slice %arg2[%add3A_66, %dma_start3A_101] : memref<320000x128xf32, #tpu.memory_space<hbm>> -> memref<80x128xf32, #tpu.memory_space<hbm>>
        tpu.enqueue_dma source(%dma_start3A_102 : memref<80x128xf32, #tpu.memory_space<hbm>>) target(%arg7 : memref<80x128xf32, #tpu.memory_space<vmem>>) target_semaphore(%run_scoped3A_99 : memref<!tpu.dma_semaphore, #tpu.memory_space<semaphore_mem>>)
        %dma_wait3A = arith.constant 0 : i32
        %dma_wait3A_103 = tpu.memref_slice %arg2[%add3A_66, %dma_wait3A] : memref<320000x128xf32, #tpu.memory_space<hbm>> -> memref<80x128xf32, #tpu.memory_space<hbm>>
        %dma_wait3A_104 = arith.constant 0 : i32
        %dma_wait3A_105 = tpu.memref_slice %arg2[%add3A_66, %dma_wait3A_104] : memref<320000x128xf32, #tpu.memory_space<hbm>> -> memref<80x128xf32, #tpu.memory_space<hbm>>
        tpu.wait_dma2 semaphore(%run_scoped3A_99 : memref<!tpu.dma_semaphore, #tpu.memory_space<semaphore_mem>>) src(%dma_wait3A_105 : memref<80x128xf32, #tpu.memory_space<hbm>>) dst(%arg7 : memref<80x128xf32, #tpu.memory_space<vmem>>)
        tpu.yield
      }) : () -> ()
      %run_scoped3A = arith.constant 0 : i32
      "tpu.region"() ({
        %run_scoped3A_99 = tpu.sem_alloc : memref<!tpu.dma_semaphore, #tpu.memory_space<semaphore_mem>>
        %dma_start3A = arith.constant 0 : i32
        %dma_start3A_100 = tpu.memref_slice %arg6[%run_scoped3A, %dma_start3A] : memref<5x80xi32, #tpu.memory_space<vmem>> -> memref<1x80xi32, #tpu.memory_space<vmem>>
        %dma_start3A_101 = tpu.memref_squeeze %dma_start3A_100 : memref<1x80xi32, #tpu.memory_space<vmem>> -> memref<80xi32, #tpu.memory_space<vmem>>
        %dma_start3A_102 = arith.constant 0 : i32
        %dma_start3A_103 = arith.constant 0 : i32
        %dma_start3A_104 = tpu.memref_slice %arg8[%dma_start3A_102, %dma_start3A_103] : memref<10240x128xf32, #tpu.memory_space<vmem_shared>> -> memref<10240x128xf32, #tpu.memory_space<vmem_shared>>
        tpu.enqueue_indirect_dma source(%arg7 : memref<80x128xf32, #tpu.memory_space<vmem>>) target(%dma_start3A_104 : memref<10240x128xf32, #tpu.memory_space<vmem_shared>>) offsets(%dma_start3A_101 : memref<80xi32, #tpu.memory_space<vmem>>) semaphore(%run_scoped3A_99 : memref<!tpu.dma_semaphore, #tpu.memory_space<semaphore_mem>>) {add = true}
        %dma_wait3A = arith.constant 0 : i32
        %dma_wait3A_105 = tpu.memref_slice %arg6[%run_scoped3A, %dma_wait3A] : memref<5x80xi32, #tpu.memory_space<vmem>> -> memref<1x80xi32, #tpu.memory_space<vmem>>
        %dma_wait3A_106 = tpu.memref_squeeze %dma_wait3A_105 : memref<1x80xi32, #tpu.memory_space<vmem>> -> memref<80xi32, #tpu.memory_space<vmem>>
        %dma_wait3A_107 = arith.constant 0 : i32
        %dma_wait3A_108 = arith.constant 0 : i32
        %dma_wait3A_109 = tpu.memref_slice %arg8[%dma_wait3A_107, %dma_wait3A_108] : memref<10240x128xf32, #tpu.memory_space<vmem_shared>> -> memref<10240x128xf32, #tpu.memory_space<vmem_shared>>
        tpu.wait_indirect_dma semaphore(%run_scoped3A_99 : memref<!tpu.dma_semaphore, #tpu.memory_space<semaphore_mem>>) src(%arg7 : memref<80x128xf32, #tpu.memory_space<vmem>>) dst(%dma_wait3A_109 : memref<10240x128xf32, #tpu.memory_space<vmem_shared>>)
        tpu.yield
      }) : () -> ()
      %mul3A_67 = arith.constant 5 : i32
      %mul3A_68 = arith.muli %scan3A_59, %mul3A_67 : i32
      %add3A_69 = arith.constant 1 : i32
      %add3A_70 = arith.addi %mul3A_68, %add3A_69 : i32
      %mul3A_71 = arith.constant 80 : i32
      %mul3A_72 = arith.muli %add3A_70, %mul3A_71 : i32
      %add3A_73 = arith.addi %mul3A_2, %mul3A_72 : i32
      "tpu.region"() ({
        %run_scoped3A_99 = tpu.sem_alloc : memref<!tpu.dma_semaphore, #tpu.memory_space<semaphore_mem>>
        %dma_start3A = arith.constant 0 : i32
        %dma_start3A_100 = tpu.memref_slice %arg2[%add3A_73, %dma_start3A] : memref<320000x128xf32, #tpu.memory_space<hbm>> -> memref<80x128xf32, #tpu.memory_space<hbm>>
        %dma_start3A_101 = arith.constant 0 : i32
        %dma_start3A_102 = tpu.memref_slice %arg2[%add3A_73, %dma_start3A_101] : memref<320000x128xf32, #tpu.memory_space<hbm>> -> memref<80x128xf32, #tpu.memory_space<hbm>>
        tpu.enqueue_dma source(%dma_start3A_102 : memref<80x128xf32, #tpu.memory_space<hbm>>) target(%arg7 : memref<80x128xf32, #tpu.memory_space<vmem>>) target_semaphore(%run_scoped3A_99 : memref<!tpu.dma_semaphore, #tpu.memory_space<semaphore_mem>>)
        %dma_wait3A = arith.constant 0 : i32
        %dma_wait3A_103 = tpu.memref_slice %arg2[%add3A_73, %dma_wait3A] : memref<320000x128xf32, #tpu.memory_space<hbm>> -> memref<80x128xf32, #tpu.memory_space<hbm>>
        %dma_wait3A_104 = arith.constant 0 : i32
        %dma_wait3A_105 = tpu.memref_slice %arg2[%add3A_73, %dma_wait3A_104] : memref<320000x128xf32, #tpu.memory_space<hbm>> -> memref<80x128xf32, #tpu.memory_space<hbm>>
        tpu.wait_dma2 semaphore(%run_scoped3A_99 : memref<!tpu.dma_semaphore, #tpu.memory_space<semaphore_mem>>) src(%dma_wait3A_105 : memref<80x128xf32, #tpu.memory_space<hbm>>) dst(%arg7 : memref<80x128xf32, #tpu.memory_space<vmem>>)
        tpu.yield
      }) : () -> ()
      %run_scoped3A_74 = arith.constant 1 : i32
      "tpu.region"() ({
        %run_scoped3A_99 = tpu.sem_alloc : memref<!tpu.dma_semaphore, #tpu.memory_space<semaphore_mem>>
        %dma_start3A = arith.constant 0 : i32
        %dma_start3A_100 = tpu.memref_slice %arg6[%run_scoped3A_74, %dma_start3A] : memref<5x80xi32, #tpu.memory_space<vmem>> -> memref<1x80xi32, #tpu.memory_space<vmem>>
        %dma_start3A_101 = tpu.memref_squeeze %dma_start3A_100 : memref<1x80xi32, #tpu.memory_space<vmem>> -> memref<80xi32, #tpu.memory_space<vmem>>
        %dma_start3A_102 = arith.constant 0 : i32
        %dma_start3A_103 = arith.constant 0 : i32
        %dma_start3A_104 = tpu.memref_slice %arg8[%dma_start3A_102, %dma_start3A_103] : memref<10240x128xf32, #tpu.memory_space<vmem_shared>> -> memref<10240x128xf32, #tpu.memory_space<vmem_shared>>
        tpu.enqueue_indirect_dma source(%arg7 : memref<80x128xf32, #tpu.memory_space<vmem>>) target(%dma_start3A_104 : memref<10240x128xf32, #tpu.memory_space<vmem_shared>>) offsets(%dma_start3A_101 : memref<80xi32, #tpu.memory_space<vmem>>) semaphore(%run_scoped3A_99 : memref<!tpu.dma_semaphore, #tpu.memory_space<semaphore_mem>>) {add = true}
        %dma_wait3A = arith.constant 0 : i32
        %dma_wait3A_105 = tpu.memref_slice %arg6[%run_scoped3A_74, %dma_wait3A] : memref<5x80xi32, #tpu.memory_space<vmem>> -> memref<1x80xi32, #tpu.memory_space<vmem>>
        %dma_wait3A_106 = tpu.memref_squeeze %dma_wait3A_105 : memref<1x80xi32, #tpu.memory_space<vmem>> -> memref<80xi32, #tpu.memory_space<vmem>>
        %dma_wait3A_107 = arith.constant 0 : i32
        %dma_wait3A_108 = arith.constant 0 : i32
        %dma_wait3A_109 = tpu.memref_slice %arg8[%dma_wait3A_107, %dma_wait3A_108] : memref<10240x128xf32, #tpu.memory_space<vmem_shared>> -> memref<10240x128xf32, #tpu.memory_space<vmem_shared>>
        tpu.wait_indirect_dma semaphore(%run_scoped3A_99 : memref<!tpu.dma_semaphore, #tpu.memory_space<semaphore_mem>>) src(%arg7 : memref<80x128xf32, #tpu.memory_space<vmem>>) dst(%dma_wait3A_109 : memref<10240x128xf32, #tpu.memory_space<vmem_shared>>)
        tpu.yield
      }) : () -> ()
      %mul3A_75 = arith.constant 5 : i32
      %mul3A_76 = arith.muli %scan3A_59, %mul3A_75 : i32
      %add3A_77 = arith.constant 2 : i32
      %add3A_78 = arith.addi %mul3A_76, %add3A_77 : i32
      %mul3A_79 = arith.constant 80 : i32
      %mul3A_80 = arith.muli %add3A_78, %mul3A_79 : i32
      %add3A_81 = arith.addi %mul3A_2, %mul3A_80 : i32
      "tpu.region"() ({
        %run_scoped3A_99 = tpu.sem_alloc : memref<!tpu.dma_semaphore, #tpu.memory_space<semaphore_mem>>
        %dma_start3A = arith.constant 0 : i32
        %dma_start3A_100 = tpu.memref_slice %arg2[%add3A_81, %dma_start3A] : memref<320000x128xf32, #tpu.memory_space<hbm>> -> memref<80x128xf32, #tpu.memory_space<hbm>>
        %dma_start3A_101 = arith.constant 0 : i32
        %dma_start3A_102 = tpu.memref_slice %arg2[%add3A_81, %dma_start3A_101] : memref<320000x128xf32, #tpu.memory_space<hbm>> -> memref<80x128xf32, #tpu.memory_space<hbm>>
        tpu.enqueue_dma source(%dma_start3A_102 : memref<80x128xf32, #tpu.memory_space<hbm>>) target(%arg7 : memref<80x128xf32, #tpu.memory_space<vmem>>) target_semaphore(%run_scoped3A_99 : memref<!tpu.dma_semaphore, #tpu.memory_space<semaphore_mem>>)
        %dma_wait3A = arith.constant 0 : i32
        %dma_wait3A_103 = tpu.memref_slice %arg2[%add3A_81, %dma_wait3A] : memref<320000x128xf32, #tpu.memory_space<hbm>> -> memref<80x128xf32, #tpu.memory_space<hbm>>
        %dma_wait3A_104 = arith.constant 0 : i32
        %dma_wait3A_105 = tpu.memref_slice %arg2[%add3A_81, %dma_wait3A_104] : memref<320000x128xf32, #tpu.memory_space<hbm>> -> memref<80x128xf32, #tpu.memory_space<hbm>>
        tpu.wait_dma2 semaphore(%run_scoped3A_99 : memref<!tpu.dma_semaphore, #tpu.memory_space<semaphore_mem>>) src(%dma_wait3A_105 : memref<80x128xf32, #tpu.memory_space<hbm>>) dst(%arg7 : memref<80x128xf32, #tpu.memory_space<vmem>>)
        tpu.yield
      }) : () -> ()
      %run_scoped3A_82 = arith.constant 2 : i32
      "tpu.region"() ({
        %run_scoped3A_99 = tpu.sem_alloc : memref<!tpu.dma_semaphore, #tpu.memory_space<semaphore_mem>>
        %dma_start3A = arith.constant 0 : i32
        %dma_start3A_100 = tpu.memref_slice %arg6[%run_scoped3A_82, %dma_start3A] : memref<5x80xi32, #tpu.memory_space<vmem>> -> memref<1x80xi32, #tpu.memory_space<vmem>>
        %dma_start3A_101 = tpu.memref_squeeze %dma_start3A_100 : memref<1x80xi32, #tpu.memory_space<vmem>> -> memref<80xi32, #tpu.memory_space<vmem>>
        %dma_start3A_102 = arith.constant 0 : i32
        %dma_start3A_103 = arith.constant 0 : i32
        %dma_start3A_104 = tpu.memref_slice %arg8[%dma_start3A_102, %dma_start3A_103] : memref<10240x128xf32, #tpu.memory_space<vmem_shared>> -> memref<10240x128xf32, #tpu.memory_space<vmem_shared>>
        tpu.enqueue_indirect_dma source(%arg7 : memref<80x128xf32, #tpu.memory_space<vmem>>) target(%dma_start3A_104 : memref<10240x128xf32, #tpu.memory_space<vmem_shared>>) offsets(%dma_start3A_101 : memref<80xi32, #tpu.memory_space<vmem>>) semaphore(%run_scoped3A_99 : memref<!tpu.dma_semaphore, #tpu.memory_space<semaphore_mem>>) {add = true}
        %dma_wait3A = arith.constant 0 : i32
        %dma_wait3A_105 = tpu.memref_slice %arg6[%run_scoped3A_82, %dma_wait3A] : memref<5x80xi32, #tpu.memory_space<vmem>> -> memref<1x80xi32, #tpu.memory_space<vmem>>
        %dma_wait3A_106 = tpu.memref_squeeze %dma_wait3A_105 : memref<1x80xi32, #tpu.memory_space<vmem>> -> memref<80xi32, #tpu.memory_space<vmem>>
        %dma_wait3A_107 = arith.constant 0 : i32
        %dma_wait3A_108 = arith.constant 0 : i32
        %dma_wait3A_109 = tpu.memref_slice %arg8[%dma_wait3A_107, %dma_wait3A_108] : memref<10240x128xf32, #tpu.memory_space<vmem_shared>> -> memref<10240x128xf32, #tpu.memory_space<vmem_shared>>
        tpu.wait_indirect_dma semaphore(%run_scoped3A_99 : memref<!tpu.dma_semaphore, #tpu.memory_space<semaphore_mem>>) src(%arg7 : memref<80x128xf32, #tpu.memory_space<vmem>>) dst(%dma_wait3A_109 : memref<10240x128xf32, #tpu.memory_space<vmem_shared>>)
        tpu.yield
      }) : () -> ()
      %mul3A_83 = arith.constant 5 : i32
      %mul3A_84 = arith.muli %scan3A_59, %mul3A_83 : i32
      %add3A_85 = arith.constant 3 : i32
      %add3A_86 = arith.addi %mul3A_84, %add3A_85 : i32
      %mul3A_87 = arith.constant 80 : i32
      %mul3A_88 = arith.muli %add3A_86, %mul3A_87 : i32
      %add3A_89 = arith.addi %mul3A_2, %mul3A_88 : i32
      "tpu.region"() ({
        %run_scoped3A_99 = tpu.sem_alloc : memref<!tpu.dma_semaphore, #tpu.memory_space<semaphore_mem>>
        %dma_start3A = arith.constant 0 : i32
        %dma_start3A_100 = tpu.memref_slice %arg2[%add3A_89, %dma_start3A] : memref<320000x128xf32, #tpu.memory_space<hbm>> -> memref<80x128xf32, #tpu.memory_space<hbm>>
        %dma_start3A_101 = arith.constant 0 : i32
        %dma_start3A_102 = tpu.memref_slice %arg2[%add3A_89, %dma_start3A_101] : memref<320000x128xf32, #tpu.memory_space<hbm>> -> memref<80x128xf32, #tpu.memory_space<hbm>>
        tpu.enqueue_dma source(%dma_start3A_102 : memref<80x128xf32, #tpu.memory_space<hbm>>) target(%arg7 : memref<80x128xf32, #tpu.memory_space<vmem>>) target_semaphore(%run_scoped3A_99 : memref<!tpu.dma_semaphore, #tpu.memory_space<semaphore_mem>>)
        %dma_wait3A = arith.constant 0 : i32
        %dma_wait3A_103 = tpu.memref_slice %arg2[%add3A_89, %dma_wait3A] : memref<320000x128xf32, #tpu.memory_space<hbm>> -> memref<80x128xf32, #tpu.memory_space<hbm>>
        %dma_wait3A_104 = arith.constant 0 : i32
        %dma_wait3A_105 = tpu.memref_slice %arg2[%add3A_89, %dma_wait3A_104] : memref<320000x128xf32, #tpu.memory_space<hbm>> -> memref<80x128xf32, #tpu.memory_space<hbm>>
        tpu.wait_dma2 semaphore(%run_scoped3A_99 : memref<!tpu.dma_semaphore, #tpu.memory_space<semaphore_mem>>) src(%dma_wait3A_105 : memref<80x128xf32, #tpu.memory_space<hbm>>) dst(%arg7 : memref<80x128xf32, #tpu.memory_space<vmem>>)
        tpu.yield
      }) : () -> ()
      %run_scoped3A_90 = arith.constant 3 : i32
      "tpu.region"() ({
        %run_scoped3A_99 = tpu.sem_alloc : memref<!tpu.dma_semaphore, #tpu.memory_space<semaphore_mem>>
        %dma_start3A = arith.constant 0 : i32
        %dma_start3A_100 = tpu.memref_slice %arg6[%run_scoped3A_90, %dma_start3A] : memref<5x80xi32, #tpu.memory_space<vmem>> -> memref<1x80xi32, #tpu.memory_space<vmem>>
        %dma_start3A_101 = tpu.memref_squeeze %dma_start3A_100 : memref<1x80xi32, #tpu.memory_space<vmem>> -> memref<80xi32, #tpu.memory_space<vmem>>
        %dma_start3A_102 = arith.constant 0 : i32
        %dma_start3A_103 = arith.constant 0 : i32
        %dma_start3A_104 = tpu.memref_slice %arg8[%dma_start3A_102, %dma_start3A_103] : memref<10240x128xf32, #tpu.memory_space<vmem_shared>> -> memref<10240x128xf32, #tpu.memory_space<vmem_shared>>
        tpu.enqueue_indirect_dma source(%arg7 : memref<80x128xf32, #tpu.memory_space<vmem>>) target(%dma_start3A_104 : memref<10240x128xf32, #tpu.memory_space<vmem_shared>>) offsets(%dma_start3A_101 : memref<80xi32, #tpu.memory_space<vmem>>) semaphore(%run_scoped3A_99 : memref<!tpu.dma_semaphore, #tpu.memory_space<semaphore_mem>>) {add = true}
        %dma_wait3A = arith.constant 0 : i32
        %dma_wait3A_105 = tpu.memref_slice %arg6[%run_scoped3A_90, %dma_wait3A] : memref<5x80xi32, #tpu.memory_space<vmem>> -> memref<1x80xi32, #tpu.memory_space<vmem>>
        %dma_wait3A_106 = tpu.memref_squeeze %dma_wait3A_105 : memref<1x80xi32, #tpu.memory_space<vmem>> -> memref<80xi32, #tpu.memory_space<vmem>>
        %dma_wait3A_107 = arith.constant 0 : i32
        %dma_wait3A_108 = arith.constant 0 : i32
        %dma_wait3A_109 = tpu.memref_slice %arg8[%dma_wait3A_107, %dma_wait3A_108] : memref<10240x128xf32, #tpu.memory_space<vmem_shared>> -> memref<10240x128xf32, #tpu.memory_space<vmem_shared>>
        tpu.wait_indirect_dma semaphore(%run_scoped3A_99 : memref<!tpu.dma_semaphore, #tpu.memory_space<semaphore_mem>>) src(%arg7 : memref<80x128xf32, #tpu.memory_space<vmem>>) dst(%dma_wait3A_109 : memref<10240x128xf32, #tpu.memory_space<vmem_shared>>)
        tpu.yield
      }) : () -> ()
      %mul3A_91 = arith.constant 5 : i32
      %mul3A_92 = arith.muli %scan3A_59, %mul3A_91 : i32
      %add3A_93 = arith.constant 4 : i32
      %add3A_94 = arith.addi %mul3A_92, %add3A_93 : i32
      %mul3A_95 = arith.constant 80 : i32
      %mul3A_96 = arith.muli %add3A_94, %mul3A_95 : i32
      %add3A_97 = arith.addi %mul3A_2, %mul3A_96 : i32
      "tpu.region"() ({
        %run_scoped3A_99 = tpu.sem_alloc : memref<!tpu.dma_semaphore, #tpu.memory_space<semaphore_mem>>
        %dma_start3A = arith.constant 0 : i32
        %dma_start3A_100 = tpu.memref_slice %arg2[%add3A_97, %dma_start3A] : memref<320000x128xf32, #tpu.memory_space<hbm>> -> memref<80x128xf32, #tpu.memory_space<hbm>>
        %dma_start3A_101 = arith.constant 0 : i32
        %dma_start3A_102 = tpu.memref_slice %arg2[%add3A_97, %dma_start3A_101] : memref<320000x128xf32, #tpu.memory_space<hbm>> -> memref<80x128xf32, #tpu.memory_space<hbm>>
        tpu.enqueue_dma source(%dma_start3A_102 : memref<80x128xf32, #tpu.memory_space<hbm>>) target(%arg7 : memref<80x128xf32, #tpu.memory_space<vmem>>) target_semaphore(%run_scoped3A_99 : memref<!tpu.dma_semaphore, #tpu.memory_space<semaphore_mem>>)
        %dma_wait3A = arith.constant 0 : i32
        %dma_wait3A_103 = tpu.memref_slice %arg2[%add3A_97, %dma_wait3A] : memref<320000x128xf32, #tpu.memory_space<hbm>> -> memref<80x128xf32, #tpu.memory_space<hbm>>
        %dma_wait3A_104 = arith.constant 0 : i32
        %dma_wait3A_105 = tpu.memref_slice %arg2[%add3A_97, %dma_wait3A_104] : memref<320000x128xf32, #tpu.memory_space<hbm>> -> memref<80x128xf32, #tpu.memory_space<hbm>>
        tpu.wait_dma2 semaphore(%run_scoped3A_99 : memref<!tpu.dma_semaphore, #tpu.memory_space<semaphore_mem>>) src(%dma_wait3A_105 : memref<80x128xf32, #tpu.memory_space<hbm>>) dst(%arg7 : memref<80x128xf32, #tpu.memory_space<vmem>>)
        tpu.yield
      }) : () -> ()
      %run_scoped3A_98 = arith.constant 4 : i32
      "tpu.region"() ({
        %run_scoped3A_99 = tpu.sem_alloc : memref<!tpu.dma_semaphore, #tpu.memory_space<semaphore_mem>>
        %dma_start3A = arith.constant 0 : i32
        %dma_start3A_100 = tpu.memref_slice %arg6[%run_scoped3A_98, %dma_start3A] : memref<5x80xi32, #tpu.memory_space<vmem>> -> memref<1x80xi32, #tpu.memory_space<vmem>>
        %dma_start3A_101 = tpu.memref_squeeze %dma_start3A_100 : memref<1x80xi32, #tpu.memory_space<vmem>> -> memref<80xi32, #tpu.memory_space<vmem>>
        %dma_start3A_102 = arith.constant 0 : i32
        %dma_start3A_103 = arith.constant 0 : i32
        %dma_start3A_104 = tpu.memref_slice %arg8[%dma_start3A_102, %dma_start3A_103] : memref<10240x128xf32, #tpu.memory_space<vmem_shared>> -> memref<10240x128xf32, #tpu.memory_space<vmem_shared>>
        tpu.enqueue_indirect_dma source(%arg7 : memref<80x128xf32, #tpu.memory_space<vmem>>) target(%dma_start3A_104 : memref<10240x128xf32, #tpu.memory_space<vmem_shared>>) offsets(%dma_start3A_101 : memref<80xi32, #tpu.memory_space<vmem>>) semaphore(%run_scoped3A_99 : memref<!tpu.dma_semaphore, #tpu.memory_space<semaphore_mem>>) {add = true}
        %dma_wait3A = arith.constant 0 : i32
        %dma_wait3A_105 = tpu.memref_slice %arg6[%run_scoped3A_98, %dma_wait3A] : memref<5x80xi32, #tpu.memory_space<vmem>> -> memref<1x80xi32, #tpu.memory_space<vmem>>
        %dma_wait3A_106 = tpu.memref_squeeze %dma_wait3A_105 : memref<1x80xi32, #tpu.memory_space<vmem>> -> memref<80xi32, #tpu.memory_space<vmem>>
        %dma_wait3A_107 = arith.constant 0 : i32
        %dma_wait3A_108 = arith.constant 0 : i32
        %dma_wait3A_109 = tpu.memref_slice %arg8[%dma_wait3A_107, %dma_wait3A_108] : memref<10240x128xf32, #tpu.memory_space<vmem_shared>> -> memref<10240x128xf32, #tpu.memory_space<vmem_shared>>
        tpu.wait_indirect_dma semaphore(%run_scoped3A_99 : memref<!tpu.dma_semaphore, #tpu.memory_space<semaphore_mem>>) src(%arg7 : memref<80x128xf32, #tpu.memory_space<vmem>>) dst(%dma_wait3A_109 : memref<10240x128xf32, #tpu.memory_space<vmem_shared>>)
        tpu.yield
      }) : () -> ()
    }
    %scan3A_25 = arith.constant 25 : i32
    %barrier3A_26 = arith.constant 0 : index
    tpu.barrier barrier_id(%barrier3A_26)
    %add3A_27 = arith.constant 0 : i32
    %add3A_28 = arith.addi %mul3A_4, %add3A_27 : i32
    "tpu.region"() ({
      %run_scoped3A = tpu.sem_alloc : memref<!tpu.dma_semaphore, #tpu.memory_space<semaphore_mem>>
      %dma_start3A = arith.constant 0 : i32
      %dma_start3A_59 = tpu.memref_slice %arg8[%add3A_28, %dma_start3A] : memref<10240x128xf32, #tpu.memory_space<vmem_shared>> -> memref<80x128xf32, #tpu.memory_space<vmem_shared>>
      %dma_start3A_60 = arith.constant 0 : i32
      %dma_start3A_61 = tpu.memref_slice %arg8[%add3A_28, %dma_start3A_60] : memref<10240x128xf32, #tpu.memory_space<vmem_shared>> -> memref<80x128xf32, #tpu.memory_space<vmem_shared>>
      tpu.enqueue_dma source(%dma_start3A_61 : memref<80x128xf32, #tpu.memory_space<vmem_shared>>) target(%arg7 : memref<80x128xf32, #tpu.memory_space<vmem>>) target_semaphore(%run_scoped3A : memref<!tpu.dma_semaphore, #tpu.memory_space<semaphore_mem>>)
      %dma_wait3A = arith.constant 0 : i32
      %dma_wait3A_62 = tpu.memref_slice %arg8[%add3A_28, %dma_wait3A] : memref<10240x128xf32, #tpu.memory_space<vmem_shared>> -> memref<80x128xf32, #tpu.memory_space<vmem_shared>>
      %dma_wait3A_63 = arith.constant 0 : i32
      %dma_wait3A_64 = tpu.memref_slice %arg8[%add3A_28, %dma_wait3A_63] : memref<10240x128xf32, #tpu.memory_space<vmem_shared>> -> memref<80x128xf32, #tpu.memory_space<vmem_shared>>
      tpu.wait_dma2 semaphore(%run_scoped3A : memref<!tpu.dma_semaphore, #tpu.memory_space<semaphore_mem>>) src(%dma_wait3A_64 : memref<80x128xf32, #tpu.memory_space<vmem_shared>>) dst(%arg7 : memref<80x128xf32, #tpu.memory_space<vmem>>)
      tpu.yield
    }) : () -> ()
    %add3A_29 = arith.constant 0 : i32
    %add3A_30 = arith.addi %mul3A_4, %add3A_29 : i32
    "tpu.region"() ({
      %run_scoped3A = tpu.sem_alloc : memref<!tpu.dma_semaphore, #tpu.memory_space<semaphore_mem>>
      %dma_start3A = arith.constant 0 : i32
      %dma_start3A_59 = tpu.memref_slice %arg5[%arg0, %add3A_30, %dma_start3A] : memref<2x10240x128xf32, #tpu.memory_space<hbm>> -> memref<1x80x128xf32, #tpu.memory_space<hbm>>
      %dma_start3A_60 = tpu.memref_squeeze %dma_start3A_59 : memref<1x80x128xf32, #tpu.memory_space<hbm>> -> memref<80x128xf32, #tpu.memory_space<hbm>>
      %dma_start3A_61 = arith.constant 0 : i32
      %dma_start3A_62 = tpu.memref_slice %arg5[%arg0, %add3A_30, %dma_start3A_61] : memref<2x10240x128xf32, #tpu.memory_space<hbm>> -> memref<1x80x128xf32, #tpu.memory_space<hbm>>
      %dma_start3A_63 = tpu.memref_squeeze %dma_start3A_62 : memref<1x80x128xf32, #tpu.memory_space<hbm>> -> memref<80x128xf32, #tpu.memory_space<hbm>>
      tpu.enqueue_dma source(%arg7 : memref<80x128xf32, #tpu.memory_space<vmem>>) target(%dma_start3A_63 : memref<80x128xf32, #tpu.memory_space<hbm>>) target_semaphore(%run_scoped3A : memref<!tpu.dma_semaphore, #tpu.memory_space<semaphore_mem>>)
      %dma_wait3A = arith.constant 0 : i32
      %dma_wait3A_64 = tpu.memref_slice %arg5[%arg0, %add3A_30, %dma_wait3A] : memref<2x10240x128xf32, #tpu.memory_space<hbm>> -> memref<1x80x128xf32, #tpu.memory_space<hbm>>
      %dma_wait3A_65 = tpu.memref_squeeze %dma_wait3A_64 : memref<1x80x128xf32, #tpu.memory_space<hbm>> -> memref<80x128xf32, #tpu.memory_space<hbm>>
      %dma_wait3A_66 = arith.constant 0 : i32
      %dma_wait3A_67 = tpu.memref_slice %arg5[%arg0, %add3A_30, %dma_wait3A_66] : memref<2x10240x128xf32, #tpu.memory_space<hbm>> -> memref<1x80x128xf32, #tpu.memory_space<hbm>>
      %dma_wait3A_68 = tpu.memref_squeeze %dma_wait3A_67 : memref<1x80x128xf32, #tpu.memory_space<hbm>> -> memref<80x128xf32, #tpu.memory_space<hbm>>
      tpu.wait_dma2 semaphore(%run_scoped3A : memref<!tpu.dma_semaphore, #tpu.memory_space<semaphore_mem>>) src(%arg7 : memref<80x128xf32, #tpu.memory_space<vmem>>) dst(%dma_wait3A_68 : memref<80x128xf32, #tpu.memory_space<hbm>>)
      tpu.yield
    }) : () -> ()
    %add3A_31 = arith.constant 80 : i32
    %add3A_32 = arith.addi %mul3A_4, %add3A_31 : i32
    "tpu.region"() ({
      %run_scoped3A = tpu.sem_alloc : memref<!tpu.dma_semaphore, #tpu.memory_space<semaphore_mem>>
      %dma_start3A = arith.constant 0 : i32
      %dma_start3A_59 = tpu.memref_slice %arg8[%add3A_32, %dma_start3A] : memref<10240x128xf32, #tpu.memory_space<vmem_shared>> -> memref<80x128xf32, #tpu.memory_space<vmem_shared>>
      %dma_start3A_60 = arith.constant 0 : i32
      %dma_start3A_61 = tpu.memref_slice %arg8[%add3A_32, %dma_start3A_60] : memref<10240x128xf32, #tpu.memory_space<vmem_shared>> -> memref<80x128xf32, #tpu.memory_space<vmem_shared>>
      tpu.enqueue_dma source(%dma_start3A_61 : memref<80x128xf32, #tpu.memory_space<vmem_shared>>) target(%arg7 : memref<80x128xf32, #tpu.memory_space<vmem>>) target_semaphore(%run_scoped3A : memref<!tpu.dma_semaphore, #tpu.memory_space<semaphore_mem>>)
      %dma_wait3A = arith.constant 0 : i32
      %dma_wait3A_62 = tpu.memref_slice %arg8[%add3A_32, %dma_wait3A] : memref<10240x128xf32, #tpu.memory_space<vmem_shared>> -> memref<80x128xf32, #tpu.memory_space<vmem_shared>>
      %dma_wait3A_63 = arith.constant 0 : i32
      %dma_wait3A_64 = tpu.memref_slice %arg8[%add3A_32, %dma_wait3A_63] : memref<10240x128xf32, #tpu.memory_space<vmem_shared>> -> memref<80x128xf32, #tpu.memory_space<vmem_shared>>
      tpu.wait_dma2 semaphore(%run_scoped3A : memref<!tpu.dma_semaphore, #tpu.memory_space<semaphore_mem>>) src(%dma_wait3A_64 : memref<80x128xf32, #tpu.memory_space<vmem_shared>>) dst(%arg7 : memref<80x128xf32, #tpu.memory_space<vmem>>)
      tpu.yield
    }) : () -> ()
    %add3A_33 = arith.constant 80 : i32
    %add3A_34 = arith.addi %mul3A_4, %add3A_33 : i32
    "tpu.region"() ({
      %run_scoped3A = tpu.sem_alloc : memref<!tpu.dma_semaphore, #tpu.memory_space<semaphore_mem>>
      %dma_start3A = arith.constant 0 : i32
      %dma_start3A_59 = tpu.memref_slice %arg5[%arg0, %add3A_34, %dma_start3A] : memref<2x10240x128xf32, #tpu.memory_space<hbm>> -> memref<1x80x128xf32, #tpu.memory_space<hbm>>
      %dma_start3A_60 = tpu.memref_squeeze %dma_start3A_59 : memref<1x80x128xf32, #tpu.memory_space<hbm>> -> memref<80x128xf32, #tpu.memory_space<hbm>>
      %dma_start3A_61 = arith.constant 0 : i32
      %dma_start3A_62 = tpu.memref_slice %arg5[%arg0, %add3A_34, %dma_start3A_61] : memref<2x10240x128xf32, #tpu.memory_space<hbm>> -> memref<1x80x128xf32, #tpu.memory_space<hbm>>
      %dma_start3A_63 = tpu.memref_squeeze %dma_start3A_62 : memref<1x80x128xf32, #tpu.memory_space<hbm>> -> memref<80x128xf32, #tpu.memory_space<hbm>>
      tpu.enqueue_dma source(%arg7 : memref<80x128xf32, #tpu.memory_space<vmem>>) target(%dma_start3A_63 : memref<80x128xf32, #tpu.memory_space<hbm>>) target_semaphore(%run_scoped3A : memref<!tpu.dma_semaphore, #tpu.memory_space<semaphore_mem>>)
      %dma_wait3A = arith.constant 0 : i32
      %dma_wait3A_64 = tpu.memref_slice %arg5[%arg0, %add3A_34, %dma_wait3A] : memref<2x10240x128xf32, #tpu.memory_space<hbm>> -> memref<1x80x128xf32, #tpu.memory_space<hbm>>
      %dma_wait3A_65 = tpu.memref_squeeze %dma_wait3A_64 : memref<1x80x128xf32, #tpu.memory_space<hbm>> -> memref<80x128xf32, #tpu.memory_space<hbm>>
      %dma_wait3A_66 = arith.constant 0 : i32
      %dma_wait3A_67 = tpu.memref_slice %arg5[%arg0, %add3A_34, %dma_wait3A_66] : memref<2x10240x128xf32, #tpu.memory_space<hbm>> -> memref<1x80x128xf32, #tpu.memory_space<hbm>>
      %dma_wait3A_68 = tpu.memref_squeeze %dma_wait3A_67 : memref<1x80x128xf32, #tpu.memory_space<hbm>> -> memref<80x128xf32, #tpu.memory_space<hbm>>
      tpu.wait_dma2 semaphore(%run_scoped3A : memref<!tpu.dma_semaphore, #tpu.memory_space<semaphore_mem>>) src(%arg7 : memref<80x128xf32, #tpu.memory_space<vmem>>) dst(%dma_wait3A_68 : memref<80x128xf32, #tpu.memory_space<hbm>>)
      tpu.yield
    }) : () -> ()
    %add3A_35 = arith.constant 160 : i32
    %add3A_36 = arith.addi %mul3A_4, %add3A_35 : i32
    "tpu.region"() ({
      %run_scoped3A = tpu.sem_alloc : memref<!tpu.dma_semaphore, #tpu.memory_space<semaphore_mem>>
      %dma_start3A = arith.constant 0 : i32
      %dma_start3A_59 = tpu.memref_slice %arg8[%add3A_36, %dma_start3A] : memref<10240x128xf32, #tpu.memory_space<vmem_shared>> -> memref<80x128xf32, #tpu.memory_space<vmem_shared>>
      %dma_start3A_60 = arith.constant 0 : i32
      %dma_start3A_61 = tpu.memref_slice %arg8[%add3A_36, %dma_start3A_60] : memref<10240x128xf32, #tpu.memory_space<vmem_shared>> -> memref<80x128xf32, #tpu.memory_space<vmem_shared>>
      tpu.enqueue_dma source(%dma_start3A_61 : memref<80x128xf32, #tpu.memory_space<vmem_shared>>) target(%arg7 : memref<80x128xf32, #tpu.memory_space<vmem>>) target_semaphore(%run_scoped3A : memref<!tpu.dma_semaphore, #tpu.memory_space<semaphore_mem>>)
      %dma_wait3A = arith.constant 0 : i32
      %dma_wait3A_62 = tpu.memref_slice %arg8[%add3A_36, %dma_wait3A] : memref<10240x128xf32, #tpu.memory_space<vmem_shared>> -> memref<80x128xf32, #tpu.memory_space<vmem_shared>>
      %dma_wait3A_63 = arith.constant 0 : i32
      %dma_wait3A_64 = tpu.memref_slice %arg8[%add3A_36, %dma_wait3A_63] : memref<10240x128xf32, #tpu.memory_space<vmem_shared>> -> memref<80x128xf32, #tpu.memory_space<vmem_shared>>
      tpu.wait_dma2 semaphore(%run_scoped3A : memref<!tpu.dma_semaphore, #tpu.memory_space<semaphore_mem>>) src(%dma_wait3A_64 : memref<80x128xf32, #tpu.memory_space<vmem_shared>>) dst(%arg7 : memref<80x128xf32, #tpu.memory_space<vmem>>)
      tpu.yield
    }) : () -> ()
    %add3A_37 = arith.constant 160 : i32
    %add3A_38 = arith.addi %mul3A_4, %add3A_37 : i32
    "tpu.region"() ({
      %run_scoped3A = tpu.sem_alloc : memref<!tpu.dma_semaphore, #tpu.memory_space<semaphore_mem>>
      %dma_start3A = arith.constant 0 : i32
      %dma_start3A_59 = tpu.memref_slice %arg5[%arg0, %add3A_38, %dma_start3A] : memref<2x10240x128xf32, #tpu.memory_space<hbm>> -> memref<1x80x128xf32, #tpu.memory_space<hbm>>
      %dma_start3A_60 = tpu.memref_squeeze %dma_start3A_59 : memref<1x80x128xf32, #tpu.memory_space<hbm>> -> memref<80x128xf32, #tpu.memory_space<hbm>>
      %dma_start3A_61 = arith.constant 0 : i32
      %dma_start3A_62 = tpu.memref_slice %arg5[%arg0, %add3A_38, %dma_start3A_61] : memref<2x10240x128xf32, #tpu.memory_space<hbm>> -> memref<1x80x128xf32, #tpu.memory_space<hbm>>
      %dma_start3A_63 = tpu.memref_squeeze %dma_start3A_62 : memref<1x80x128xf32, #tpu.memory_space<hbm>> -> memref<80x128xf32, #tpu.memory_space<hbm>>
      tpu.enqueue_dma source(%arg7 : memref<80x128xf32, #tpu.memory_space<vmem>>) target(%dma_start3A_63 : memref<80x128xf32, #tpu.memory_space<hbm>>) target_semaphore(%run_scoped3A : memref<!tpu.dma_semaphore, #tpu.memory_space<semaphore_mem>>)
      %dma_wait3A = arith.constant 0 : i32
      %dma_wait3A_64 = tpu.memref_slice %arg5[%arg0, %add3A_38, %dma_wait3A] : memref<2x10240x128xf32, #tpu.memory_space<hbm>> -> memref<1x80x128xf32, #tpu.memory_space<hbm>>
      %dma_wait3A_65 = tpu.memref_squeeze %dma_wait3A_64 : memref<1x80x128xf32, #tpu.memory_space<hbm>> -> memref<80x128xf32, #tpu.memory_space<hbm>>
      %dma_wait3A_66 = arith.constant 0 : i32
      %dma_wait3A_67 = tpu.memref_slice %arg5[%arg0, %add3A_38, %dma_wait3A_66] : memref<2x10240x128xf32, #tpu.memory_space<hbm>> -> memref<1x80x128xf32, #tpu.memory_space<hbm>>
      %dma_wait3A_68 = tpu.memref_squeeze %dma_wait3A_67 : memref<1x80x128xf32, #tpu.memory_space<hbm>> -> memref<80x128xf32, #tpu.memory_space<hbm>>
      tpu.wait_dma2 semaphore(%run_scoped3A : memref<!tpu.dma_semaphore, #tpu.memory_space<semaphore_mem>>) src(%arg7 : memref<80x128xf32, #tpu.memory_space<vmem>>) dst(%dma_wait3A_68 : memref<80x128xf32, #tpu.memory_space<hbm>>)
      tpu.yield
    }) : () -> ()
    %add3A_39 = arith.constant 240 : i32
    %add3A_40 = arith.addi %mul3A_4, %add3A_39 : i32
    "tpu.region"() ({
      %run_scoped3A = tpu.sem_alloc : memref<!tpu.dma_semaphore, #tpu.memory_space<semaphore_mem>>
      %dma_start3A = arith.constant 0 : i32
      %dma_start3A_59 = tpu.memref_slice %arg8[%add3A_40, %dma_start3A] : memref<10240x128xf32, #tpu.memory_space<vmem_shared>> -> memref<80x128xf32, #tpu.memory_space<vmem_shared>>
      %dma_start3A_60 = arith.constant 0 : i32
      %dma_start3A_61 = tpu.memref_slice %arg8[%add3A_40, %dma_start3A_60] : memref<10240x128xf32, #tpu.memory_space<vmem_shared>> -> memref<80x128xf32, #tpu.memory_space<vmem_shared>>
      tpu.enqueue_dma source(%dma_start3A_61 : memref<80x128xf32, #tpu.memory_space<vmem_shared>>) target(%arg7 : memref<80x128xf32, #tpu.memory_space<vmem>>) target_semaphore(%run_scoped3A : memref<!tpu.dma_semaphore, #tpu.memory_space<semaphore_mem>>)
      %dma_wait3A = arith.constant 0 : i32
      %dma_wait3A_62 = tpu.memref_slice %arg8[%add3A_40, %dma_wait3A] : memref<10240x128xf32, #tpu.memory_space<vmem_shared>> -> memref<80x128xf32, #tpu.memory_space<vmem_shared>>
      %dma_wait3A_63 = arith.constant 0 : i32
      %dma_wait3A_64 = tpu.memref_slice %arg8[%add3A_40, %dma_wait3A_63] : memref<10240x128xf32, #tpu.memory_space<vmem_shared>> -> memref<80x128xf32, #tpu.memory_space<vmem_shared>>
      tpu.wait_dma2 semaphore(%run_scoped3A : memref<!tpu.dma_semaphore, #tpu.memory_space<semaphore_mem>>) src(%dma_wait3A_64 : memref<80x128xf32, #tpu.memory_space<vmem_shared>>) dst(%arg7 : memref<80x128xf32, #tpu.memory_space<vmem>>)
      tpu.yield
    }) : () -> ()
    %add3A_41 = arith.constant 240 : i32
    %add3A_42 = arith.addi %mul3A_4, %add3A_41 : i32
    "tpu.region"() ({
      %run_scoped3A = tpu.sem_alloc : memref<!tpu.dma_semaphore, #tpu.memory_space<semaphore_mem>>
      %dma_start3A = arith.constant 0 : i32
      %dma_start3A_59 = tpu.memref_slice %arg5[%arg0, %add3A_42, %dma_start3A] : memref<2x10240x128xf32, #tpu.memory_space<hbm>> -> memref<1x80x128xf32, #tpu.memory_space<hbm>>
      %dma_start3A_60 = tpu.memref_squeeze %dma_start3A_59 : memref<1x80x128xf32, #tpu.memory_space<hbm>> -> memref<80x128xf32, #tpu.memory_space<hbm>>
      %dma_start3A_61 = arith.constant 0 : i32
      %dma_start3A_62 = tpu.memref_slice %arg5[%arg0, %add3A_42, %dma_start3A_61] : memref<2x10240x128xf32, #tpu.memory_space<hbm>> -> memref<1x80x128xf32, #tpu.memory_space<hbm>>
      %dma_start3A_63 = tpu.memref_squeeze %dma_start3A_62 : memref<1x80x128xf32, #tpu.memory_space<hbm>> -> memref<80x128xf32, #tpu.memory_space<hbm>>
      tpu.enqueue_dma source(%arg7 : memref<80x128xf32, #tpu.memory_space<vmem>>) target(%dma_start3A_63 : memref<80x128xf32, #tpu.memory_space<hbm>>) target_semaphore(%run_scoped3A : memref<!tpu.dma_semaphore, #tpu.memory_space<semaphore_mem>>)
      %dma_wait3A = arith.constant 0 : i32
      %dma_wait3A_64 = tpu.memref_slice %arg5[%arg0, %add3A_42, %dma_wait3A] : memref<2x10240x128xf32, #tpu.memory_space<hbm>> -> memref<1x80x128xf32, #tpu.memory_space<hbm>>
      %dma_wait3A_65 = tpu.memref_squeeze %dma_wait3A_64 : memref<1x80x128xf32, #tpu.memory_space<hbm>> -> memref<80x128xf32, #tpu.memory_space<hbm>>
      %dma_wait3A_66 = arith.constant 0 : i32
      %dma_wait3A_67 = tpu.memref_slice %arg5[%arg0, %add3A_42, %dma_wait3A_66] : memref<2x10240x128xf32, #tpu.memory_space<hbm>> -> memref<1x80x128xf32, #tpu.memory_space<hbm>>
      %dma_wait3A_68 = tpu.memref_squeeze %dma_wait3A_67 : memref<1x80x128xf32, #tpu.memory_space<hbm>> -> memref<80x128xf32, #tpu.memory_space<hbm>>
      tpu.wait_dma2 semaphore(%run_scoped3A : memref<!tpu.dma_semaphore, #tpu.memory_space<semaphore_mem>>) src(%arg7 : memref<80x128xf32, #tpu.memory_space<vmem>>) dst(%dma_wait3A_68 : memref<80x128xf32, #tpu.memory_space<hbm>>)
      tpu.yield
    }) : () -> ()
    %add3A_43 = arith.constant 320 : i32
    %add3A_44 = arith.addi %mul3A_4, %add3A_43 : i32
    "tpu.region"() ({
      %run_scoped3A = tpu.sem_alloc : memref<!tpu.dma_semaphore, #tpu.memory_space<semaphore_mem>>
      %dma_start3A = arith.constant 0 : i32
      %dma_start3A_59 = tpu.memref_slice %arg8[%add3A_44, %dma_start3A] : memref<10240x128xf32, #tpu.memory_space<vmem_shared>> -> memref<80x128xf32, #tpu.memory_space<vmem_shared>>
      %dma_start3A_60 = arith.constant 0 : i32
      %dma_start3A_61 = tpu.memref_slice %arg8[%add3A_44, %dma_start3A_60] : memref<10240x128xf32, #tpu.memory_space<vmem_shared>> -> memref<80x128xf32, #tpu.memory_space<vmem_shared>>
      tpu.enqueue_dma source(%dma_start3A_61 : memref<80x128xf32, #tpu.memory_space<vmem_shared>>) target(%arg7 : memref<80x128xf32, #tpu.memory_space<vmem>>) target_semaphore(%run_scoped3A : memref<!tpu.dma_semaphore, #tpu.memory_space<semaphore_mem>>)
      %dma_wait3A = arith.constant 0 : i32
      %dma_wait3A_62 = tpu.memref_slice %arg8[%add3A_44, %dma_wait3A] : memref<10240x128xf32, #tpu.memory_space<vmem_shared>> -> memref<80x128xf32, #tpu.memory_space<vmem_shared>>
      %dma_wait3A_63 = arith.constant 0 : i32
      %dma_wait3A_64 = tpu.memref_slice %arg8[%add3A_44, %dma_wait3A_63] : memref<10240x128xf32, #tpu.memory_space<vmem_shared>> -> memref<80x128xf32, #tpu.memory_space<vmem_shared>>
      tpu.wait_dma2 semaphore(%run_scoped3A : memref<!tpu.dma_semaphore, #tpu.memory_space<semaphore_mem>>) src(%dma_wait3A_64 : memref<80x128xf32, #tpu.memory_space<vmem_shared>>) dst(%arg7 : memref<80x128xf32, #tpu.memory_space<vmem>>)
      tpu.yield
    }) : () -> ()
    %add3A_45 = arith.constant 320 : i32
    %add3A_46 = arith.addi %mul3A_4, %add3A_45 : i32
    "tpu.region"() ({
      %run_scoped3A = tpu.sem_alloc : memref<!tpu.dma_semaphore, #tpu.memory_space<semaphore_mem>>
      %dma_start3A = arith.constant 0 : i32
      %dma_start3A_59 = tpu.memref_slice %arg5[%arg0, %add3A_46, %dma_start3A] : memref<2x10240x128xf32, #tpu.memory_space<hbm>> -> memref<1x80x128xf32, #tpu.memory_space<hbm>>
      %dma_start3A_60 = tpu.memref_squeeze %dma_start3A_59 : memref<1x80x128xf32, #tpu.memory_space<hbm>> -> memref<80x128xf32, #tpu.memory_space<hbm>>
      %dma_start3A_61 = arith.constant 0 : i32
      %dma_start3A_62 = tpu.memref_slice %arg5[%arg0, %add3A_46, %dma_start3A_61] : memref<2x10240x128xf32, #tpu.memory_space<hbm>> -> memref<1x80x128xf32, #tpu.memory_space<hbm>>
      %dma_start3A_63 = tpu.memref_squeeze %dma_start3A_62 : memref<1x80x128xf32, #tpu.memory_space<hbm>> -> memref<80x128xf32, #tpu.memory_space<hbm>>
      tpu.enqueue_dma source(%arg7 : memref<80x128xf32, #tpu.memory_space<vmem>>) target(%dma_start3A_63 : memref<80x128xf32, #tpu.memory_space<hbm>>) target_semaphore(%run_scoped3A : memref<!tpu.dma_semaphore, #tpu.memory_space<semaphore_mem>>)
      %dma_wait3A = arith.constant 0 : i32
      %dma_wait3A_64 = tpu.memref_slice %arg5[%arg0, %add3A_46, %dma_wait3A] : memref<2x10240x128xf32, #tpu.memory_space<hbm>> -> memref<1x80x128xf32, #tpu.memory_space<hbm>>
      %dma_wait3A_65 = tpu.memref_squeeze %dma_wait3A_64 : memref<1x80x128xf32, #tpu.memory_space<hbm>> -> memref<80x128xf32, #tpu.memory_space<hbm>>
      %dma_wait3A_66 = arith.constant 0 : i32
      %dma_wait3A_67 = tpu.memref_slice %arg5[%arg0, %add3A_46, %dma_wait3A_66] : memref<2x10240x128xf32, #tpu.memory_space<hbm>> -> memref<1x80x128xf32, #tpu.memory_space<hbm>>
      %dma_wait3A_68 = tpu.memref_squeeze %dma_wait3A_67 : memref<1x80x128xf32, #tpu.memory_space<hbm>> -> memref<80x128xf32, #tpu.memory_space<hbm>>
      tpu.wait_dma2 semaphore(%run_scoped3A : memref<!tpu.dma_semaphore, #tpu.memory_space<semaphore_mem>>) src(%arg7 : memref<80x128xf32, #tpu.memory_space<vmem>>) dst(%dma_wait3A_68 : memref<80x128xf32, #tpu.memory_space<hbm>>)
      tpu.yield
    }) : () -> ()
    %add3A_47 = arith.constant 400 : i32
    %add3A_48 = arith.addi %mul3A_4, %add3A_47 : i32
    "tpu.region"() ({
      %run_scoped3A = tpu.sem_alloc : memref<!tpu.dma_semaphore, #tpu.memory_space<semaphore_mem>>
      %dma_start3A = arith.constant 0 : i32
      %dma_start3A_59 = tpu.memref_slice %arg8[%add3A_48, %dma_start3A] : memref<10240x128xf32, #tpu.memory_space<vmem_shared>> -> memref<80x128xf32, #tpu.memory_space<vmem_shared>>
      %dma_start3A_60 = arith.constant 0 : i32
      %dma_start3A_61 = tpu.memref_slice %arg8[%add3A_48, %dma_start3A_60] : memref<10240x128xf32, #tpu.memory_space<vmem_shared>> -> memref<80x128xf32, #tpu.memory_space<vmem_shared>>
      tpu.enqueue_dma source(%dma_start3A_61 : memref<80x128xf32, #tpu.memory_space<vmem_shared>>) target(%arg7 : memref<80x128xf32, #tpu.memory_space<vmem>>) target_semaphore(%run_scoped3A : memref<!tpu.dma_semaphore, #tpu.memory_space<semaphore_mem>>)
      %dma_wait3A = arith.constant 0 : i32
      %dma_wait3A_62 = tpu.memref_slice %arg8[%add3A_48, %dma_wait3A] : memref<10240x128xf32, #tpu.memory_space<vmem_shared>> -> memref<80x128xf32, #tpu.memory_space<vmem_shared>>
      %dma_wait3A_63 = arith.constant 0 : i32
      %dma_wait3A_64 = tpu.memref_slice %arg8[%add3A_48, %dma_wait3A_63] : memref<10240x128xf32, #tpu.memory_space<vmem_shared>> -> memref<80x128xf32, #tpu.memory_space<vmem_shared>>
      tpu.wait_dma2 semaphore(%run_scoped3A : memref<!tpu.dma_semaphore, #tpu.memory_space<semaphore_mem>>) src(%dma_wait3A_64 : memref<80x128xf32, #tpu.memory_space<vmem_shared>>) dst(%arg7 : memref<80x128xf32, #tpu.memory_space<vmem>>)
      tpu.yield
    }) : () -> ()
    %add3A_49 = arith.constant 400 : i32
    %add3A_50 = arith.addi %mul3A_4, %add3A_49 : i32
    "tpu.region"() ({
      %run_scoped3A = tpu.sem_alloc : memref<!tpu.dma_semaphore, #tpu.memory_space<semaphore_mem>>
      %dma_start3A = arith.constant 0 : i32
      %dma_start3A_59 = tpu.memref_slice %arg5[%arg0, %add3A_50, %dma_start3A] : memref<2x10240x128xf32, #tpu.memory_space<hbm>> -> memref<1x80x128xf32, #tpu.memory_space<hbm>>
      %dma_start3A_60 = tpu.memref_squeeze %dma_start3A_59 : memref<1x80x128xf32, #tpu.memory_space<hbm>> -> memref<80x128xf32, #tpu.memory_space<hbm>>
      %dma_start3A_61 = arith.constant 0 : i32
      %dma_start3A_62 = tpu.memref_slice %arg5[%arg0, %add3A_50, %dma_start3A_61] : memref<2x10240x128xf32, #tpu.memory_space<hbm>> -> memref<1x80x128xf32, #tpu.memory_space<hbm>>
      %dma_start3A_63 = tpu.memref_squeeze %dma_start3A_62 : memref<1x80x128xf32, #tpu.memory_space<hbm>> -> memref<80x128xf32, #tpu.memory_space<hbm>>
      tpu.enqueue_dma source(%arg7 : memref<80x128xf32, #tpu.memory_space<vmem>>) target(%dma_start3A_63 : memref<80x128xf32, #tpu.memory_space<hbm>>) target_semaphore(%run_scoped3A : memref<!tpu.dma_semaphore, #tpu.memory_space<semaphore_mem>>)
      %dma_wait3A = arith.constant 0 : i32
      %dma_wait3A_64 = tpu.memref_slice %arg5[%arg0, %add3A_50, %dma_wait3A] : memref<2x10240x128xf32, #tpu.memory_space<hbm>> -> memref<1x80x128xf32, #tpu.memory_space<hbm>>
      %dma_wait3A_65 = tpu.memref_squeeze %dma_wait3A_64 : memref<1x80x128xf32, #tpu.memory_space<hbm>> -> memref<80x128xf32, #tpu.memory_space<hbm>>
      %dma_wait3A_66 = arith.constant 0 : i32
      %dma_wait3A_67 = tpu.memref_slice %arg5[%arg0, %add3A_50, %dma_wait3A_66] : memref<2x10240x128xf32, #tpu.memory_space<hbm>> -> memref<1x80x128xf32, #tpu.memory_space<hbm>>
      %dma_wait3A_68 = tpu.memref_squeeze %dma_wait3A_67 : memref<1x80x128xf32, #tpu.memory_space<hbm>> -> memref<80x128xf32, #tpu.memory_space<hbm>>
      tpu.wait_dma2 semaphore(%run_scoped3A : memref<!tpu.dma_semaphore, #tpu.memory_space<semaphore_mem>>) src(%arg7 : memref<80x128xf32, #tpu.memory_space<vmem>>) dst(%dma_wait3A_68 : memref<80x128xf32, #tpu.memory_space<hbm>>)
      tpu.yield
    }) : () -> ()
    %add3A_51 = arith.constant 480 : i32
    %add3A_52 = arith.addi %mul3A_4, %add3A_51 : i32
    "tpu.region"() ({
      %run_scoped3A = tpu.sem_alloc : memref<!tpu.dma_semaphore, #tpu.memory_space<semaphore_mem>>
      %dma_start3A = arith.constant 0 : i32
      %dma_start3A_59 = tpu.memref_slice %arg8[%add3A_52, %dma_start3A] : memref<10240x128xf32, #tpu.memory_space<vmem_shared>> -> memref<80x128xf32, #tpu.memory_space<vmem_shared>>
      %dma_start3A_60 = arith.constant 0 : i32
      %dma_start3A_61 = tpu.memref_slice %arg8[%add3A_52, %dma_start3A_60] : memref<10240x128xf32, #tpu.memory_space<vmem_shared>> -> memref<80x128xf32, #tpu.memory_space<vmem_shared>>
      tpu.enqueue_dma source(%dma_start3A_61 : memref<80x128xf32, #tpu.memory_space<vmem_shared>>) target(%arg7 : memref<80x128xf32, #tpu.memory_space<vmem>>) target_semaphore(%run_scoped3A : memref<!tpu.dma_semaphore, #tpu.memory_space<semaphore_mem>>)
      %dma_wait3A = arith.constant 0 : i32
      %dma_wait3A_62 = tpu.memref_slice %arg8[%add3A_52, %dma_wait3A] : memref<10240x128xf32, #tpu.memory_space<vmem_shared>> -> memref<80x128xf32, #tpu.memory_space<vmem_shared>>
      %dma_wait3A_63 = arith.constant 0 : i32
      %dma_wait3A_64 = tpu.memref_slice %arg8[%add3A_52, %dma_wait3A_63] : memref<10240x128xf32, #tpu.memory_space<vmem_shared>> -> memref<80x128xf32, #tpu.memory_space<vmem_shared>>
      tpu.wait_dma2 semaphore(%run_scoped3A : memref<!tpu.dma_semaphore, #tpu.memory_space<semaphore_mem>>) src(%dma_wait3A_64 : memref<80x128xf32, #tpu.memory_space<vmem_shared>>) dst(%arg7 : memref<80x128xf32, #tpu.memory_space<vmem>>)
      tpu.yield
    }) : () -> ()
    %add3A_53 = arith.constant 480 : i32
    %add3A_54 = arith.addi %mul3A_4, %add3A_53 : i32
    "tpu.region"() ({
      %run_scoped3A = tpu.sem_alloc : memref<!tpu.dma_semaphore, #tpu.memory_space<semaphore_mem>>
      %dma_start3A = arith.constant 0 : i32
      %dma_start3A_59 = tpu.memref_slice %arg5[%arg0, %add3A_54, %dma_start3A] : memref<2x10240x128xf32, #tpu.memory_space<hbm>> -> memref<1x80x128xf32, #tpu.memory_space<hbm>>
      %dma_start3A_60 = tpu.memref_squeeze %dma_start3A_59 : memref<1x80x128xf32, #tpu.memory_space<hbm>> -> memref<80x128xf32, #tpu.memory_space<hbm>>
      %dma_start3A_61 = arith.constant 0 : i32
      %dma_start3A_62 = tpu.memref_slice %arg5[%arg0, %add3A_54, %dma_start3A_61] : memref<2x10240x128xf32, #tpu.memory_space<hbm>> -> memref<1x80x128xf32, #tpu.memory_space<hbm>>
      %dma_start3A_63 = tpu.memref_squeeze %dma_start3A_62 : memref<1x80x128xf32, #tpu.memory_space<hbm>> -> memref<80x128xf32, #tpu.memory_space<hbm>>
      tpu.enqueue_dma source(%arg7 : memref<80x128xf32, #tpu.memory_space<vmem>>) target(%dma_start3A_63 : memref<80x128xf32, #tpu.memory_space<hbm>>) target_semaphore(%run_scoped3A : memref<!tpu.dma_semaphore, #tpu.memory_space<semaphore_mem>>)
      %dma_wait3A = arith.constant 0 : i32
      %dma_wait3A_64 = tpu.memref_slice %arg5[%arg0, %add3A_54, %dma_wait3A] : memref<2x10240x128xf32, #tpu.memory_space<hbm>> -> memref<1x80x128xf32, #tpu.memory_space<hbm>>
      %dma_wait3A_65 = tpu.memref_squeeze %dma_wait3A_64 : memref<1x80x128xf32, #tpu.memory_space<hbm>> -> memref<80x128xf32, #tpu.memory_space<hbm>>
      %dma_wait3A_66 = arith.constant 0 : i32
      %dma_wait3A_67 = tpu.memref_slice %arg5[%arg0, %add3A_54, %dma_wait3A_66] : memref<2x10240x128xf32, #tpu.memory_space<hbm>> -> memref<1x80x128xf32, #tpu.memory_space<hbm>>
      %dma_wait3A_68 = tpu.memref_squeeze %dma_wait3A_67 : memref<1x80x128xf32, #tpu.memory_space<hbm>> -> memref<80x128xf32, #tpu.memory_space<hbm>>
      tpu.wait_dma2 semaphore(%run_scoped3A : memref<!tpu.dma_semaphore, #tpu.memory_space<semaphore_mem>>) src(%arg7 : memref<80x128xf32, #tpu.memory_space<vmem>>) dst(%dma_wait3A_68 : memref<80x128xf32, #tpu.memory_space<hbm>>)
      tpu.yield
    }) : () -> ()
    %add3A_55 = arith.constant 560 : i32
    %add3A_56 = arith.addi %mul3A_4, %add3A_55 : i32
    "tpu.region"() ({
      %run_scoped3A = tpu.sem_alloc : memref<!tpu.dma_semaphore, #tpu.memory_space<semaphore_mem>>
      %dma_start3A = arith.constant 0 : i32
      %dma_start3A_59 = tpu.memref_slice %arg8[%add3A_56, %dma_start3A] : memref<10240x128xf32, #tpu.memory_space<vmem_shared>> -> memref<80x128xf32, #tpu.memory_space<vmem_shared>>
      %dma_start3A_60 = arith.constant 0 : i32
      %dma_start3A_61 = tpu.memref_slice %arg8[%add3A_56, %dma_start3A_60] : memref<10240x128xf32, #tpu.memory_space<vmem_shared>> -> memref<80x128xf32, #tpu.memory_space<vmem_shared>>
      tpu.enqueue_dma source(%dma_start3A_61 : memref<80x128xf32, #tpu.memory_space<vmem_shared>>) target(%arg7 : memref<80x128xf32, #tpu.memory_space<vmem>>) target_semaphore(%run_scoped3A : memref<!tpu.dma_semaphore, #tpu.memory_space<semaphore_mem>>)
      %dma_wait3A = arith.constant 0 : i32
      %dma_wait3A_62 = tpu.memref_slice %arg8[%add3A_56, %dma_wait3A] : memref<10240x128xf32, #tpu.memory_space<vmem_shared>> -> memref<80x128xf32, #tpu.memory_space<vmem_shared>>
      %dma_wait3A_63 = arith.constant 0 : i32
      %dma_wait3A_64 = tpu.memref_slice %arg8[%add3A_56, %dma_wait3A_63] : memref<10240x128xf32, #tpu.memory_space<vmem_shared>> -> memref<80x128xf32, #tpu.memory_space<vmem_shared>>
      tpu.wait_dma2 semaphore(%run_scoped3A : memref<!tpu.dma_semaphore, #tpu.memory_space<semaphore_mem>>) src(%dma_wait3A_64 : memref<80x128xf32, #tpu.memory_space<vmem_shared>>) dst(%arg7 : memref<80x128xf32, #tpu.memory_space<vmem>>)
      tpu.yield
    }) : () -> ()
    %add3A_57 = arith.constant 560 : i32
    %add3A_58 = arith.addi %mul3A_4, %add3A_57 : i32
    "tpu.region"() ({
      %run_scoped3A = tpu.sem_alloc : memref<!tpu.dma_semaphore, #tpu.memory_space<semaphore_mem>>
      %dma_start3A = arith.constant 0 : i32
      %dma_start3A_59 = tpu.memref_slice %arg5[%arg0, %add3A_58, %dma_start3A] : memref<2x10240x128xf32, #tpu.memory_space<hbm>> -> memref<1x80x128xf32, #tpu.memory_space<hbm>>
      %dma_start3A_60 = tpu.memref_squeeze %dma_start3A_59 : memref<1x80x128xf32, #tpu.memory_space<hbm>> -> memref<80x128xf32, #tpu.memory_space<hbm>>
      %dma_start3A_61 = arith.constant 0 : i32
      %dma_start3A_62 = tpu.memref_slice %arg5[%arg0, %add3A_58, %dma_start3A_61] : memref<2x10240x128xf32, #tpu.memory_space<hbm>> -> memref<1x80x128xf32, #tpu.memory_space<hbm>>
      %dma_start3A_63 = tpu.memref_squeeze %dma_start3A_62 : memref<1x80x128xf32, #tpu.memory_space<hbm>> -> memref<80x128xf32, #tpu.memory_space<hbm>>
      tpu.enqueue_dma source(%arg7 : memref<80x128xf32, #tpu.memory_space<vmem>>) target(%dma_start3A_63 : memref<80x128xf32, #tpu.memory_space<hbm>>) target_semaphore(%run_scoped3A : memref<!tpu.dma_semaphore, #tpu.memory_space<semaphore_mem>>)
      %dma_wait3A = arith.constant 0 : i32
      %dma_wait3A_64 = tpu.memref_slice %arg5[%arg0, %add3A_58, %dma_wait3A] : memref<2x10240x128xf32, #tpu.memory_space<hbm>> -> memref<1x80x128xf32, #tpu.memory_space<hbm>>
      %dma_wait3A_65 = tpu.memref_squeeze %dma_wait3A_64 : memref<1x80x128xf32, #tpu.memory_space<hbm>> -> memref<80x128xf32, #tpu.memory_space<hbm>>
      %dma_wait3A_66 = arith.constant 0 : i32
      %dma_wait3A_67 = tpu.memref_slice %arg5[%arg0, %add3A_58, %dma_wait3A_66] : memref<2x10240x128xf32, #tpu.memory_space<hbm>> -> memref<1x80x128xf32, #tpu.memory_space<hbm>>
      %dma_wait3A_68 = tpu.memref_squeeze %dma_wait3A_67 : memref<1x80x128xf32, #tpu.memory_space<hbm>> -> memref<80x128xf32, #tpu.memory_space<hbm>>
      tpu.wait_dma2 semaphore(%run_scoped3A : memref<!tpu.dma_semaphore, #tpu.memory_space<semaphore_mem>>) src(%arg7 : memref<80x128xf32, #tpu.memory_space<vmem>>) dst(%dma_wait3A_68 : memref<80x128xf32, #tpu.memory_space<hbm>>)
      tpu.yield
    }) : () -> ()
    return
  }
}

#map = affine_map<(d0, d1) -> (0, 0, 0, 0)>
#map1 = affine_map<(d0, d1) -> (0, 0)>
#map2 = affine_map<(d0, d1) -> (0, 0, 0)>
module attributes {stable_mosaic.version = 14 : i64} {
  func.func @k(%arg0: i32, %arg1: i32, %arg2: memref<32x25x5x80xi32, #tpu.memory_space<hbm>>, %arg3: memref<80x128xf32, #tpu.memory_space<hbm>>, %arg4: memref<80x128xf32, #tpu.memory_space<hbm>>, %arg5: memref<2x10240x128xf32, #tpu.memory_space<hbm>>, %arg6: memref<5x80xi32, #tpu.memory_space<vmem>>, %arg7: memref<80x128xf32, #tpu.memory_space<vmem>>, %arg8: memref<80x128xf32, #tpu.memory_space<vmem>>, %arg9: memref<10240x128xf32, #tpu.memory_space<vmem_shared>>) attributes {dimension_semantics = [#tpu.dimension_semantics<core_parallel>, #tpu.dimension_semantics<subcore_parallel>], iteration_bounds = array<i64: 2, 16>, scalar_prefetch = 0 : i64, scratch_operands = 4 : i64, tpu.core_type = #tpu.core_type<sc_vector_subcore>, window_params = [{transform_indices = #map}, {transform_indices = #map1}, {transform_indices = #map1}, {transform_indices = #map2}]} {
    %mul3A = arith.constant 2 : i32
    %mul3A_0 = arith.muli %arg1, %mul3A : i32
    %add3A = arith.addi %mul3A_0, %arg0 : i32
    %mul3A_1 = arith.constant 640 : i32
    %mul3A_2 = arith.muli %arg1, %mul3A_1 : i32
    "tpu.region"() ({
      %run_scoped3A = tpu.sem_alloc : memref<!tpu.dma_semaphore, #tpu.memory_space<semaphore_mem>>
      tpu.enqueue_dma source(%arg3 : memref<80x128xf32, #tpu.memory_space<hbm>>) target(%arg8 : memref<80x128xf32, #tpu.memory_space<vmem>>) target_semaphore(%run_scoped3A : memref<!tpu.dma_semaphore, #tpu.memory_space<semaphore_mem>>)
      tpu.wait_dma2 semaphore(%run_scoped3A : memref<!tpu.dma_semaphore, #tpu.memory_space<semaphore_mem>>) src(%arg3 : memref<80x128xf32, #tpu.memory_space<hbm>>) dst(%arg8 : memref<80x128xf32, #tpu.memory_space<vmem>>)
      tpu.yield
    }) : () -> ()
    "tpu.region"() ({
      %run_scoped3A = tpu.sem_alloc : memref<!tpu.dma_semaphore, #tpu.memory_space<semaphore_mem>>
      tpu.enqueue_dma source(%arg4 : memref<80x128xf32, #tpu.memory_space<hbm>>) target(%arg7 : memref<80x128xf32, #tpu.memory_space<vmem>>) target_semaphore(%run_scoped3A : memref<!tpu.dma_semaphore, #tpu.memory_space<semaphore_mem>>)
      tpu.wait_dma2 semaphore(%run_scoped3A : memref<!tpu.dma_semaphore, #tpu.memory_space<semaphore_mem>>) src(%arg4 : memref<80x128xf32, #tpu.memory_space<hbm>>) dst(%arg7 : memref<80x128xf32, #tpu.memory_space<vmem>>)
      tpu.yield
    }) : () -> ()
    %add3A_3 = arith.constant 0 : i32
    %add3A_4 = arith.addi %mul3A_2, %add3A_3 : i32
    "tpu.region"() ({
      %run_scoped3A = tpu.sem_alloc : memref<!tpu.dma_semaphore, #tpu.memory_space<semaphore_mem>>
      %dma_start3A = arith.constant 0 : i32
      %dma_start3A_57 = tpu.memref_slice %arg9[%add3A_4, %dma_start3A] : memref<10240x128xf32, #tpu.memory_space<vmem_shared>> -> memref<80x128xf32, #tpu.memory_space<vmem_shared>>
      %dma_start3A_58 = arith.constant 0 : i32
      %dma_start3A_59 = tpu.memref_slice %arg9[%add3A_4, %dma_start3A_58] : memref<10240x128xf32, #tpu.memory_space<vmem_shared>> -> memref<80x128xf32, #tpu.memory_space<vmem_shared>>
      tpu.enqueue_dma source(%arg8 : memref<80x128xf32, #tpu.memory_space<vmem>>) target(%dma_start3A_59 : memref<80x128xf32, #tpu.memory_space<vmem_shared>>) target_semaphore(%run_scoped3A : memref<!tpu.dma_semaphore, #tpu.memory_space<semaphore_mem>>)
      %dma_wait3A = arith.constant 0 : i32
      %dma_wait3A_60 = tpu.memref_slice %arg9[%add3A_4, %dma_wait3A] : memref<10240x128xf32, #tpu.memory_space<vmem_shared>> -> memref<80x128xf32, #tpu.memory_space<vmem_shared>>
      %dma_wait3A_61 = arith.constant 0 : i32
      %dma_wait3A_62 = tpu.memref_slice %arg9[%add3A_4, %dma_wait3A_61] : memref<10240x128xf32, #tpu.memory_space<vmem_shared>> -> memref<80x128xf32, #tpu.memory_space<vmem_shared>>
      tpu.wait_dma2 semaphore(%run_scoped3A : memref<!tpu.dma_semaphore, #tpu.memory_space<semaphore_mem>>) src(%arg8 : memref<80x128xf32, #tpu.memory_space<vmem>>) dst(%dma_wait3A_62 : memref<80x128xf32, #tpu.memory_space<vmem_shared>>)
      tpu.yield
    }) : () -> ()
    %add3A_5 = arith.constant 80 : i32
    %add3A_6 = arith.addi %mul3A_2, %add3A_5 : i32
    "tpu.region"() ({
      %run_scoped3A = tpu.sem_alloc : memref<!tpu.dma_semaphore, #tpu.memory_space<semaphore_mem>>
      %dma_start3A = arith.constant 0 : i32
      %dma_start3A_57 = tpu.memref_slice %arg9[%add3A_6, %dma_start3A] : memref<10240x128xf32, #tpu.memory_space<vmem_shared>> -> memref<80x128xf32, #tpu.memory_space<vmem_shared>>
      %dma_start3A_58 = arith.constant 0 : i32
      %dma_start3A_59 = tpu.memref_slice %arg9[%add3A_6, %dma_start3A_58] : memref<10240x128xf32, #tpu.memory_space<vmem_shared>> -> memref<80x128xf32, #tpu.memory_space<vmem_shared>>
      tpu.enqueue_dma source(%arg8 : memref<80x128xf32, #tpu.memory_space<vmem>>) target(%dma_start3A_59 : memref<80x128xf32, #tpu.memory_space<vmem_shared>>) target_semaphore(%run_scoped3A : memref<!tpu.dma_semaphore, #tpu.memory_space<semaphore_mem>>)
      %dma_wait3A = arith.constant 0 : i32
      %dma_wait3A_60 = tpu.memref_slice %arg9[%add3A_6, %dma_wait3A] : memref<10240x128xf32, #tpu.memory_space<vmem_shared>> -> memref<80x128xf32, #tpu.memory_space<vmem_shared>>
      %dma_wait3A_61 = arith.constant 0 : i32
      %dma_wait3A_62 = tpu.memref_slice %arg9[%add3A_6, %dma_wait3A_61] : memref<10240x128xf32, #tpu.memory_space<vmem_shared>> -> memref<80x128xf32, #tpu.memory_space<vmem_shared>>
      tpu.wait_dma2 semaphore(%run_scoped3A : memref<!tpu.dma_semaphore, #tpu.memory_space<semaphore_mem>>) src(%arg8 : memref<80x128xf32, #tpu.memory_space<vmem>>) dst(%dma_wait3A_62 : memref<80x128xf32, #tpu.memory_space<vmem_shared>>)
      tpu.yield
    }) : () -> ()
    %add3A_7 = arith.constant 160 : i32
    %add3A_8 = arith.addi %mul3A_2, %add3A_7 : i32
    "tpu.region"() ({
      %run_scoped3A = tpu.sem_alloc : memref<!tpu.dma_semaphore, #tpu.memory_space<semaphore_mem>>
      %dma_start3A = arith.constant 0 : i32
      %dma_start3A_57 = tpu.memref_slice %arg9[%add3A_8, %dma_start3A] : memref<10240x128xf32, #tpu.memory_space<vmem_shared>> -> memref<80x128xf32, #tpu.memory_space<vmem_shared>>
      %dma_start3A_58 = arith.constant 0 : i32
      %dma_start3A_59 = tpu.memref_slice %arg9[%add3A_8, %dma_start3A_58] : memref<10240x128xf32, #tpu.memory_space<vmem_shared>> -> memref<80x128xf32, #tpu.memory_space<vmem_shared>>
      tpu.enqueue_dma source(%arg8 : memref<80x128xf32, #tpu.memory_space<vmem>>) target(%dma_start3A_59 : memref<80x128xf32, #tpu.memory_space<vmem_shared>>) target_semaphore(%run_scoped3A : memref<!tpu.dma_semaphore, #tpu.memory_space<semaphore_mem>>)
      %dma_wait3A = arith.constant 0 : i32
      %dma_wait3A_60 = tpu.memref_slice %arg9[%add3A_8, %dma_wait3A] : memref<10240x128xf32, #tpu.memory_space<vmem_shared>> -> memref<80x128xf32, #tpu.memory_space<vmem_shared>>
      %dma_wait3A_61 = arith.constant 0 : i32
      %dma_wait3A_62 = tpu.memref_slice %arg9[%add3A_8, %dma_wait3A_61] : memref<10240x128xf32, #tpu.memory_space<vmem_shared>> -> memref<80x128xf32, #tpu.memory_space<vmem_shared>>
      tpu.wait_dma2 semaphore(%run_scoped3A : memref<!tpu.dma_semaphore, #tpu.memory_space<semaphore_mem>>) src(%arg8 : memref<80x128xf32, #tpu.memory_space<vmem>>) dst(%dma_wait3A_62 : memref<80x128xf32, #tpu.memory_space<vmem_shared>>)
      tpu.yield
    }) : () -> ()
    %add3A_9 = arith.constant 240 : i32
    %add3A_10 = arith.addi %mul3A_2, %add3A_9 : i32
    "tpu.region"() ({
      %run_scoped3A = tpu.sem_alloc : memref<!tpu.dma_semaphore, #tpu.memory_space<semaphore_mem>>
      %dma_start3A = arith.constant 0 : i32
      %dma_start3A_57 = tpu.memref_slice %arg9[%add3A_10, %dma_start3A] : memref<10240x128xf32, #tpu.memory_space<vmem_shared>> -> memref<80x128xf32, #tpu.memory_space<vmem_shared>>
      %dma_start3A_58 = arith.constant 0 : i32
      %dma_start3A_59 = tpu.memref_slice %arg9[%add3A_10, %dma_start3A_58] : memref<10240x128xf32, #tpu.memory_space<vmem_shared>> -> memref<80x128xf32, #tpu.memory_space<vmem_shared>>
      tpu.enqueue_dma source(%arg8 : memref<80x128xf32, #tpu.memory_space<vmem>>) target(%dma_start3A_59 : memref<80x128xf32, #tpu.memory_space<vmem_shared>>) target_semaphore(%run_scoped3A : memref<!tpu.dma_semaphore, #tpu.memory_space<semaphore_mem>>)
      %dma_wait3A = arith.constant 0 : i32
      %dma_wait3A_60 = tpu.memref_slice %arg9[%add3A_10, %dma_wait3A] : memref<10240x128xf32, #tpu.memory_space<vmem_shared>> -> memref<80x128xf32, #tpu.memory_space<vmem_shared>>
      %dma_wait3A_61 = arith.constant 0 : i32
      %dma_wait3A_62 = tpu.memref_slice %arg9[%add3A_10, %dma_wait3A_61] : memref<10240x128xf32, #tpu.memory_space<vmem_shared>> -> memref<80x128xf32, #tpu.memory_space<vmem_shared>>
      tpu.wait_dma2 semaphore(%run_scoped3A : memref<!tpu.dma_semaphore, #tpu.memory_space<semaphore_mem>>) src(%arg8 : memref<80x128xf32, #tpu.memory_space<vmem>>) dst(%dma_wait3A_62 : memref<80x128xf32, #tpu.memory_space<vmem_shared>>)
      tpu.yield
    }) : () -> ()
    %add3A_11 = arith.constant 320 : i32
    %add3A_12 = arith.addi %mul3A_2, %add3A_11 : i32
    "tpu.region"() ({
      %run_scoped3A = tpu.sem_alloc : memref<!tpu.dma_semaphore, #tpu.memory_space<semaphore_mem>>
      %dma_start3A = arith.constant 0 : i32
      %dma_start3A_57 = tpu.memref_slice %arg9[%add3A_12, %dma_start3A] : memref<10240x128xf32, #tpu.memory_space<vmem_shared>> -> memref<80x128xf32, #tpu.memory_space<vmem_shared>>
      %dma_start3A_58 = arith.constant 0 : i32
      %dma_start3A_59 = tpu.memref_slice %arg9[%add3A_12, %dma_start3A_58] : memref<10240x128xf32, #tpu.memory_space<vmem_shared>> -> memref<80x128xf32, #tpu.memory_space<vmem_shared>>
      tpu.enqueue_dma source(%arg8 : memref<80x128xf32, #tpu.memory_space<vmem>>) target(%dma_start3A_59 : memref<80x128xf32, #tpu.memory_space<vmem_shared>>) target_semaphore(%run_scoped3A : memref<!tpu.dma_semaphore, #tpu.memory_space<semaphore_mem>>)
      %dma_wait3A = arith.constant 0 : i32
      %dma_wait3A_60 = tpu.memref_slice %arg9[%add3A_12, %dma_wait3A] : memref<10240x128xf32, #tpu.memory_space<vmem_shared>> -> memref<80x128xf32, #tpu.memory_space<vmem_shared>>
      %dma_wait3A_61 = arith.constant 0 : i32
      %dma_wait3A_62 = tpu.memref_slice %arg9[%add3A_12, %dma_wait3A_61] : memref<10240x128xf32, #tpu.memory_space<vmem_shared>> -> memref<80x128xf32, #tpu.memory_space<vmem_shared>>
      tpu.wait_dma2 semaphore(%run_scoped3A : memref<!tpu.dma_semaphore, #tpu.memory_space<semaphore_mem>>) src(%arg8 : memref<80x128xf32, #tpu.memory_space<vmem>>) dst(%dma_wait3A_62 : memref<80x128xf32, #tpu.memory_space<vmem_shared>>)
      tpu.yield
    }) : () -> ()
    %add3A_13 = arith.constant 400 : i32
    %add3A_14 = arith.addi %mul3A_2, %add3A_13 : i32
    "tpu.region"() ({
      %run_scoped3A = tpu.sem_alloc : memref<!tpu.dma_semaphore, #tpu.memory_space<semaphore_mem>>
      %dma_start3A = arith.constant 0 : i32
      %dma_start3A_57 = tpu.memref_slice %arg9[%add3A_14, %dma_start3A] : memref<10240x128xf32, #tpu.memory_space<vmem_shared>> -> memref<80x128xf32, #tpu.memory_space<vmem_shared>>
      %dma_start3A_58 = arith.constant 0 : i32
      %dma_start3A_59 = tpu.memref_slice %arg9[%add3A_14, %dma_start3A_58] : memref<10240x128xf32, #tpu.memory_space<vmem_shared>> -> memref<80x128xf32, #tpu.memory_space<vmem_shared>>
      tpu.enqueue_dma source(%arg8 : memref<80x128xf32, #tpu.memory_space<vmem>>) target(%dma_start3A_59 : memref<80x128xf32, #tpu.memory_space<vmem_shared>>) target_semaphore(%run_scoped3A : memref<!tpu.dma_semaphore, #tpu.memory_space<semaphore_mem>>)
      %dma_wait3A = arith.constant 0 : i32
      %dma_wait3A_60 = tpu.memref_slice %arg9[%add3A_14, %dma_wait3A] : memref<10240x128xf32, #tpu.memory_space<vmem_shared>> -> memref<80x128xf32, #tpu.memory_space<vmem_shared>>
      %dma_wait3A_61 = arith.constant 0 : i32
      %dma_wait3A_62 = tpu.memref_slice %arg9[%add3A_14, %dma_wait3A_61] : memref<10240x128xf32, #tpu.memory_space<vmem_shared>> -> memref<80x128xf32, #tpu.memory_space<vmem_shared>>
      tpu.wait_dma2 semaphore(%run_scoped3A : memref<!tpu.dma_semaphore, #tpu.memory_space<semaphore_mem>>) src(%arg8 : memref<80x128xf32, #tpu.memory_space<vmem>>) dst(%dma_wait3A_62 : memref<80x128xf32, #tpu.memory_space<vmem_shared>>)
      tpu.yield
    }) : () -> ()
    %add3A_15 = arith.constant 480 : i32
    %add3A_16 = arith.addi %mul3A_2, %add3A_15 : i32
    "tpu.region"() ({
      %run_scoped3A = tpu.sem_alloc : memref<!tpu.dma_semaphore, #tpu.memory_space<semaphore_mem>>
      %dma_start3A = arith.constant 0 : i32
      %dma_start3A_57 = tpu.memref_slice %arg9[%add3A_16, %dma_start3A] : memref<10240x128xf32, #tpu.memory_space<vmem_shared>> -> memref<80x128xf32, #tpu.memory_space<vmem_shared>>
      %dma_start3A_58 = arith.constant 0 : i32
      %dma_start3A_59 = tpu.memref_slice %arg9[%add3A_16, %dma_start3A_58] : memref<10240x128xf32, #tpu.memory_space<vmem_shared>> -> memref<80x128xf32, #tpu.memory_space<vmem_shared>>
      tpu.enqueue_dma source(%arg8 : memref<80x128xf32, #tpu.memory_space<vmem>>) target(%dma_start3A_59 : memref<80x128xf32, #tpu.memory_space<vmem_shared>>) target_semaphore(%run_scoped3A : memref<!tpu.dma_semaphore, #tpu.memory_space<semaphore_mem>>)
      %dma_wait3A = arith.constant 0 : i32
      %dma_wait3A_60 = tpu.memref_slice %arg9[%add3A_16, %dma_wait3A] : memref<10240x128xf32, #tpu.memory_space<vmem_shared>> -> memref<80x128xf32, #tpu.memory_space<vmem_shared>>
      %dma_wait3A_61 = arith.constant 0 : i32
      %dma_wait3A_62 = tpu.memref_slice %arg9[%add3A_16, %dma_wait3A_61] : memref<10240x128xf32, #tpu.memory_space<vmem_shared>> -> memref<80x128xf32, #tpu.memory_space<vmem_shared>>
      tpu.wait_dma2 semaphore(%run_scoped3A : memref<!tpu.dma_semaphore, #tpu.memory_space<semaphore_mem>>) src(%arg8 : memref<80x128xf32, #tpu.memory_space<vmem>>) dst(%dma_wait3A_62 : memref<80x128xf32, #tpu.memory_space<vmem_shared>>)
      tpu.yield
    }) : () -> ()
    %add3A_17 = arith.constant 560 : i32
    %add3A_18 = arith.addi %mul3A_2, %add3A_17 : i32
    "tpu.region"() ({
      %run_scoped3A = tpu.sem_alloc : memref<!tpu.dma_semaphore, #tpu.memory_space<semaphore_mem>>
      %dma_start3A = arith.constant 0 : i32
      %dma_start3A_57 = tpu.memref_slice %arg9[%add3A_18, %dma_start3A] : memref<10240x128xf32, #tpu.memory_space<vmem_shared>> -> memref<80x128xf32, #tpu.memory_space<vmem_shared>>
      %dma_start3A_58 = arith.constant 0 : i32
      %dma_start3A_59 = tpu.memref_slice %arg9[%add3A_18, %dma_start3A_58] : memref<10240x128xf32, #tpu.memory_space<vmem_shared>> -> memref<80x128xf32, #tpu.memory_space<vmem_shared>>
      tpu.enqueue_dma source(%arg8 : memref<80x128xf32, #tpu.memory_space<vmem>>) target(%dma_start3A_59 : memref<80x128xf32, #tpu.memory_space<vmem_shared>>) target_semaphore(%run_scoped3A : memref<!tpu.dma_semaphore, #tpu.memory_space<semaphore_mem>>)
      %dma_wait3A = arith.constant 0 : i32
      %dma_wait3A_60 = tpu.memref_slice %arg9[%add3A_18, %dma_wait3A] : memref<10240x128xf32, #tpu.memory_space<vmem_shared>> -> memref<80x128xf32, #tpu.memory_space<vmem_shared>>
      %dma_wait3A_61 = arith.constant 0 : i32
      %dma_wait3A_62 = tpu.memref_slice %arg9[%add3A_18, %dma_wait3A_61] : memref<10240x128xf32, #tpu.memory_space<vmem_shared>> -> memref<80x128xf32, #tpu.memory_space<vmem_shared>>
      tpu.wait_dma2 semaphore(%run_scoped3A : memref<!tpu.dma_semaphore, #tpu.memory_space<semaphore_mem>>) src(%arg8 : memref<80x128xf32, #tpu.memory_space<vmem>>) dst(%dma_wait3A_62 : memref<80x128xf32, #tpu.memory_space<vmem_shared>>)
      tpu.yield
    }) : () -> ()
    %barrier3A = arith.constant 0 : index
    tpu.barrier barrier_id(%barrier3A)
    %scan3A = arith.constant 0 : i32
    %scan3A_19 = arith.constant 0 : i32
    %scan3A_20 = arith.constant 25 : i32
    %scan3A_21 = arith.addi %scan3A_19, %scan3A_20 : i32
    %scan3A_22 = arith.constant 1 : i32
    scf.for %scan3A_57 = %scan3A_19 to %scan3A_21 step %scan3A_22  : i32 {
      "tpu.region"() ({
        %run_scoped3A_62 = tpu.sem_alloc : memref<!tpu.dma_semaphore, #tpu.memory_space<semaphore_mem>>
        %dma_start3A = arith.constant 0 : i32
        %dma_start3A_63 = arith.constant 0 : i32
        %dma_start3A_64 = tpu.memref_slice %arg2[%add3A, %scan3A_57, %dma_start3A, %dma_start3A_63] : memref<32x25x5x80xi32, #tpu.memory_space<hbm>> -> memref<1x1x5x80xi32, #tpu.memory_space<hbm>>
        %dma_start3A_65 = tpu.memref_squeeze %dma_start3A_64 : memref<1x1x5x80xi32, #tpu.memory_space<hbm>> -> memref<5x80xi32, #tpu.memory_space<hbm>>
        %dma_start3A_66 = arith.constant 0 : i32
        %dma_start3A_67 = arith.constant 0 : i32
        %dma_start3A_68 = tpu.memref_slice %arg2[%add3A, %scan3A_57, %dma_start3A_66, %dma_start3A_67] : memref<32x25x5x80xi32, #tpu.memory_space<hbm>> -> memref<1x1x5x80xi32, #tpu.memory_space<hbm>>
        %dma_start3A_69 = tpu.memref_squeeze %dma_start3A_68 : memref<1x1x5x80xi32, #tpu.memory_space<hbm>> -> memref<5x80xi32, #tpu.memory_space<hbm>>
        tpu.enqueue_dma source(%dma_start3A_69 : memref<5x80xi32, #tpu.memory_space<hbm>>) target(%arg6 : memref<5x80xi32, #tpu.memory_space<vmem>>) target_semaphore(%run_scoped3A_62 : memref<!tpu.dma_semaphore, #tpu.memory_space<semaphore_mem>>)
        %dma_wait3A = arith.constant 0 : i32
        %dma_wait3A_70 = arith.constant 0 : i32
        %dma_wait3A_71 = tpu.memref_slice %arg2[%add3A, %scan3A_57, %dma_wait3A, %dma_wait3A_70] : memref<32x25x5x80xi32, #tpu.memory_space<hbm>> -> memref<1x1x5x80xi32, #tpu.memory_space<hbm>>
        %dma_wait3A_72 = tpu.memref_squeeze %dma_wait3A_71 : memref<1x1x5x80xi32, #tpu.memory_space<hbm>> -> memref<5x80xi32, #tpu.memory_space<hbm>>
        %dma_wait3A_73 = arith.constant 0 : i32
        %dma_wait3A_74 = arith.constant 0 : i32
        %dma_wait3A_75 = tpu.memref_slice %arg2[%add3A, %scan3A_57, %dma_wait3A_73, %dma_wait3A_74] : memref<32x25x5x80xi32, #tpu.memory_space<hbm>> -> memref<1x1x5x80xi32, #tpu.memory_space<hbm>>
        %dma_wait3A_76 = tpu.memref_squeeze %dma_wait3A_75 : memref<1x1x5x80xi32, #tpu.memory_space<hbm>> -> memref<5x80xi32, #tpu.memory_space<hbm>>
        tpu.wait_dma2 semaphore(%run_scoped3A_62 : memref<!tpu.dma_semaphore, #tpu.memory_space<semaphore_mem>>) src(%dma_wait3A_76 : memref<5x80xi32, #tpu.memory_space<hbm>>) dst(%arg6 : memref<5x80xi32, #tpu.memory_space<vmem>>)
        tpu.yield
      }) : () -> ()
      %run_scoped3A = arith.constant 0 : i32
      "tpu.region"() ({
        %run_scoped3A_62 = tpu.sem_alloc : memref<!tpu.dma_semaphore, #tpu.memory_space<semaphore_mem>>
        %dma_start3A = arith.constant 0 : i32
        %dma_start3A_63 = tpu.memref_slice %arg6[%run_scoped3A, %dma_start3A] : memref<5x80xi32, #tpu.memory_space<vmem>> -> memref<1x80xi32, #tpu.memory_space<vmem>>
        %dma_start3A_64 = tpu.memref_squeeze %dma_start3A_63 : memref<1x80xi32, #tpu.memory_space<vmem>> -> memref<80xi32, #tpu.memory_space<vmem>>
        %dma_start3A_65 = arith.constant 0 : i32
        %dma_start3A_66 = arith.constant 0 : i32
        %dma_start3A_67 = tpu.memref_slice %arg9[%dma_start3A_65, %dma_start3A_66] : memref<10240x128xf32, #tpu.memory_space<vmem_shared>> -> memref<10240x128xf32, #tpu.memory_space<vmem_shared>>
        tpu.enqueue_indirect_dma source(%arg7 : memref<80x128xf32, #tpu.memory_space<vmem>>) target(%dma_start3A_67 : memref<10240x128xf32, #tpu.memory_space<vmem_shared>>) offsets(%dma_start3A_64 : memref<80xi32, #tpu.memory_space<vmem>>) semaphore(%run_scoped3A_62 : memref<!tpu.dma_semaphore, #tpu.memory_space<semaphore_mem>>) {add = true}
        %dma_wait3A = arith.constant 0 : i32
        %dma_wait3A_68 = tpu.memref_slice %arg6[%run_scoped3A, %dma_wait3A] : memref<5x80xi32, #tpu.memory_space<vmem>> -> memref<1x80xi32, #tpu.memory_space<vmem>>
        %dma_wait3A_69 = tpu.memref_squeeze %dma_wait3A_68 : memref<1x80xi32, #tpu.memory_space<vmem>> -> memref<80xi32, #tpu.memory_space<vmem>>
        %dma_wait3A_70 = arith.constant 0 : i32
        %dma_wait3A_71 = arith.constant 0 : i32
        %dma_wait3A_72 = tpu.memref_slice %arg9[%dma_wait3A_70, %dma_wait3A_71] : memref<10240x128xf32, #tpu.memory_space<vmem_shared>> -> memref<10240x128xf32, #tpu.memory_space<vmem_shared>>
        tpu.wait_indirect_dma semaphore(%run_scoped3A_62 : memref<!tpu.dma_semaphore, #tpu.memory_space<semaphore_mem>>) src(%arg7 : memref<80x128xf32, #tpu.memory_space<vmem>>) dst(%dma_wait3A_72 : memref<10240x128xf32, #tpu.memory_space<vmem_shared>>)
        tpu.yield
      }) : () -> ()
      %run_scoped3A_58 = arith.constant 1 : i32
      "tpu.region"() ({
        %run_scoped3A_62 = tpu.sem_alloc : memref<!tpu.dma_semaphore, #tpu.memory_space<semaphore_mem>>
        %dma_start3A = arith.constant 0 : i32
        %dma_start3A_63 = tpu.memref_slice %arg6[%run_scoped3A_58, %dma_start3A] : memref<5x80xi32, #tpu.memory_space<vmem>> -> memref<1x80xi32, #tpu.memory_space<vmem>>
        %dma_start3A_64 = tpu.memref_squeeze %dma_start3A_63 : memref<1x80xi32, #tpu.memory_space<vmem>> -> memref<80xi32, #tpu.memory_space<vmem>>
        %dma_start3A_65 = arith.constant 0 : i32
        %dma_start3A_66 = arith.constant 0 : i32
        %dma_start3A_67 = tpu.memref_slice %arg9[%dma_start3A_65, %dma_start3A_66] : memref<10240x128xf32, #tpu.memory_space<vmem_shared>> -> memref<10240x128xf32, #tpu.memory_space<vmem_shared>>
        tpu.enqueue_indirect_dma source(%arg7 : memref<80x128xf32, #tpu.memory_space<vmem>>) target(%dma_start3A_67 : memref<10240x128xf32, #tpu.memory_space<vmem_shared>>) offsets(%dma_start3A_64 : memref<80xi32, #tpu.memory_space<vmem>>) semaphore(%run_scoped3A_62 : memref<!tpu.dma_semaphore, #tpu.memory_space<semaphore_mem>>) {add = true}
        %dma_wait3A = arith.constant 0 : i32
        %dma_wait3A_68 = tpu.memref_slice %arg6[%run_scoped3A_58, %dma_wait3A] : memref<5x80xi32, #tpu.memory_space<vmem>> -> memref<1x80xi32, #tpu.memory_space<vmem>>
        %dma_wait3A_69 = tpu.memref_squeeze %dma_wait3A_68 : memref<1x80xi32, #tpu.memory_space<vmem>> -> memref<80xi32, #tpu.memory_space<vmem>>
        %dma_wait3A_70 = arith.constant 0 : i32
        %dma_wait3A_71 = arith.constant 0 : i32
        %dma_wait3A_72 = tpu.memref_slice %arg9[%dma_wait3A_70, %dma_wait3A_71] : memref<10240x128xf32, #tpu.memory_space<vmem_shared>> -> memref<10240x128xf32, #tpu.memory_space<vmem_shared>>
        tpu.wait_indirect_dma semaphore(%run_scoped3A_62 : memref<!tpu.dma_semaphore, #tpu.memory_space<semaphore_mem>>) src(%arg7 : memref<80x128xf32, #tpu.memory_space<vmem>>) dst(%dma_wait3A_72 : memref<10240x128xf32, #tpu.memory_space<vmem_shared>>)
        tpu.yield
      }) : () -> ()
      %run_scoped3A_59 = arith.constant 2 : i32
      "tpu.region"() ({
        %run_scoped3A_62 = tpu.sem_alloc : memref<!tpu.dma_semaphore, #tpu.memory_space<semaphore_mem>>
        %dma_start3A = arith.constant 0 : i32
        %dma_start3A_63 = tpu.memref_slice %arg6[%run_scoped3A_59, %dma_start3A] : memref<5x80xi32, #tpu.memory_space<vmem>> -> memref<1x80xi32, #tpu.memory_space<vmem>>
        %dma_start3A_64 = tpu.memref_squeeze %dma_start3A_63 : memref<1x80xi32, #tpu.memory_space<vmem>> -> memref<80xi32, #tpu.memory_space<vmem>>
        %dma_start3A_65 = arith.constant 0 : i32
        %dma_start3A_66 = arith.constant 0 : i32
        %dma_start3A_67 = tpu.memref_slice %arg9[%dma_start3A_65, %dma_start3A_66] : memref<10240x128xf32, #tpu.memory_space<vmem_shared>> -> memref<10240x128xf32, #tpu.memory_space<vmem_shared>>
        tpu.enqueue_indirect_dma source(%arg7 : memref<80x128xf32, #tpu.memory_space<vmem>>) target(%dma_start3A_67 : memref<10240x128xf32, #tpu.memory_space<vmem_shared>>) offsets(%dma_start3A_64 : memref<80xi32, #tpu.memory_space<vmem>>) semaphore(%run_scoped3A_62 : memref<!tpu.dma_semaphore, #tpu.memory_space<semaphore_mem>>) {add = true}
        %dma_wait3A = arith.constant 0 : i32
        %dma_wait3A_68 = tpu.memref_slice %arg6[%run_scoped3A_59, %dma_wait3A] : memref<5x80xi32, #tpu.memory_space<vmem>> -> memref<1x80xi32, #tpu.memory_space<vmem>>
        %dma_wait3A_69 = tpu.memref_squeeze %dma_wait3A_68 : memref<1x80xi32, #tpu.memory_space<vmem>> -> memref<80xi32, #tpu.memory_space<vmem>>
        %dma_wait3A_70 = arith.constant 0 : i32
        %dma_wait3A_71 = arith.constant 0 : i32
        %dma_wait3A_72 = tpu.memref_slice %arg9[%dma_wait3A_70, %dma_wait3A_71] : memref<10240x128xf32, #tpu.memory_space<vmem_shared>> -> memref<10240x128xf32, #tpu.memory_space<vmem_shared>>
        tpu.wait_indirect_dma semaphore(%run_scoped3A_62 : memref<!tpu.dma_semaphore, #tpu.memory_space<semaphore_mem>>) src(%arg7 : memref<80x128xf32, #tpu.memory_space<vmem>>) dst(%dma_wait3A_72 : memref<10240x128xf32, #tpu.memory_space<vmem_shared>>)
        tpu.yield
      }) : () -> ()
      %run_scoped3A_60 = arith.constant 3 : i32
      "tpu.region"() ({
        %run_scoped3A_62 = tpu.sem_alloc : memref<!tpu.dma_semaphore, #tpu.memory_space<semaphore_mem>>
        %dma_start3A = arith.constant 0 : i32
        %dma_start3A_63 = tpu.memref_slice %arg6[%run_scoped3A_60, %dma_start3A] : memref<5x80xi32, #tpu.memory_space<vmem>> -> memref<1x80xi32, #tpu.memory_space<vmem>>
        %dma_start3A_64 = tpu.memref_squeeze %dma_start3A_63 : memref<1x80xi32, #tpu.memory_space<vmem>> -> memref<80xi32, #tpu.memory_space<vmem>>
        %dma_start3A_65 = arith.constant 0 : i32
        %dma_start3A_66 = arith.constant 0 : i32
        %dma_start3A_67 = tpu.memref_slice %arg9[%dma_start3A_65, %dma_start3A_66] : memref<10240x128xf32, #tpu.memory_space<vmem_shared>> -> memref<10240x128xf32, #tpu.memory_space<vmem_shared>>
        tpu.enqueue_indirect_dma source(%arg7 : memref<80x128xf32, #tpu.memory_space<vmem>>) target(%dma_start3A_67 : memref<10240x128xf32, #tpu.memory_space<vmem_shared>>) offsets(%dma_start3A_64 : memref<80xi32, #tpu.memory_space<vmem>>) semaphore(%run_scoped3A_62 : memref<!tpu.dma_semaphore, #tpu.memory_space<semaphore_mem>>) {add = true}
        %dma_wait3A = arith.constant 0 : i32
        %dma_wait3A_68 = tpu.memref_slice %arg6[%run_scoped3A_60, %dma_wait3A] : memref<5x80xi32, #tpu.memory_space<vmem>> -> memref<1x80xi32, #tpu.memory_space<vmem>>
        %dma_wait3A_69 = tpu.memref_squeeze %dma_wait3A_68 : memref<1x80xi32, #tpu.memory_space<vmem>> -> memref<80xi32, #tpu.memory_space<vmem>>
        %dma_wait3A_70 = arith.constant 0 : i32
        %dma_wait3A_71 = arith.constant 0 : i32
        %dma_wait3A_72 = tpu.memref_slice %arg9[%dma_wait3A_70, %dma_wait3A_71] : memref<10240x128xf32, #tpu.memory_space<vmem_shared>> -> memref<10240x128xf32, #tpu.memory_space<vmem_shared>>
        tpu.wait_indirect_dma semaphore(%run_scoped3A_62 : memref<!tpu.dma_semaphore, #tpu.memory_space<semaphore_mem>>) src(%arg7 : memref<80x128xf32, #tpu.memory_space<vmem>>) dst(%dma_wait3A_72 : memref<10240x128xf32, #tpu.memory_space<vmem_shared>>)
        tpu.yield
      }) : () -> ()
      %run_scoped3A_61 = arith.constant 4 : i32
      "tpu.region"() ({
        %run_scoped3A_62 = tpu.sem_alloc : memref<!tpu.dma_semaphore, #tpu.memory_space<semaphore_mem>>
        %dma_start3A = arith.constant 0 : i32
        %dma_start3A_63 = tpu.memref_slice %arg6[%run_scoped3A_61, %dma_start3A] : memref<5x80xi32, #tpu.memory_space<vmem>> -> memref<1x80xi32, #tpu.memory_space<vmem>>
        %dma_start3A_64 = tpu.memref_squeeze %dma_start3A_63 : memref<1x80xi32, #tpu.memory_space<vmem>> -> memref<80xi32, #tpu.memory_space<vmem>>
        %dma_start3A_65 = arith.constant 0 : i32
        %dma_start3A_66 = arith.constant 0 : i32
        %dma_start3A_67 = tpu.memref_slice %arg9[%dma_start3A_65, %dma_start3A_66] : memref<10240x128xf32, #tpu.memory_space<vmem_shared>> -> memref<10240x128xf32, #tpu.memory_space<vmem_shared>>
        tpu.enqueue_indirect_dma source(%arg7 : memref<80x128xf32, #tpu.memory_space<vmem>>) target(%dma_start3A_67 : memref<10240x128xf32, #tpu.memory_space<vmem_shared>>) offsets(%dma_start3A_64 : memref<80xi32, #tpu.memory_space<vmem>>) semaphore(%run_scoped3A_62 : memref<!tpu.dma_semaphore, #tpu.memory_space<semaphore_mem>>) {add = true}
        %dma_wait3A = arith.constant 0 : i32
        %dma_wait3A_68 = tpu.memref_slice %arg6[%run_scoped3A_61, %dma_wait3A] : memref<5x80xi32, #tpu.memory_space<vmem>> -> memref<1x80xi32, #tpu.memory_space<vmem>>
        %dma_wait3A_69 = tpu.memref_squeeze %dma_wait3A_68 : memref<1x80xi32, #tpu.memory_space<vmem>> -> memref<80xi32, #tpu.memory_space<vmem>>
        %dma_wait3A_70 = arith.constant 0 : i32
        %dma_wait3A_71 = arith.constant 0 : i32
        %dma_wait3A_72 = tpu.memref_slice %arg9[%dma_wait3A_70, %dma_wait3A_71] : memref<10240x128xf32, #tpu.memory_space<vmem_shared>> -> memref<10240x128xf32, #tpu.memory_space<vmem_shared>>
        tpu.wait_indirect_dma semaphore(%run_scoped3A_62 : memref<!tpu.dma_semaphore, #tpu.memory_space<semaphore_mem>>) src(%arg7 : memref<80x128xf32, #tpu.memory_space<vmem>>) dst(%dma_wait3A_72 : memref<10240x128xf32, #tpu.memory_space<vmem_shared>>)
        tpu.yield
      }) : () -> ()
    }
    %scan3A_23 = arith.constant 25 : i32
    %barrier3A_24 = arith.constant 0 : index
    tpu.barrier barrier_id(%barrier3A_24)
    %add3A_25 = arith.constant 0 : i32
    %add3A_26 = arith.addi %mul3A_2, %add3A_25 : i32
    "tpu.region"() ({
      %run_scoped3A = tpu.sem_alloc : memref<!tpu.dma_semaphore, #tpu.memory_space<semaphore_mem>>
      %dma_start3A = arith.constant 0 : i32
      %dma_start3A_57 = tpu.memref_slice %arg9[%add3A_26, %dma_start3A] : memref<10240x128xf32, #tpu.memory_space<vmem_shared>> -> memref<80x128xf32, #tpu.memory_space<vmem_shared>>
      %dma_start3A_58 = arith.constant 0 : i32
      %dma_start3A_59 = tpu.memref_slice %arg9[%add3A_26, %dma_start3A_58] : memref<10240x128xf32, #tpu.memory_space<vmem_shared>> -> memref<80x128xf32, #tpu.memory_space<vmem_shared>>
      tpu.enqueue_dma source(%dma_start3A_59 : memref<80x128xf32, #tpu.memory_space<vmem_shared>>) target(%arg8 : memref<80x128xf32, #tpu.memory_space<vmem>>) target_semaphore(%run_scoped3A : memref<!tpu.dma_semaphore, #tpu.memory_space<semaphore_mem>>)
      %dma_wait3A = arith.constant 0 : i32
      %dma_wait3A_60 = tpu.memref_slice %arg9[%add3A_26, %dma_wait3A] : memref<10240x128xf32, #tpu.memory_space<vmem_shared>> -> memref<80x128xf32, #tpu.memory_space<vmem_shared>>
      %dma_wait3A_61 = arith.constant 0 : i32
      %dma_wait3A_62 = tpu.memref_slice %arg9[%add3A_26, %dma_wait3A_61] : memref<10240x128xf32, #tpu.memory_space<vmem_shared>> -> memref<80x128xf32, #tpu.memory_space<vmem_shared>>
      tpu.wait_dma2 semaphore(%run_scoped3A : memref<!tpu.dma_semaphore, #tpu.memory_space<semaphore_mem>>) src(%dma_wait3A_62 : memref<80x128xf32, #tpu.memory_space<vmem_shared>>) dst(%arg8 : memref<80x128xf32, #tpu.memory_space<vmem>>)
      tpu.yield
    }) : () -> ()
    %add3A_27 = arith.constant 0 : i32
    %add3A_28 = arith.addi %mul3A_2, %add3A_27 : i32
    "tpu.region"() ({
      %run_scoped3A = tpu.sem_alloc : memref<!tpu.dma_semaphore, #tpu.memory_space<semaphore_mem>>
      %dma_start3A = arith.constant 0 : i32
      %dma_start3A_57 = tpu.memref_slice %arg5[%arg0, %add3A_28, %dma_start3A] : memref<2x10240x128xf32, #tpu.memory_space<hbm>> -> memref<1x80x128xf32, #tpu.memory_space<hbm>>
      %dma_start3A_58 = tpu.memref_squeeze %dma_start3A_57 : memref<1x80x128xf32, #tpu.memory_space<hbm>> -> memref<80x128xf32, #tpu.memory_space<hbm>>
      %dma_start3A_59 = arith.constant 0 : i32
      %dma_start3A_60 = tpu.memref_slice %arg5[%arg0, %add3A_28, %dma_start3A_59] : memref<2x10240x128xf32, #tpu.memory_space<hbm>> -> memref<1x80x128xf32, #tpu.memory_space<hbm>>
      %dma_start3A_61 = tpu.memref_squeeze %dma_start3A_60 : memref<1x80x128xf32, #tpu.memory_space<hbm>> -> memref<80x128xf32, #tpu.memory_space<hbm>>
      tpu.enqueue_dma source(%arg8 : memref<80x128xf32, #tpu.memory_space<vmem>>) target(%dma_start3A_61 : memref<80x128xf32, #tpu.memory_space<hbm>>) target_semaphore(%run_scoped3A : memref<!tpu.dma_semaphore, #tpu.memory_space<semaphore_mem>>)
      %dma_wait3A = arith.constant 0 : i32
      %dma_wait3A_62 = tpu.memref_slice %arg5[%arg0, %add3A_28, %dma_wait3A] : memref<2x10240x128xf32, #tpu.memory_space<hbm>> -> memref<1x80x128xf32, #tpu.memory_space<hbm>>
      %dma_wait3A_63 = tpu.memref_squeeze %dma_wait3A_62 : memref<1x80x128xf32, #tpu.memory_space<hbm>> -> memref<80x128xf32, #tpu.memory_space<hbm>>
      %dma_wait3A_64 = arith.constant 0 : i32
      %dma_wait3A_65 = tpu.memref_slice %arg5[%arg0, %add3A_28, %dma_wait3A_64] : memref<2x10240x128xf32, #tpu.memory_space<hbm>> -> memref<1x80x128xf32, #tpu.memory_space<hbm>>
      %dma_wait3A_66 = tpu.memref_squeeze %dma_wait3A_65 : memref<1x80x128xf32, #tpu.memory_space<hbm>> -> memref<80x128xf32, #tpu.memory_space<hbm>>
      tpu.wait_dma2 semaphore(%run_scoped3A : memref<!tpu.dma_semaphore, #tpu.memory_space<semaphore_mem>>) src(%arg8 : memref<80x128xf32, #tpu.memory_space<vmem>>) dst(%dma_wait3A_66 : memref<80x128xf32, #tpu.memory_space<hbm>>)
      tpu.yield
    }) : () -> ()
    %add3A_29 = arith.constant 80 : i32
    %add3A_30 = arith.addi %mul3A_2, %add3A_29 : i32
    "tpu.region"() ({
      %run_scoped3A = tpu.sem_alloc : memref<!tpu.dma_semaphore, #tpu.memory_space<semaphore_mem>>
      %dma_start3A = arith.constant 0 : i32
      %dma_start3A_57 = tpu.memref_slice %arg9[%add3A_30, %dma_start3A] : memref<10240x128xf32, #tpu.memory_space<vmem_shared>> -> memref<80x128xf32, #tpu.memory_space<vmem_shared>>
      %dma_start3A_58 = arith.constant 0 : i32
      %dma_start3A_59 = tpu.memref_slice %arg9[%add3A_30, %dma_start3A_58] : memref<10240x128xf32, #tpu.memory_space<vmem_shared>> -> memref<80x128xf32, #tpu.memory_space<vmem_shared>>
      tpu.enqueue_dma source(%dma_start3A_59 : memref<80x128xf32, #tpu.memory_space<vmem_shared>>) target(%arg8 : memref<80x128xf32, #tpu.memory_space<vmem>>) target_semaphore(%run_scoped3A : memref<!tpu.dma_semaphore, #tpu.memory_space<semaphore_mem>>)
      %dma_wait3A = arith.constant 0 : i32
      %dma_wait3A_60 = tpu.memref_slice %arg9[%add3A_30, %dma_wait3A] : memref<10240x128xf32, #tpu.memory_space<vmem_shared>> -> memref<80x128xf32, #tpu.memory_space<vmem_shared>>
      %dma_wait3A_61 = arith.constant 0 : i32
      %dma_wait3A_62 = tpu.memref_slice %arg9[%add3A_30, %dma_wait3A_61] : memref<10240x128xf32, #tpu.memory_space<vmem_shared>> -> memref<80x128xf32, #tpu.memory_space<vmem_shared>>
      tpu.wait_dma2 semaphore(%run_scoped3A : memref<!tpu.dma_semaphore, #tpu.memory_space<semaphore_mem>>) src(%dma_wait3A_62 : memref<80x128xf32, #tpu.memory_space<vmem_shared>>) dst(%arg8 : memref<80x128xf32, #tpu.memory_space<vmem>>)
      tpu.yield
    }) : () -> ()
    %add3A_31 = arith.constant 80 : i32
    %add3A_32 = arith.addi %mul3A_2, %add3A_31 : i32
    "tpu.region"() ({
      %run_scoped3A = tpu.sem_alloc : memref<!tpu.dma_semaphore, #tpu.memory_space<semaphore_mem>>
      %dma_start3A = arith.constant 0 : i32
      %dma_start3A_57 = tpu.memref_slice %arg5[%arg0, %add3A_32, %dma_start3A] : memref<2x10240x128xf32, #tpu.memory_space<hbm>> -> memref<1x80x128xf32, #tpu.memory_space<hbm>>
      %dma_start3A_58 = tpu.memref_squeeze %dma_start3A_57 : memref<1x80x128xf32, #tpu.memory_space<hbm>> -> memref<80x128xf32, #tpu.memory_space<hbm>>
      %dma_start3A_59 = arith.constant 0 : i32
      %dma_start3A_60 = tpu.memref_slice %arg5[%arg0, %add3A_32, %dma_start3A_59] : memref<2x10240x128xf32, #tpu.memory_space<hbm>> -> memref<1x80x128xf32, #tpu.memory_space<hbm>>
      %dma_start3A_61 = tpu.memref_squeeze %dma_start3A_60 : memref<1x80x128xf32, #tpu.memory_space<hbm>> -> memref<80x128xf32, #tpu.memory_space<hbm>>
      tpu.enqueue_dma source(%arg8 : memref<80x128xf32, #tpu.memory_space<vmem>>) target(%dma_start3A_61 : memref<80x128xf32, #tpu.memory_space<hbm>>) target_semaphore(%run_scoped3A : memref<!tpu.dma_semaphore, #tpu.memory_space<semaphore_mem>>)
      %dma_wait3A = arith.constant 0 : i32
      %dma_wait3A_62 = tpu.memref_slice %arg5[%arg0, %add3A_32, %dma_wait3A] : memref<2x10240x128xf32, #tpu.memory_space<hbm>> -> memref<1x80x128xf32, #tpu.memory_space<hbm>>
      %dma_wait3A_63 = tpu.memref_squeeze %dma_wait3A_62 : memref<1x80x128xf32, #tpu.memory_space<hbm>> -> memref<80x128xf32, #tpu.memory_space<hbm>>
      %dma_wait3A_64 = arith.constant 0 : i32
      %dma_wait3A_65 = tpu.memref_slice %arg5[%arg0, %add3A_32, %dma_wait3A_64] : memref<2x10240x128xf32, #tpu.memory_space<hbm>> -> memref<1x80x128xf32, #tpu.memory_space<hbm>>
      %dma_wait3A_66 = tpu.memref_squeeze %dma_wait3A_65 : memref<1x80x128xf32, #tpu.memory_space<hbm>> -> memref<80x128xf32, #tpu.memory_space<hbm>>
      tpu.wait_dma2 semaphore(%run_scoped3A : memref<!tpu.dma_semaphore, #tpu.memory_space<semaphore_mem>>) src(%arg8 : memref<80x128xf32, #tpu.memory_space<vmem>>) dst(%dma_wait3A_66 : memref<80x128xf32, #tpu.memory_space<hbm>>)
      tpu.yield
    }) : () -> ()
    %add3A_33 = arith.constant 160 : i32
    %add3A_34 = arith.addi %mul3A_2, %add3A_33 : i32
    "tpu.region"() ({
      %run_scoped3A = tpu.sem_alloc : memref<!tpu.dma_semaphore, #tpu.memory_space<semaphore_mem>>
      %dma_start3A = arith.constant 0 : i32
      %dma_start3A_57 = tpu.memref_slice %arg9[%add3A_34, %dma_start3A] : memref<10240x128xf32, #tpu.memory_space<vmem_shared>> -> memref<80x128xf32, #tpu.memory_space<vmem_shared>>
      %dma_start3A_58 = arith.constant 0 : i32
      %dma_start3A_59 = tpu.memref_slice %arg9[%add3A_34, %dma_start3A_58] : memref<10240x128xf32, #tpu.memory_space<vmem_shared>> -> memref<80x128xf32, #tpu.memory_space<vmem_shared>>
      tpu.enqueue_dma source(%dma_start3A_59 : memref<80x128xf32, #tpu.memory_space<vmem_shared>>) target(%arg8 : memref<80x128xf32, #tpu.memory_space<vmem>>) target_semaphore(%run_scoped3A : memref<!tpu.dma_semaphore, #tpu.memory_space<semaphore_mem>>)
      %dma_wait3A = arith.constant 0 : i32
      %dma_wait3A_60 = tpu.memref_slice %arg9[%add3A_34, %dma_wait3A] : memref<10240x128xf32, #tpu.memory_space<vmem_shared>> -> memref<80x128xf32, #tpu.memory_space<vmem_shared>>
      %dma_wait3A_61 = arith.constant 0 : i32
      %dma_wait3A_62 = tpu.memref_slice %arg9[%add3A_34, %dma_wait3A_61] : memref<10240x128xf32, #tpu.memory_space<vmem_shared>> -> memref<80x128xf32, #tpu.memory_space<vmem_shared>>
      tpu.wait_dma2 semaphore(%run_scoped3A : memref<!tpu.dma_semaphore, #tpu.memory_space<semaphore_mem>>) src(%dma_wait3A_62 : memref<80x128xf32, #tpu.memory_space<vmem_shared>>) dst(%arg8 : memref<80x128xf32, #tpu.memory_space<vmem>>)
      tpu.yield
    }) : () -> ()
    %add3A_35 = arith.constant 160 : i32
    %add3A_36 = arith.addi %mul3A_2, %add3A_35 : i32
    "tpu.region"() ({
      %run_scoped3A = tpu.sem_alloc : memref<!tpu.dma_semaphore, #tpu.memory_space<semaphore_mem>>
      %dma_start3A = arith.constant 0 : i32
      %dma_start3A_57 = tpu.memref_slice %arg5[%arg0, %add3A_36, %dma_start3A] : memref<2x10240x128xf32, #tpu.memory_space<hbm>> -> memref<1x80x128xf32, #tpu.memory_space<hbm>>
      %dma_start3A_58 = tpu.memref_squeeze %dma_start3A_57 : memref<1x80x128xf32, #tpu.memory_space<hbm>> -> memref<80x128xf32, #tpu.memory_space<hbm>>
      %dma_start3A_59 = arith.constant 0 : i32
      %dma_start3A_60 = tpu.memref_slice %arg5[%arg0, %add3A_36, %dma_start3A_59] : memref<2x10240x128xf32, #tpu.memory_space<hbm>> -> memref<1x80x128xf32, #tpu.memory_space<hbm>>
      %dma_start3A_61 = tpu.memref_squeeze %dma_start3A_60 : memref<1x80x128xf32, #tpu.memory_space<hbm>> -> memref<80x128xf32, #tpu.memory_space<hbm>>
      tpu.enqueue_dma source(%arg8 : memref<80x128xf32, #tpu.memory_space<vmem>>) target(%dma_start3A_61 : memref<80x128xf32, #tpu.memory_space<hbm>>) target_semaphore(%run_scoped3A : memref<!tpu.dma_semaphore, #tpu.memory_space<semaphore_mem>>)
      %dma_wait3A = arith.constant 0 : i32
      %dma_wait3A_62 = tpu.memref_slice %arg5[%arg0, %add3A_36, %dma_wait3A] : memref<2x10240x128xf32, #tpu.memory_space<hbm>> -> memref<1x80x128xf32, #tpu.memory_space<hbm>>
      %dma_wait3A_63 = tpu.memref_squeeze %dma_wait3A_62 : memref<1x80x128xf32, #tpu.memory_space<hbm>> -> memref<80x128xf32, #tpu.memory_space<hbm>>
      %dma_wait3A_64 = arith.constant 0 : i32
      %dma_wait3A_65 = tpu.memref_slice %arg5[%arg0, %add3A_36, %dma_wait3A_64] : memref<2x10240x128xf32, #tpu.memory_space<hbm>> -> memref<1x80x128xf32, #tpu.memory_space<hbm>>
      %dma_wait3A_66 = tpu.memref_squeeze %dma_wait3A_65 : memref<1x80x128xf32, #tpu.memory_space<hbm>> -> memref<80x128xf32, #tpu.memory_space<hbm>>
      tpu.wait_dma2 semaphore(%run_scoped3A : memref<!tpu.dma_semaphore, #tpu.memory_space<semaphore_mem>>) src(%arg8 : memref<80x128xf32, #tpu.memory_space<vmem>>) dst(%dma_wait3A_66 : memref<80x128xf32, #tpu.memory_space<hbm>>)
      tpu.yield
    }) : () -> ()
    %add3A_37 = arith.constant 240 : i32
    %add3A_38 = arith.addi %mul3A_2, %add3A_37 : i32
    "tpu.region"() ({
      %run_scoped3A = tpu.sem_alloc : memref<!tpu.dma_semaphore, #tpu.memory_space<semaphore_mem>>
      %dma_start3A = arith.constant 0 : i32
      %dma_start3A_57 = tpu.memref_slice %arg9[%add3A_38, %dma_start3A] : memref<10240x128xf32, #tpu.memory_space<vmem_shared>> -> memref<80x128xf32, #tpu.memory_space<vmem_shared>>
      %dma_start3A_58 = arith.constant 0 : i32
      %dma_start3A_59 = tpu.memref_slice %arg9[%add3A_38, %dma_start3A_58] : memref<10240x128xf32, #tpu.memory_space<vmem_shared>> -> memref<80x128xf32, #tpu.memory_space<vmem_shared>>
      tpu.enqueue_dma source(%dma_start3A_59 : memref<80x128xf32, #tpu.memory_space<vmem_shared>>) target(%arg8 : memref<80x128xf32, #tpu.memory_space<vmem>>) target_semaphore(%run_scoped3A : memref<!tpu.dma_semaphore, #tpu.memory_space<semaphore_mem>>)
      %dma_wait3A = arith.constant 0 : i32
      %dma_wait3A_60 = tpu.memref_slice %arg9[%add3A_38, %dma_wait3A] : memref<10240x128xf32, #tpu.memory_space<vmem_shared>> -> memref<80x128xf32, #tpu.memory_space<vmem_shared>>
      %dma_wait3A_61 = arith.constant 0 : i32
      %dma_wait3A_62 = tpu.memref_slice %arg9[%add3A_38, %dma_wait3A_61] : memref<10240x128xf32, #tpu.memory_space<vmem_shared>> -> memref<80x128xf32, #tpu.memory_space<vmem_shared>>
      tpu.wait_dma2 semaphore(%run_scoped3A : memref<!tpu.dma_semaphore, #tpu.memory_space<semaphore_mem>>) src(%dma_wait3A_62 : memref<80x128xf32, #tpu.memory_space<vmem_shared>>) dst(%arg8 : memref<80x128xf32, #tpu.memory_space<vmem>>)
      tpu.yield
    }) : () -> ()
    %add3A_39 = arith.constant 240 : i32
    %add3A_40 = arith.addi %mul3A_2, %add3A_39 : i32
    "tpu.region"() ({
      %run_scoped3A = tpu.sem_alloc : memref<!tpu.dma_semaphore, #tpu.memory_space<semaphore_mem>>
      %dma_start3A = arith.constant 0 : i32
      %dma_start3A_57 = tpu.memref_slice %arg5[%arg0, %add3A_40, %dma_start3A] : memref<2x10240x128xf32, #tpu.memory_space<hbm>> -> memref<1x80x128xf32, #tpu.memory_space<hbm>>
      %dma_start3A_58 = tpu.memref_squeeze %dma_start3A_57 : memref<1x80x128xf32, #tpu.memory_space<hbm>> -> memref<80x128xf32, #tpu.memory_space<hbm>>
      %dma_start3A_59 = arith.constant 0 : i32
      %dma_start3A_60 = tpu.memref_slice %arg5[%arg0, %add3A_40, %dma_start3A_59] : memref<2x10240x128xf32, #tpu.memory_space<hbm>> -> memref<1x80x128xf32, #tpu.memory_space<hbm>>
      %dma_start3A_61 = tpu.memref_squeeze %dma_start3A_60 : memref<1x80x128xf32, #tpu.memory_space<hbm>> -> memref<80x128xf32, #tpu.memory_space<hbm>>
      tpu.enqueue_dma source(%arg8 : memref<80x128xf32, #tpu.memory_space<vmem>>) target(%dma_start3A_61 : memref<80x128xf32, #tpu.memory_space<hbm>>) target_semaphore(%run_scoped3A : memref<!tpu.dma_semaphore, #tpu.memory_space<semaphore_mem>>)
      %dma_wait3A = arith.constant 0 : i32
      %dma_wait3A_62 = tpu.memref_slice %arg5[%arg0, %add3A_40, %dma_wait3A] : memref<2x10240x128xf32, #tpu.memory_space<hbm>> -> memref<1x80x128xf32, #tpu.memory_space<hbm>>
      %dma_wait3A_63 = tpu.memref_squeeze %dma_wait3A_62 : memref<1x80x128xf32, #tpu.memory_space<hbm>> -> memref<80x128xf32, #tpu.memory_space<hbm>>
      %dma_wait3A_64 = arith.constant 0 : i32
      %dma_wait3A_65 = tpu.memref_slice %arg5[%arg0, %add3A_40, %dma_wait3A_64] : memref<2x10240x128xf32, #tpu.memory_space<hbm>> -> memref<1x80x128xf32, #tpu.memory_space<hbm>>
      %dma_wait3A_66 = tpu.memref_squeeze %dma_wait3A_65 : memref<1x80x128xf32, #tpu.memory_space<hbm>> -> memref<80x128xf32, #tpu.memory_space<hbm>>
      tpu.wait_dma2 semaphore(%run_scoped3A : memref<!tpu.dma_semaphore, #tpu.memory_space<semaphore_mem>>) src(%arg8 : memref<80x128xf32, #tpu.memory_space<vmem>>) dst(%dma_wait3A_66 : memref<80x128xf32, #tpu.memory_space<hbm>>)
      tpu.yield
    }) : () -> ()
    %add3A_41 = arith.constant 320 : i32
    %add3A_42 = arith.addi %mul3A_2, %add3A_41 : i32
    "tpu.region"() ({
      %run_scoped3A = tpu.sem_alloc : memref<!tpu.dma_semaphore, #tpu.memory_space<semaphore_mem>>
      %dma_start3A = arith.constant 0 : i32
      %dma_start3A_57 = tpu.memref_slice %arg9[%add3A_42, %dma_start3A] : memref<10240x128xf32, #tpu.memory_space<vmem_shared>> -> memref<80x128xf32, #tpu.memory_space<vmem_shared>>
      %dma_start3A_58 = arith.constant 0 : i32
      %dma_start3A_59 = tpu.memref_slice %arg9[%add3A_42, %dma_start3A_58] : memref<10240x128xf32, #tpu.memory_space<vmem_shared>> -> memref<80x128xf32, #tpu.memory_space<vmem_shared>>
      tpu.enqueue_dma source(%dma_start3A_59 : memref<80x128xf32, #tpu.memory_space<vmem_shared>>) target(%arg8 : memref<80x128xf32, #tpu.memory_space<vmem>>) target_semaphore(%run_scoped3A : memref<!tpu.dma_semaphore, #tpu.memory_space<semaphore_mem>>)
      %dma_wait3A = arith.constant 0 : i32
      %dma_wait3A_60 = tpu.memref_slice %arg9[%add3A_42, %dma_wait3A] : memref<10240x128xf32, #tpu.memory_space<vmem_shared>> -> memref<80x128xf32, #tpu.memory_space<vmem_shared>>
      %dma_wait3A_61 = arith.constant 0 : i32
      %dma_wait3A_62 = tpu.memref_slice %arg9[%add3A_42, %dma_wait3A_61] : memref<10240x128xf32, #tpu.memory_space<vmem_shared>> -> memref<80x128xf32, #tpu.memory_space<vmem_shared>>
      tpu.wait_dma2 semaphore(%run_scoped3A : memref<!tpu.dma_semaphore, #tpu.memory_space<semaphore_mem>>) src(%dma_wait3A_62 : memref<80x128xf32, #tpu.memory_space<vmem_shared>>) dst(%arg8 : memref<80x128xf32, #tpu.memory_space<vmem>>)
      tpu.yield
    }) : () -> ()
    %add3A_43 = arith.constant 320 : i32
    %add3A_44 = arith.addi %mul3A_2, %add3A_43 : i32
    "tpu.region"() ({
      %run_scoped3A = tpu.sem_alloc : memref<!tpu.dma_semaphore, #tpu.memory_space<semaphore_mem>>
      %dma_start3A = arith.constant 0 : i32
      %dma_start3A_57 = tpu.memref_slice %arg5[%arg0, %add3A_44, %dma_start3A] : memref<2x10240x128xf32, #tpu.memory_space<hbm>> -> memref<1x80x128xf32, #tpu.memory_space<hbm>>
      %dma_start3A_58 = tpu.memref_squeeze %dma_start3A_57 : memref<1x80x128xf32, #tpu.memory_space<hbm>> -> memref<80x128xf32, #tpu.memory_space<hbm>>
      %dma_start3A_59 = arith.constant 0 : i32
      %dma_start3A_60 = tpu.memref_slice %arg5[%arg0, %add3A_44, %dma_start3A_59] : memref<2x10240x128xf32, #tpu.memory_space<hbm>> -> memref<1x80x128xf32, #tpu.memory_space<hbm>>
      %dma_start3A_61 = tpu.memref_squeeze %dma_start3A_60 : memref<1x80x128xf32, #tpu.memory_space<hbm>> -> memref<80x128xf32, #tpu.memory_space<hbm>>
      tpu.enqueue_dma source(%arg8 : memref<80x128xf32, #tpu.memory_space<vmem>>) target(%dma_start3A_61 : memref<80x128xf32, #tpu.memory_space<hbm>>) target_semaphore(%run_scoped3A : memref<!tpu.dma_semaphore, #tpu.memory_space<semaphore_mem>>)
      %dma_wait3A = arith.constant 0 : i32
      %dma_wait3A_62 = tpu.memref_slice %arg5[%arg0, %add3A_44, %dma_wait3A] : memref<2x10240x128xf32, #tpu.memory_space<hbm>> -> memref<1x80x128xf32, #tpu.memory_space<hbm>>
      %dma_wait3A_63 = tpu.memref_squeeze %dma_wait3A_62 : memref<1x80x128xf32, #tpu.memory_space<hbm>> -> memref<80x128xf32, #tpu.memory_space<hbm>>
      %dma_wait3A_64 = arith.constant 0 : i32
      %dma_wait3A_65 = tpu.memref_slice %arg5[%arg0, %add3A_44, %dma_wait3A_64] : memref<2x10240x128xf32, #tpu.memory_space<hbm>> -> memref<1x80x128xf32, #tpu.memory_space<hbm>>
      %dma_wait3A_66 = tpu.memref_squeeze %dma_wait3A_65 : memref<1x80x128xf32, #tpu.memory_space<hbm>> -> memref<80x128xf32, #tpu.memory_space<hbm>>
      tpu.wait_dma2 semaphore(%run_scoped3A : memref<!tpu.dma_semaphore, #tpu.memory_space<semaphore_mem>>) src(%arg8 : memref<80x128xf32, #tpu.memory_space<vmem>>) dst(%dma_wait3A_66 : memref<80x128xf32, #tpu.memory_space<hbm>>)
      tpu.yield
    }) : () -> ()
    %add3A_45 = arith.constant 400 : i32
    %add3A_46 = arith.addi %mul3A_2, %add3A_45 : i32
    "tpu.region"() ({
      %run_scoped3A = tpu.sem_alloc : memref<!tpu.dma_semaphore, #tpu.memory_space<semaphore_mem>>
      %dma_start3A = arith.constant 0 : i32
      %dma_start3A_57 = tpu.memref_slice %arg9[%add3A_46, %dma_start3A] : memref<10240x128xf32, #tpu.memory_space<vmem_shared>> -> memref<80x128xf32, #tpu.memory_space<vmem_shared>>
      %dma_start3A_58 = arith.constant 0 : i32
      %dma_start3A_59 = tpu.memref_slice %arg9[%add3A_46, %dma_start3A_58] : memref<10240x128xf32, #tpu.memory_space<vmem_shared>> -> memref<80x128xf32, #tpu.memory_space<vmem_shared>>
      tpu.enqueue_dma source(%dma_start3A_59 : memref<80x128xf32, #tpu.memory_space<vmem_shared>>) target(%arg8 : memref<80x128xf32, #tpu.memory_space<vmem>>) target_semaphore(%run_scoped3A : memref<!tpu.dma_semaphore, #tpu.memory_space<semaphore_mem>>)
      %dma_wait3A = arith.constant 0 : i32
      %dma_wait3A_60 = tpu.memref_slice %arg9[%add3A_46, %dma_wait3A] : memref<10240x128xf32, #tpu.memory_space<vmem_shared>> -> memref<80x128xf32, #tpu.memory_space<vmem_shared>>
      %dma_wait3A_61 = arith.constant 0 : i32
      %dma_wait3A_62 = tpu.memref_slice %arg9[%add3A_46, %dma_wait3A_61] : memref<10240x128xf32, #tpu.memory_space<vmem_shared>> -> memref<80x128xf32, #tpu.memory_space<vmem_shared>>
      tpu.wait_dma2 semaphore(%run_scoped3A : memref<!tpu.dma_semaphore, #tpu.memory_space<semaphore_mem>>) src(%dma_wait3A_62 : memref<80x128xf32, #tpu.memory_space<vmem_shared>>) dst(%arg8 : memref<80x128xf32, #tpu.memory_space<vmem>>)
      tpu.yield
    }) : () -> ()
    %add3A_47 = arith.constant 400 : i32
    %add3A_48 = arith.addi %mul3A_2, %add3A_47 : i32
    "tpu.region"() ({
      %run_scoped3A = tpu.sem_alloc : memref<!tpu.dma_semaphore, #tpu.memory_space<semaphore_mem>>
      %dma_start3A = arith.constant 0 : i32
      %dma_start3A_57 = tpu.memref_slice %arg5[%arg0, %add3A_48, %dma_start3A] : memref<2x10240x128xf32, #tpu.memory_space<hbm>> -> memref<1x80x128xf32, #tpu.memory_space<hbm>>
      %dma_start3A_58 = tpu.memref_squeeze %dma_start3A_57 : memref<1x80x128xf32, #tpu.memory_space<hbm>> -> memref<80x128xf32, #tpu.memory_space<hbm>>
      %dma_start3A_59 = arith.constant 0 : i32
      %dma_start3A_60 = tpu.memref_slice %arg5[%arg0, %add3A_48, %dma_start3A_59] : memref<2x10240x128xf32, #tpu.memory_space<hbm>> -> memref<1x80x128xf32, #tpu.memory_space<hbm>>
      %dma_start3A_61 = tpu.memref_squeeze %dma_start3A_60 : memref<1x80x128xf32, #tpu.memory_space<hbm>> -> memref<80x128xf32, #tpu.memory_space<hbm>>
      tpu.enqueue_dma source(%arg8 : memref<80x128xf32, #tpu.memory_space<vmem>>) target(%dma_start3A_61 : memref<80x128xf32, #tpu.memory_space<hbm>>) target_semaphore(%run_scoped3A : memref<!tpu.dma_semaphore, #tpu.memory_space<semaphore_mem>>)
      %dma_wait3A = arith.constant 0 : i32
      %dma_wait3A_62 = tpu.memref_slice %arg5[%arg0, %add3A_48, %dma_wait3A] : memref<2x10240x128xf32, #tpu.memory_space<hbm>> -> memref<1x80x128xf32, #tpu.memory_space<hbm>>
      %dma_wait3A_63 = tpu.memref_squeeze %dma_wait3A_62 : memref<1x80x128xf32, #tpu.memory_space<hbm>> -> memref<80x128xf32, #tpu.memory_space<hbm>>
      %dma_wait3A_64 = arith.constant 0 : i32
      %dma_wait3A_65 = tpu.memref_slice %arg5[%arg0, %add3A_48, %dma_wait3A_64] : memref<2x10240x128xf32, #tpu.memory_space<hbm>> -> memref<1x80x128xf32, #tpu.memory_space<hbm>>
      %dma_wait3A_66 = tpu.memref_squeeze %dma_wait3A_65 : memref<1x80x128xf32, #tpu.memory_space<hbm>> -> memref<80x128xf32, #tpu.memory_space<hbm>>
      tpu.wait_dma2 semaphore(%run_scoped3A : memref<!tpu.dma_semaphore, #tpu.memory_space<semaphore_mem>>) src(%arg8 : memref<80x128xf32, #tpu.memory_space<vmem>>) dst(%dma_wait3A_66 : memref<80x128xf32, #tpu.memory_space<hbm>>)
      tpu.yield
    }) : () -> ()
    %add3A_49 = arith.constant 480 : i32
    %add3A_50 = arith.addi %mul3A_2, %add3A_49 : i32
    "tpu.region"() ({
      %run_scoped3A = tpu.sem_alloc : memref<!tpu.dma_semaphore, #tpu.memory_space<semaphore_mem>>
      %dma_start3A = arith.constant 0 : i32
      %dma_start3A_57 = tpu.memref_slice %arg9[%add3A_50, %dma_start3A] : memref<10240x128xf32, #tpu.memory_space<vmem_shared>> -> memref<80x128xf32, #tpu.memory_space<vmem_shared>>
      %dma_start3A_58 = arith.constant 0 : i32
      %dma_start3A_59 = tpu.memref_slice %arg9[%add3A_50, %dma_start3A_58] : memref<10240x128xf32, #tpu.memory_space<vmem_shared>> -> memref<80x128xf32, #tpu.memory_space<vmem_shared>>
      tpu.enqueue_dma source(%dma_start3A_59 : memref<80x128xf32, #tpu.memory_space<vmem_shared>>) target(%arg8 : memref<80x128xf32, #tpu.memory_space<vmem>>) target_semaphore(%run_scoped3A : memref<!tpu.dma_semaphore, #tpu.memory_space<semaphore_mem>>)
      %dma_wait3A = arith.constant 0 : i32
      %dma_wait3A_60 = tpu.memref_slice %arg9[%add3A_50, %dma_wait3A] : memref<10240x128xf32, #tpu.memory_space<vmem_shared>> -> memref<80x128xf32, #tpu.memory_space<vmem_shared>>
      %dma_wait3A_61 = arith.constant 0 : i32
      %dma_wait3A_62 = tpu.memref_slice %arg9[%add3A_50, %dma_wait3A_61] : memref<10240x128xf32, #tpu.memory_space<vmem_shared>> -> memref<80x128xf32, #tpu.memory_space<vmem_shared>>
      tpu.wait_dma2 semaphore(%run_scoped3A : memref<!tpu.dma_semaphore, #tpu.memory_space<semaphore_mem>>) src(%dma_wait3A_62 : memref<80x128xf32, #tpu.memory_space<vmem_shared>>) dst(%arg8 : memref<80x128xf32, #tpu.memory_space<vmem>>)
      tpu.yield
    }) : () -> ()
    %add3A_51 = arith.constant 480 : i32
    %add3A_52 = arith.addi %mul3A_2, %add3A_51 : i32
    "tpu.region"() ({
      %run_scoped3A = tpu.sem_alloc : memref<!tpu.dma_semaphore, #tpu.memory_space<semaphore_mem>>
      %dma_start3A = arith.constant 0 : i32
      %dma_start3A_57 = tpu.memref_slice %arg5[%arg0, %add3A_52, %dma_start3A] : memref<2x10240x128xf32, #tpu.memory_space<hbm>> -> memref<1x80x128xf32, #tpu.memory_space<hbm>>
      %dma_start3A_58 = tpu.memref_squeeze %dma_start3A_57 : memref<1x80x128xf32, #tpu.memory_space<hbm>> -> memref<80x128xf32, #tpu.memory_space<hbm>>
      %dma_start3A_59 = arith.constant 0 : i32
      %dma_start3A_60 = tpu.memref_slice %arg5[%arg0, %add3A_52, %dma_start3A_59] : memref<2x10240x128xf32, #tpu.memory_space<hbm>> -> memref<1x80x128xf32, #tpu.memory_space<hbm>>
      %dma_start3A_61 = tpu.memref_squeeze %dma_start3A_60 : memref<1x80x128xf32, #tpu.memory_space<hbm>> -> memref<80x128xf32, #tpu.memory_space<hbm>>
      tpu.enqueue_dma source(%arg8 : memref<80x128xf32, #tpu.memory_space<vmem>>) target(%dma_start3A_61 : memref<80x128xf32, #tpu.memory_space<hbm>>) target_semaphore(%run_scoped3A : memref<!tpu.dma_semaphore, #tpu.memory_space<semaphore_mem>>)
      %dma_wait3A = arith.constant 0 : i32
      %dma_wait3A_62 = tpu.memref_slice %arg5[%arg0, %add3A_52, %dma_wait3A] : memref<2x10240x128xf32, #tpu.memory_space<hbm>> -> memref<1x80x128xf32, #tpu.memory_space<hbm>>
      %dma_wait3A_63 = tpu.memref_squeeze %dma_wait3A_62 : memref<1x80x128xf32, #tpu.memory_space<hbm>> -> memref<80x128xf32, #tpu.memory_space<hbm>>
      %dma_wait3A_64 = arith.constant 0 : i32
      %dma_wait3A_65 = tpu.memref_slice %arg5[%arg0, %add3A_52, %dma_wait3A_64] : memref<2x10240x128xf32, #tpu.memory_space<hbm>> -> memref<1x80x128xf32, #tpu.memory_space<hbm>>
      %dma_wait3A_66 = tpu.memref_squeeze %dma_wait3A_65 : memref<1x80x128xf32, #tpu.memory_space<hbm>> -> memref<80x128xf32, #tpu.memory_space<hbm>>
      tpu.wait_dma2 semaphore(%run_scoped3A : memref<!tpu.dma_semaphore, #tpu.memory_space<semaphore_mem>>) src(%arg8 : memref<80x128xf32, #tpu.memory_space<vmem>>) dst(%dma_wait3A_66 : memref<80x128xf32, #tpu.memory_space<hbm>>)
      tpu.yield
    }) : () -> ()
    %add3A_53 = arith.constant 560 : i32
    %add3A_54 = arith.addi %mul3A_2, %add3A_53 : i32
    "tpu.region"() ({
      %run_scoped3A = tpu.sem_alloc : memref<!tpu.dma_semaphore, #tpu.memory_space<semaphore_mem>>
      %dma_start3A = arith.constant 0 : i32
      %dma_start3A_57 = tpu.memref_slice %arg9[%add3A_54, %dma_start3A] : memref<10240x128xf32, #tpu.memory_space<vmem_shared>> -> memref<80x128xf32, #tpu.memory_space<vmem_shared>>
      %dma_start3A_58 = arith.constant 0 : i32
      %dma_start3A_59 = tpu.memref_slice %arg9[%add3A_54, %dma_start3A_58] : memref<10240x128xf32, #tpu.memory_space<vmem_shared>> -> memref<80x128xf32, #tpu.memory_space<vmem_shared>>
      tpu.enqueue_dma source(%dma_start3A_59 : memref<80x128xf32, #tpu.memory_space<vmem_shared>>) target(%arg8 : memref<80x128xf32, #tpu.memory_space<vmem>>) target_semaphore(%run_scoped3A : memref<!tpu.dma_semaphore, #tpu.memory_space<semaphore_mem>>)
      %dma_wait3A = arith.constant 0 : i32
      %dma_wait3A_60 = tpu.memref_slice %arg9[%add3A_54, %dma_wait3A] : memref<10240x128xf32, #tpu.memory_space<vmem_shared>> -> memref<80x128xf32, #tpu.memory_space<vmem_shared>>
      %dma_wait3A_61 = arith.constant 0 : i32
      %dma_wait3A_62 = tpu.memref_slice %arg9[%add3A_54, %dma_wait3A_61] : memref<10240x128xf32, #tpu.memory_space<vmem_shared>> -> memref<80x128xf32, #tpu.memory_space<vmem_shared>>
      tpu.wait_dma2 semaphore(%run_scoped3A : memref<!tpu.dma_semaphore, #tpu.memory_space<semaphore_mem>>) src(%dma_wait3A_62 : memref<80x128xf32, #tpu.memory_space<vmem_shared>>) dst(%arg8 : memref<80x128xf32, #tpu.memory_space<vmem>>)
      tpu.yield
    }) : () -> ()
    %add3A_55 = arith.constant 560 : i32
    %add3A_56 = arith.addi %mul3A_2, %add3A_55 : i32
    "tpu.region"() ({
      %run_scoped3A = tpu.sem_alloc : memref<!tpu.dma_semaphore, #tpu.memory_space<semaphore_mem>>
      %dma_start3A = arith.constant 0 : i32
      %dma_start3A_57 = tpu.memref_slice %arg5[%arg0, %add3A_56, %dma_start3A] : memref<2x10240x128xf32, #tpu.memory_space<hbm>> -> memref<1x80x128xf32, #tpu.memory_space<hbm>>
      %dma_start3A_58 = tpu.memref_squeeze %dma_start3A_57 : memref<1x80x128xf32, #tpu.memory_space<hbm>> -> memref<80x128xf32, #tpu.memory_space<hbm>>
      %dma_start3A_59 = arith.constant 0 : i32
      %dma_start3A_60 = tpu.memref_slice %arg5[%arg0, %add3A_56, %dma_start3A_59] : memref<2x10240x128xf32, #tpu.memory_space<hbm>> -> memref<1x80x128xf32, #tpu.memory_space<hbm>>
      %dma_start3A_61 = tpu.memref_squeeze %dma_start3A_60 : memref<1x80x128xf32, #tpu.memory_space<hbm>> -> memref<80x128xf32, #tpu.memory_space<hbm>>
      tpu.enqueue_dma source(%arg8 : memref<80x128xf32, #tpu.memory_space<vmem>>) target(%dma_start3A_61 : memref<80x128xf32, #tpu.memory_space<hbm>>) target_semaphore(%run_scoped3A : memref<!tpu.dma_semaphore, #tpu.memory_space<semaphore_mem>>)
      %dma_wait3A = arith.constant 0 : i32
      %dma_wait3A_62 = tpu.memref_slice %arg5[%arg0, %add3A_56, %dma_wait3A] : memref<2x10240x128xf32, #tpu.memory_space<hbm>> -> memref<1x80x128xf32, #tpu.memory_space<hbm>>
      %dma_wait3A_63 = tpu.memref_squeeze %dma_wait3A_62 : memref<1x80x128xf32, #tpu.memory_space<hbm>> -> memref<80x128xf32, #tpu.memory_space<hbm>>
      %dma_wait3A_64 = arith.constant 0 : i32
      %dma_wait3A_65 = tpu.memref_slice %arg5[%arg0, %add3A_56, %dma_wait3A_64] : memref<2x10240x128xf32, #tpu.memory_space<hbm>> -> memref<1x80x128xf32, #tpu.memory_space<hbm>>
      %dma_wait3A_66 = tpu.memref_squeeze %dma_wait3A_65 : memref<1x80x128xf32, #tpu.memory_space<hbm>> -> memref<80x128xf32, #tpu.memory_space<hbm>>
      tpu.wait_dma2 semaphore(%run_scoped3A : memref<!tpu.dma_semaphore, #tpu.memory_space<semaphore_mem>>) src(%arg8 : memref<80x128xf32, #tpu.memory_space<vmem>>) dst(%dma_wait3A_66 : memref<80x128xf32, #tpu.memory_space<hbm>>)
      tpu.yield
    }) : () -> ()
    return
  }
}

module attributes {stable_mosaic.version = 14 : i64} {
  func.func @_edge_mlp_body(%arg0: i32, %arg1: memref<2560x140xf32, #tpu.memory_space<vmem>>, %arg2: memref<140x128xf32, #tpu.memory_space<vmem>>, %arg3: memref<1x128xf32, #tpu.memory_space<vmem>>, %arg4: memref<128x128xf32, #tpu.memory_space<vmem>>, %arg5: memref<1x128xf32, #tpu.memory_space<vmem>>, %arg6: memref<2560x128xf32, #tpu.memory_space<vmem>>) attributes {dimension_semantics = [#tpu.dimension_semantics<arbitrary>], iteration_bounds = array<i64: 125>, scalar_prefetch = 0 : i64, scratch_operands = 0 : i64, tpu.core_type = #tpu.core_type<tc>, window_params = [{transform_indices = @transform_0, window_bounds = array<i64: 2560, 140>}, {pipeline_mode = #tpu.pipeline_mode<synchronous>, transform_indices = @transform_1, window_bounds = array<i64: 140, 128>}, {pipeline_mode = #tpu.pipeline_mode<synchronous>, transform_indices = @transform_2, window_bounds = array<i64: 1, 128>}, {pipeline_mode = #tpu.pipeline_mode<synchronous>, transform_indices = @transform_3, window_bounds = array<i64: 128, 128>}, {pipeline_mode = #tpu.pipeline_mode<synchronous>, transform_indices = @transform_4, window_bounds = array<i64: 1, 128>}, {transform_indices = @transform_5, window_bounds = array<i64: 2560, 128>}]} {
    %get3A = arith.constant 0 : index
    %get3A_0 = arith.constant 0 : index
    %get3A_1 = vector.load %arg1[%get3A, %get3A_0] : memref<2560x140xf32, #tpu.memory_space<vmem>>, vector<2560x140xf32>
    %get3A_2 = arith.constant 0 : index
    %get3A_3 = arith.constant 0 : index
    %get3A_4 = vector.load %arg2[%get3A_2, %get3A_3] : memref<140x128xf32, #tpu.memory_space<vmem>>, vector<140x128xf32>
    %dot_general3A = arith.constant dense<0.000000e+00> : vector<2560x128xf32>
    %dot_general3A_5 = tpu.matmul %get3A_1, %get3A_4, %dot_general3A {dimension_numbers = #tpu.dot_dimension_numbers<[1], [0], [0], [1], [0, 0, 1, 1], [], []>, transpose_lhs_hint = false} : vector<2560x140xf32>, vector<140x128xf32>, vector<2560x128xf32> -> vector<2560x128xf32>
    %get3A_6 = arith.constant 0 : index
    %get3A_7 = arith.constant 0 : index
    %get3A_8 = vector.load %arg3[%get3A_6, %get3A_7] : memref<1x128xf32, #tpu.memory_space<vmem>>, vector<1x128xf32>
    %add3A = vector.broadcast %get3A_8 : vector<1x128xf32> to vector<2560x128xf32>
    %add3A_9 = arith.addf %dot_general3A_5, %add3A : vector<2560x128xf32>
    %logistic3A = arith.negf %add3A_9 : vector<2560x128xf32>
    %logistic3A_10 = math.exp %logistic3A : vector<2560x128xf32>
    %logistic3A_11 = arith.constant 1.000000e+00 : f32
    %logistic3A_12 = vector.broadcast %logistic3A_11 : f32 to vector<2560x128xf32>
    %logistic3A_13 = arith.addf %logistic3A_12, %logistic3A_10 : vector<2560x128xf32>
    %logistic3A_14 = arith.divf %logistic3A_12, %logistic3A_13 : vector<2560x128xf32>
    %mul3A = arith.mulf %add3A_9, %logistic3A_14 : vector<2560x128xf32>
    %get3A_15 = arith.constant 0 : index
    %get3A_16 = arith.constant 0 : index
    %get3A_17 = vector.load %arg4[%get3A_15, %get3A_16] : memref<128x128xf32, #tpu.memory_space<vmem>>, vector<128x128xf32>
    %dot_general3A_18 = arith.constant dense<0.000000e+00> : vector<2560x128xf32>
    %dot_general3A_19 = tpu.matmul %mul3A, %get3A_17, %dot_general3A_18 {dimension_numbers = #tpu.dot_dimension_numbers<[1], [0], [0], [1], [0, 0, 1, 1], [], []>, transpose_lhs_hint = false} : vector<2560x128xf32>, vector<128x128xf32>, vector<2560x128xf32> -> vector<2560x128xf32>
    %get3A_20 = arith.constant 0 : index
    %get3A_21 = arith.constant 0 : index
    %get3A_22 = vector.load %arg5[%get3A_20, %get3A_21] : memref<1x128xf32, #tpu.memory_space<vmem>>, vector<1x128xf32>
    %add3A_23 = vector.broadcast %get3A_22 : vector<1x128xf32> to vector<2560x128xf32>
    %add3A_24 = arith.addf %dot_general3A_19, %add3A_23 : vector<2560x128xf32>
    %swap3A = arith.constant 0 : index
    %swap3A_25 = arith.constant 0 : index
    %swap3A_26 = vector.load %arg6[%swap3A, %swap3A_25] : memref<2560x128xf32, #tpu.memory_space<vmem>>, vector<2560x128xf32>
    tpu.vector_store %arg6[%swap3A, %swap3A_25], %add3A_24 {strides = array<i32>} : memref<2560x128xf32, #tpu.memory_space<vmem>>, vector<2560x128xf32>,
    return
  }
  func.func @transform_0(%arg0: i32) -> (i32, i32) {
    %c0_i32 = arith.constant 0 : i32
    %c0_i32_0 = arith.constant 0 : i32
    return %arg0, %c0_i32 : i32, i32
  }
  func.func @transform_1(%arg0: i32) -> (i32, i32) {
    %c0_i32 = arith.constant 0 : i32
    %c0_i32_0 = arith.constant 0 : i32
    %c0_i32_1 = arith.constant 0 : i32
    return %c0_i32, %c0_i32_0 : i32, i32
  }
  func.func @transform_2(%arg0: i32) -> (i32, i32) {
    %c0_i32 = arith.constant 0 : i32
    %c0_i32_0 = arith.constant 0 : i32
    %c0_i32_1 = arith.constant 0 : i32
    return %c0_i32, %c0_i32_0 : i32, i32
  }
  func.func @transform_3(%arg0: i32) -> (i32, i32) {
    %c0_i32 = arith.constant 0 : i32
    %c0_i32_0 = arith.constant 0 : i32
    %c0_i32_1 = arith.constant 0 : i32
    return %c0_i32, %c0_i32_0 : i32, i32
  }
  func.func @transform_4(%arg0: i32) -> (i32, i32) {
    %c0_i32 = arith.constant 0 : i32
    %c0_i32_0 = arith.constant 0 : i32
    %c0_i32_1 = arith.constant 0 : i32
    return %c0_i32, %c0_i32_0 : i32, i32
  }
  func.func @transform_5(%arg0: i32) -> (i32, i32) {
    %c0_i32 = arith.constant 0 : i32
    %c0_i32_0 = arith.constant 0 : i32
    return %arg0, %c0_i32 : i32, i32
  }
}

module attributes {stable_mosaic.version = 14 : i64} {
  func.func @_final_body(%arg0: i32, %arg1: memref<2000x128xf32, #tpu.memory_space<vmem>>, %arg2: memref<2000x128xf32, #tpu.memory_space<vmem>>, %arg3: memref<2000x1xf32, #tpu.memory_space<vmem>>, %arg4: memref<2000x1xf32, #tpu.memory_space<vmem>>, %arg5: memref<2000x128xf32, #tpu.memory_space<vmem>>, %arg6: memref<128x128xf32, #tpu.memory_space<vmem>>, %arg7: memref<1x128xf32, #tpu.memory_space<vmem>>, %arg8: memref<128x128xf32, #tpu.memory_space<vmem>>, %arg9: memref<1x128xf32, #tpu.memory_space<vmem>>, %arg10: memref<128x128xf32, #tpu.memory_space<vmem>>, %arg11: memref<1x128xf32, #tpu.memory_space<vmem>>, %arg12: memref<128x128xf32, #tpu.memory_space<vmem>>, %arg13: memref<1x128xf32, #tpu.memory_space<vmem>>, %arg14: memref<2000x128xf32, #tpu.memory_space<vmem>>) attributes {dimension_semantics = [#tpu.dimension_semantics<arbitrary>], iteration_bounds = array<i64: 5>, scalar_prefetch = 0 : i64, scratch_operands = 0 : i64, tpu.core_type = #tpu.core_type<tc>, window_params = [{transform_indices = @transform_0, window_bounds = array<i64: 2000, 128>}, {transform_indices = @transform_1, window_bounds = array<i64: 2000, 128>}, {transform_indices = @transform_2, window_bounds = array<i64: 2000, 1>}, {transform_indices = @transform_3, window_bounds = array<i64: 2000, 1>}, {transform_indices = @transform_4, window_bounds = array<i64: 2000, 128>}, {pipeline_mode = #tpu.pipeline_mode<synchronous>, transform_indices = @transform_5, window_bounds = array<i64: 128, 128>}, {pipeline_mode = #tpu.pipeline_mode<synchronous>, transform_indices = @transform_6, window_bounds = array<i64: 1, 128>}, {pipeline_mode = #tpu.pipeline_mode<synchronous>, transform_indices = @transform_7, window_bounds = array<i64: 128, 128>}, {pipeline_mode = #tpu.pipeline_mode<synchronous>, transform_indices = @transform_8, window_bounds = array<i64: 1, 128>}, {pipeline_mode = #tpu.pipeline_mode<synchronous>, transform_indices = @transform_9, window_bounds = array<i64: 128, 128>}, {pipeline_mode = #tpu.pipeline_mode<synchronous>, transform_indices = @transform_10, window_bounds = array<i64: 1, 128>}, {pipeline_mode = #tpu.pipeline_mode<synchronous>, transform_indices = @transform_11, window_bounds = array<i64: 128, 128>}, {pipeline_mode = #tpu.pipeline_mode<synchronous>, transform_indices = @transform_12, window_bounds = array<i64: 1, 128>}, {transform_indices = @transform_13, window_bounds = array<i64: 2000, 128>}]} {
    %get3A = arith.constant 0 : index
    %get3A_0 = arith.constant 0 : index
    %get3A_1 = vector.load %arg1[%get3A, %get3A_0] : memref<2000x128xf32, #tpu.memory_space<vmem>>, vector<2000x128xf32>
    %get3A_2 = arith.constant 0 : index
    %get3A_3 = arith.constant 0 : index
    %get3A_4 = vector.load %arg2[%get3A_2, %get3A_3] : memref<2000x128xf32, #tpu.memory_space<vmem>>, vector<2000x128xf32>
    %add3A = arith.addf %get3A_1, %get3A_4 : vector<2000x128xf32>
    %get3A_5 = arith.constant 0 : index
    %get3A_6 = arith.constant 0 : index
    %get3A_7 = vector.load %arg3[%get3A_5, %get3A_6] : memref<2000x1xf32, #tpu.memory_space<vmem>>, vector<2000x1xf32>
    %get3A_8 = arith.constant 0 : index
    %get3A_9 = arith.constant 0 : index
    %get3A_10 = vector.load %arg4[%get3A_8, %get3A_9] : memref<2000x1xf32, #tpu.memory_space<vmem>>, vector<2000x1xf32>
    %add3A_11 = arith.addf %get3A_7, %get3A_10 : vector<2000x1xf32>
    %max3A = arith.constant 1.000000e+00 : f32
    %max3A_12 = vector.broadcast %max3A : f32 to vector<2000x1xf32>
    %max3A_13 = arith.maximumf %add3A_11, %max3A_12 : vector<2000x1xf32>
    %div3A = vector.broadcast %max3A_13 : vector<2000x1xf32> to vector<2000x128xf32>
    %div3A_14 = arith.divf %add3A, %div3A : vector<2000x128xf32>
    %get3A_15 = arith.constant 0 : index
    %get3A_16 = arith.constant 0 : index
    %get3A_17 = vector.load %arg5[%get3A_15, %get3A_16] : memref<2000x128xf32, #tpu.memory_space<vmem>>, vector<2000x128xf32>
    %get3A_18 = arith.constant 0 : index
    %get3A_19 = arith.constant 0 : index
    %get3A_20 = vector.load %arg6[%get3A_18, %get3A_19] : memref<128x128xf32, #tpu.memory_space<vmem>>, vector<128x128xf32>
    %dot_general3A = arith.constant dense<0.000000e+00> : vector<2000x128xf32>
    %dot_general3A_21 = tpu.matmul %get3A_17, %get3A_20, %dot_general3A {dimension_numbers = #tpu.dot_dimension_numbers<[1], [0], [0], [1], [0, 0, 1, 1], [], []>, transpose_lhs_hint = false} : vector<2000x128xf32>, vector<128x128xf32>, vector<2000x128xf32> -> vector<2000x128xf32>
    %get3A_22 = arith.constant 0 : index
    %get3A_23 = arith.constant 0 : index
    %get3A_24 = vector.load %arg7[%get3A_22, %get3A_23] : memref<1x128xf32, #tpu.memory_space<vmem>>, vector<1x128xf32>
    %add3A_25 = vector.broadcast %get3A_24 : vector<1x128xf32> to vector<2000x128xf32>
    %add3A_26 = arith.addf %dot_general3A_21, %add3A_25 : vector<2000x128xf32>
    %add3A_27 = arith.addf %div3A_14, %add3A_26 : vector<2000x128xf32>
    %get3A_28 = arith.constant 0 : index
    %get3A_29 = arith.constant 0 : index
    %get3A_30 = vector.load %arg8[%get3A_28, %get3A_29] : memref<128x128xf32, #tpu.memory_space<vmem>>, vector<128x128xf32>
    %dot_general3A_31 = arith.constant dense<0.000000e+00> : vector<2000x128xf32>
    %dot_general3A_32 = tpu.matmul %add3A_27, %get3A_30, %dot_general3A_31 {dimension_numbers = #tpu.dot_dimension_numbers<[1], [0], [0], [1], [0, 0, 1, 1], [], []>, transpose_lhs_hint = false} : vector<2000x128xf32>, vector<128x128xf32>, vector<2000x128xf32> -> vector<2000x128xf32>
    %get3A_33 = arith.constant 0 : index
    %get3A_34 = arith.constant 0 : index
    %get3A_35 = vector.load %arg9[%get3A_33, %get3A_34] : memref<1x128xf32, #tpu.memory_space<vmem>>, vector<1x128xf32>
    %add3A_36 = vector.broadcast %get3A_35 : vector<1x128xf32> to vector<2000x128xf32>
    %add3A_37 = arith.addf %dot_general3A_32, %add3A_36 : vector<2000x128xf32>
    %max3A_38 = arith.constant 0.000000e+00 : f32
    %max3A_39 = vector.broadcast %max3A_38 : f32 to vector<2000x128xf32>
    %max3A_40 = arith.maximumf %add3A_37, %max3A_39 : vector<2000x128xf32>
    %get3A_41 = arith.constant 0 : index
    %get3A_42 = arith.constant 0 : index
    %get3A_43 = vector.load %arg10[%get3A_41, %get3A_42] : memref<128x128xf32, #tpu.memory_space<vmem>>, vector<128x128xf32>
    %dot_general3A_44 = arith.constant dense<0.000000e+00> : vector<2000x128xf32>
    %dot_general3A_45 = tpu.matmul %max3A_40, %get3A_43, %dot_general3A_44 {dimension_numbers = #tpu.dot_dimension_numbers<[1], [0], [0], [1], [0, 0, 1, 1], [], []>, transpose_lhs_hint = false} : vector<2000x128xf32>, vector<128x128xf32>, vector<2000x128xf32> -> vector<2000x128xf32>
    %get3A_46 = arith.constant 0 : index
    %get3A_47 = arith.constant 0 : index
    %get3A_48 = vector.load %arg11[%get3A_46, %get3A_47] : memref<1x128xf32, #tpu.memory_space<vmem>>, vector<1x128xf32>
    %add3A_49 = vector.broadcast %get3A_48 : vector<1x128xf32> to vector<2000x128xf32>
    %add3A_50 = arith.addf %dot_general3A_45, %add3A_49 : vector<2000x128xf32>
    %max3A_51 = arith.constant 0.000000e+00 : f32
    %max3A_52 = vector.broadcast %max3A_51 : f32 to vector<2000x128xf32>
    %max3A_53 = arith.maximumf %add3A_50, %max3A_52 : vector<2000x128xf32>
    %get3A_54 = arith.constant 0 : index
    %get3A_55 = arith.constant 0 : index
    %get3A_56 = vector.load %arg12[%get3A_54, %get3A_55] : memref<128x128xf32, #tpu.memory_space<vmem>>, vector<128x128xf32>
    %dot_general3A_57 = arith.constant dense<0.000000e+00> : vector<2000x128xf32>
    %dot_general3A_58 = tpu.matmul %max3A_53, %get3A_56, %dot_general3A_57 {dimension_numbers = #tpu.dot_dimension_numbers<[1], [0], [0], [1], [0, 0, 1, 1], [], []>, transpose_lhs_hint = false} : vector<2000x128xf32>, vector<128x128xf32>, vector<2000x128xf32> -> vector<2000x128xf32>
    %get3A_59 = arith.constant 0 : index
    %get3A_60 = arith.constant 0 : index
    %get3A_61 = vector.load %arg13[%get3A_59, %get3A_60] : memref<1x128xf32, #tpu.memory_space<vmem>>, vector<1x128xf32>
    %add3A_62 = vector.broadcast %get3A_61 : vector<1x128xf32> to vector<2000x128xf32>
    %add3A_63 = arith.addf %dot_general3A_58, %add3A_62 : vector<2000x128xf32>
    %swap3A = arith.constant 0 : index
    %swap3A_64 = arith.constant 0 : index
    %swap3A_65 = vector.load %arg14[%swap3A, %swap3A_64] : memref<2000x128xf32, #tpu.memory_space<vmem>>, vector<2000x128xf32>
    tpu.vector_store %arg14[%swap3A, %swap3A_64], %add3A_63 {strides = array<i32>} : memref<2000x128xf32, #tpu.memory_space<vmem>>, vector<2000x128xf32>,
    return
  }
  func.func @transform_0(%arg0: i32) -> (i32, i32) {
    %c0_i32 = arith.constant 0 : i32
    %c0_i32_0 = arith.constant 0 : i32
    return %arg0, %c0_i32 : i32, i32
  }
  func.func @transform_1(%arg0: i32) -> (i32, i32) {
    %c0_i32 = arith.constant 0 : i32
    %c0_i32_0 = arith.constant 0 : i32
    return %arg0, %c0_i32 : i32, i32
  }
  func.func @transform_2(%arg0: i32) -> (i32, i32) {
    %c0_i32 = arith.constant 0 : i32
    %c0_i32_0 = arith.constant 0 : i32
    return %arg0, %c0_i32 : i32, i32
  }
  func.func @transform_3(%arg0: i32) -> (i32, i32) {
    %c0_i32 = arith.constant 0 : i32
    %c0_i32_0 = arith.constant 0 : i32
    return %arg0, %c0_i32 : i32, i32
  }
  func.func @transform_4(%arg0: i32) -> (i32, i32) {
    %c0_i32 = arith.constant 0 : i32
    %c0_i32_0 = arith.constant 0 : i32
    return %arg0, %c0_i32 : i32, i32
  }
  func.func @transform_5(%arg0: i32) -> (i32, i32) {
    %c0_i32 = arith.constant 0 : i32
    %c0_i32_0 = arith.constant 0 : i32
    %c0_i32_1 = arith.constant 0 : i32
    return %c0_i32, %c0_i32_0 : i32, i32
  }
  func.func @transform_6(%arg0: i32) -> (i32, i32) {
    %c0_i32 = arith.constant 0 : i32
    %c0_i32_0 = arith.constant 0 : i32
    %c0_i32_1 = arith.constant 0 : i32
    return %c0_i32, %c0_i32_0 : i32, i32
  }
  func.func @transform_7(%arg0: i32) -> (i32, i32) {
    %c0_i32 = arith.constant 0 : i32
    %c0_i32_0 = arith.constant 0 : i32
    %c0_i32_1 = arith.constant 0 : i32
    return %c0_i32, %c0_i32_0 : i32, i32
  }
  func.func @transform_8(%arg0: i32) -> (i32, i32) {
    %c0_i32 = arith.constant 0 : i32
    %c0_i32_0 = arith.constant 0 : i32
    %c0_i32_1 = arith.constant 0 : i32
    return %c0_i32, %c0_i32_0 : i32, i32
  }
  func.func @transform_9(%arg0: i32) -> (i32, i32) {
    %c0_i32 = arith.constant 0 : i32
    %c0_i32_0 = arith.constant 0 : i32
    %c0_i32_1 = arith.constant 0 : i32
    return %c0_i32, %c0_i32_0 : i32, i32
  }
  func.func @transform_10(%arg0: i32) -> (i32, i32) {
    %c0_i32 = arith.constant 0 : i32
    %c0_i32_0 = arith.constant 0 : i32
    %c0_i32_1 = arith.constant 0 : i32
    return %c0_i32, %c0_i32_0 : i32, i32
  }
  func.func @transform_11(%arg0: i32) -> (i32, i32) {
    %c0_i32 = arith.constant 0 : i32
    %c0_i32_0 = arith.constant 0 : i32
    %c0_i32_1 = arith.constant 0 : i32
    return %c0_i32, %c0_i32_0 : i32, i32
  }
  func.func @transform_12(%arg0: i32) -> (i32, i32) {
    %c0_i32 = arith.constant 0 : i32
    %c0_i32_0 = arith.constant 0 : i32
    %c0_i32_1 = arith.constant 0 : i32
    return %c0_i32, %c0_i32_0 : i32, i32
  }
  func.func @transform_13(%arg0: i32) -> (i32, i32) {
    %c0_i32 = arith.constant 0 : i32
    %c0_i32_0 = arith.constant 0 : i32
    return %arg0, %c0_i32 : i32, i32
  }
}

</mosaic_0001>

<sc_bundles>
// kernel: kernel.6.cloned.1.call-start
scs
__scs_entry_jumppad:
0x0: {  	(pc) =	sbr.rel $0x88, $3  }
0x1: {  	(tag) =	ssettag $0x0;
	lr =	simm.s32 $0x1  }
0x2: {  	[smem:$0x3F92] =	sst lr;
	_ =	strace $0xD0000000  }
0x3: {  	_ = 	snop  }
0x4: {  	_ = 	snop  }
0x5: {  	_ = 	snop  }
0x6: {  	_ = 	snop  }
0x7: {  	_ = 	snop  }
__scs_overlays_trampoline_lowered:
0x8: {  	[smem:$0x3FA1] =	sst s0  }
0x9: {  	[smem:$0x3FA2] =	sst s1  }
0xa: {  	[smem:$0x3FA3] =	sst s2  }
0xb: {  	[smem:$0x3FA4] =	sst s3  }
0xc: {  	[smem:$0x3FA5] =	sst s4  }
0xd: {  	[smem:$0x3FA6] =	sst s5  }
0xe: {  	[smem:$0x3FA7] =	sst s6  }
0xf: {  	[smem:$0x3FA8] =	sst s7  }
0x10: {  	[smem:$0x3FA9] =	sst s8  }
0x11: {  	[smem:$0x3FAA] =	sst s9;
	s0 =	simm.s32 @!p0 $0x0  }
0x12: {  	s1 =	sld [smem:$0x3F90];
	s0 =	simm.s32 @p0 $0x1  }
0x13: {  	[smem:$0x3FAB] =	sst s0;
	s0 =	simm.s32 @!p1 $0x0  }
0x14: {  	s2 =	sld [smem:$0x3F8F];
	s0 =	simm.s32 @p1 $0x1  }
0x15: {  	[smem:$0x3FAC] =	sst s0;
	s0 =	simm.s32 @!p2 $0x0  }
0x16: {  	s3 =	sld [smem:$0x3FDB];
	s0 =	simm.s32 @p2 $0x1  }
0x17: {  	s4 =	simm.s32 $0x1BF5;
	[smem:$0x3FAE] =	sst s0  }
0x18: {  	s0 =	sld [smem:$0x3F91];
	_ =	swait.ge [sflag:s4], $0x0  }
0x19: {  	s7 =	sld [smem:$0x3F92]  }
0x1a: {  	s8 =	sadd.s32 $0xFFFFE003, lr  }
0x1b: {  	s9 =	sadd.s32 $0xFFFFFEF7, lr;
	s5 =	simm.s32 $0xFFFFFFFF;
	p2 =	slt.u32 s8, $0xFFFFF086  }
0x1c: {  	p1 =	slt.u32 s9, $0xF7A;
	s5 =	simm.s32 @!p2 $0x0  }
0x1d: {  	s5 =	simm.s32 @p1 $0x1;
	p0 =	seq.s32 s7, s2  }
0x1e: {  	s7 =	smul.u32 @!p0 $0xF7A, s2;
	p2 =	seq.s32 @!p0 s5, $0x0  }
0x1f: {  	s9 =	smul.u32 $0xF7A, s1;
	s8 =	simm.s32 @!p0 $0x1BF5;
	p2 =	por !p2, p0  }
0x20: {  	[sflag:s8] =	ssyncset.s32 @!p0 $0xFFFFF086;
	s6 =	sadd.s32 @!p0 s3, s7;
	s7 =	simm.s32 @!p0 $0x108  }
0x21: {  	s3 =	sadd.s32 s3, s9;
	s6 =	sadd.s32 @!p0 $0x88, s6;
	s7 =	simm.s32 @p2 $0x1082  }
0x22: {  	[simem:s7], [sflag:s8] =	dma.local @!p0 [hbm:s6], $0xF7A  }
0x23: {  	s9 =	sor.u32 $0xD0000000, s2;
	s6 =	simm.s32 $0x108;
	_ =	swait.ge @!p0 [sflag:s8], $0x0  }
0x24: {  	s3 =	sadd.s32 $0x88, s3;
	s6 =	simm.s32 @!p1 $0x1082;
	[sflag:s4] =	ssyncset.s32 $0xFFFFF086  }
0x25: {  	[simem:s6], [sflag:s4] =	dma.local [hbm:s3], $0xF7A  }
0x26: {  	[smem:$0x3F92] =	sst s1;
	(tag) =	ssettag s2;
	_ =	strace s9  }
0x27: {  	s1 =	sld [smem:$0x3FA2]  }
0x28: {  	s2 =	sld [smem:$0x3FA3]  }
0x29: {  	s4 =	sld [smem:$0x3FA5]  }
0x2a: {  	p0 =	seq.s32 s5, $0x0;
	s5 =	sld [smem:$0x3FA6]  }
0x2b: {  	s6 =	sld [smem:$0x3FA7]  }
0x2c: {  	s7 =	sld [smem:$0x3FA8]  }
0x2d: {  	s3 =	simm.s32 $0x108;
	s8 =	sld [smem:$0x3FA9]  }
0x2e: {  	s3 =	simm.s32 @!p0 $0x1082;
	s9 =	sld [smem:$0x3FAA]  }
0x2f: {  	lr =	sadd.s32 s0, s3;
	s0 =	sld [smem:$0x3FA1]  }
0x30: {  	s3 =	sld [smem:$0x3FA4]  }
0x31: {  	[smem:$0x3FAD] =	sst s10  }
0x32: {  	s10 =	sld [smem:$0x3FAB];
	_ =	sdelay $0x3  }
0x33: {  	p0 =	seq.s32 s10, $0x1;
	s10 =	sld [smem:$0x3FAD];
	_ =	sdelay $0x3  }
0x34: {  	[smem:$0x3FAD] =	sst s10  }
0x35: {  	s10 =	sld [smem:$0x3FAC];
	_ =	sdelay $0x3  }
0x36: {  	p1 =	seq.s32 s10, $0x1;
	s10 =	sld [smem:$0x3FAD];
	_ =	sdelay $0x3  }
0x37: {  	[smem:$0x3FAD] =	sst s10  }
0x38: {  	s10 =	sld [smem:$0x3FAE]  }
0x39: {  	_ = 	snop;
	(pc) =	sbr.ind lr, $3  }
0x3a: {  	_ = 	snop  }
0x3b: {  	_ = 	snop  }
0x3c: {  	p2 =	seq.s32 s10, $0x1;
	s10 =	sld [smem:$0x3FAD]  }
0x3d: {  	_ =	shalt  }
0x3e: {  	_ =	shalt  }
0x3f: {  	_ =	shalt  }
0x40: {  	_ =	shalt  }
0x41: {  	_ =	shalt  }
0x42: {  	_ =	shalt  }
0x43: {  	_ =	shalt  }
0x44: {  	_ =	shalt  }
0x45: {  	_ =	shalt  }
0x46: {  	_ =	shalt  }
0x47: {  	_ =	shalt  }
0x48: {  	_ =	shalt  }
0x49: {  	_ =	shalt  }
0x4a: {  	_ =	shalt  }
0x4b: {  	_ =	shalt  }
0x4c: {  	_ =	shalt  }
0x4d: {  	_ =	shalt  }
0x4e: {  	_ =	shalt  }
0x4f: {  	_ =	shalt  }
0x50: {  	_ =	shalt  }
0x51: {  	_ =	shalt  }
0x52: {  	_ =	shalt  }
0x53: {  	_ =	shalt  }
0x54: {  	_ =	shalt  }
0x55: {  	_ =	shalt  }
0x56: {  	_ =	shalt  }
0x57: {  	_ =	shalt  }
0x58: {  	_ =	shalt  }
0x59: {  	_ =	shalt  }
0x5a: {  	_ =	shalt  }
0x5b: {  	_ =	shalt  }
0x5c: {  	_ =	shalt  }
0x5d: {  	_ =	shalt  }
0x5e: {  	_ =	shalt  }
0x5f: {  	_ =	shalt  }
0x60: {  	_ =	shalt  }
0x61: {  	_ =	shalt  }
0x62: {  	_ =	shalt  }
0x63: {  	_ =	shalt  }
0x64: {  	_ =	shalt  }
0x65: {  	_ =	shalt  }
0x66: {  	_ =	shalt  }
0x67: {  	_ =	shalt  }
0x68: {  	_ =	shalt  }
0x69: {  	_ =	shalt  }
0x6a: {  	_ =	shalt  }
0x6b: {  	_ =	shalt  }
0x6c: {  	_ =	shalt  }
0x6d: {  	_ =	shalt  }
0x6e: {  	_ =	shalt  }
0x6f: {  	_ =	shalt  }
0x70: {  	_ =	shalt  }
0x71: {  	_ =	shalt  }
0x72: {  	_ =	shalt  }
0x73: {  	_ =	shalt  }
0x74: {  	_ =	shalt  }
0x75: {  	_ =	shalt  }
0x76: {  	_ =	shalt  }
0x77: {  	_ =	shalt  }
0x78: {  	_ =	shalt  }
0x79: {  	_ =	shalt  }
0x7a: {  	_ =	shalt  }
0x7b: {  	_ =	shalt  }
0x7c: {  	_ =	shalt  }
0x7d: {  	_ =	shalt  }
0x7e: {  	_ =	shalt  }
0x7f: {  	_ =	shalt  }
0x80: {  	_ =	shalt  }
0x81: {  	_ =	shalt  }
0x82: {  	_ =	shalt  }
0x83: {  	_ =	shalt  }
0x84: {  	_ =	shalt  }
0x85: {  	_ =	shalt  }
0x86: {  	_ =	shalt  }
0x87: {  	_ =	shalt  }
.Lfunc_end0:
.L_simem_size_0:
called_computation_lowered:
.L_overlay_start_0:
0x88: {  	s2 =	sld [smem:$0x3FD9]  }
0x89: {  	s3 =	sld [smem:$0x3FFE];
	_ =	sdelay $0x1  }
0x8a: {  	s1 =	srdreg.scid  }
0x8b: {  	s0 =	sand.u32 $0x1, s1  }
0x8c: {  	s17 =	sshll.u32 s0, $0xA;
	s2 =	sadd.s32 s3, s2  }
0x8d: {  	s2 =	sadd.s32 s2, s17  }
0x8e: {  	[smem:$0x3FB9] =	sst s2  }
0x8f: {  	_ = 	snop  }
0x90: {  	s18 =	sld [smem:$0x3FD0];
	(tm) =	ssettm $0x1  }
0x91: {  	s19 =	sld [smem:$0x3FFB];
	_ =	sdelay $0x3  }
0x92: {  	_ =	strace s19  }
0x93: {  	s2 =	sld [smem:$0x3FFC];
	_ =	sdelay $0x3  }
0x94: {  	_ =	strace s2  }
0x95: {  	s2 =	sld [smem:$0x3FFD];
	_ =	sdelay $0x3  }
0x96: {  	_ =	strace s2  }
0x97: {  	_ =	strace $0x8FFFFFFF  }
0x98: {  	s20 =	sld [smem:$0x3FDB];
	_ =	sdelay $0x1  }
0x99: {  	s4 =	simm.s32 $_scs_section_size  }
0x9a: {  	s5 =	simm.s32 $_size__tile_overlayer_lowered;
	s6 =	simm.s32 $_tile_overlayer_lowered  }
0x9b: {  	s7 =	simm.s32 $0x1BFF;
	s21 =	sshll.u32 s6, $0x1;
	s4 =	sadd.s32 s4, s20  }
0x9c: {  	s22 =	simm.s32 $0x0;
	s5 =	sshll.u32 s5, $0x1;
	s6 =	sadd.s32 s21, s4  }
0x9d: {  	[timem:s22], [sflag:s7] =	dma.local [hbm:s6], s5  }
0x9e: {  	_ =	swait.ge [sflag:s7], s5  }
0x9f: {  	s5 =	ssub.s32 $0x0, s5;
	[sflag:s7] =	ssyncset.done $0x0  }
0xa0: {  	[sflag:s7] =	ssyncadd.s32 s5;
	_ =	sdelay $0x1  }
0xa1: {  	s23 =	simm.s32 $0x1B8B  }
0xa2: {  	_ =	swait.ge [sflag:s23], $0x1  }
0xa3: {  	[sflag:s23] =	ssyncset.done $0x0  }
0xa4: {  	[sflag:s23] =	ssyncadd.s32 $0xFFFFFFFF  }
0xa5: {  	s5 =	sld [smem:$0x0]  }
0xa6: {  	s6 =	sand.u32 $0xFFFFFFFE, s1  }
0xa7: {  	p0 =	sne.s32 s1, s6  }
0xa8: {  	s6 =	sshll.u32 @p0 s6, $0xE  }
0xa9: {  	s6 =	sadd.s32 @p0 $0x11B8D, s6;
	s7 =	sshll.u32 @p0 s5, $0x11  }
0xaa: {  	s6 =	sor.u32 @p0 s7, s6  }
0xab: {  	[sflag:s6] =	ssyncadd.remote.s32 @p0 $0x1;
	_ =	sdelay $0x1  }
0xac: {  	s6 =	simm.s32 @p0 $0x1B8D  }
0xad: {  	_ =	swait.eq @p0 [sflag:s6], $0x1  }
0xae: {  	[sflag:s6] =	ssyncadd.s32 @p0 $0xFFFFFFFF  }
0xaf: {  	s7 =	sshll.u32 @!p0 s1, $0xE  }
0xb0: {  	s7 =	sor.u32 @!p0 $0x4000, s7;
	s6 =	simm.s32 @!p0 $0x1B8D  }
0xb1: {  	s5 =	sshll.u32 @!p0 s5, $0x11;
	s7 =	sadd.s32 @!p0 $0x11B8D, s7;
	_ =	swait.eq @!p0 [sflag:s6], $0x1  }
0xb2: {  	s5 =	sor.u32 @!p0 s5, s7;
	[sflag:s6] =	ssyncadd.s32 @!p0 $0xFFFFFFFF  }
0xb3: {  	s25 =	simm.s32 $0x1B8E;
	s24 =	sld [smem:$0x3FFE];
	[sflag:s5] =	ssyncadd.remote.s32 @!p0 $0x1  }
0xb4: {  	s26 =	simm.s32 $execute0_lowered;
	[smem:$0x3FD2] =	sst s25  }
0xb5: {  	s6 =	sshll.u32 s26, $0x1;
	_ =	strace $0x80000049;
	[dreg:$0x1] =	wrdreg $0xFFFFFFFF  }
0xb6: {  	s28 =	simm.s32 $_size_execute0_lowered;
	s4 =	sadd.s32 s4, s6;
	[dreg:$0x0] =	wrdreg $0x0  }
0xb7: {  	s6 =	sshll.u32 s28, $0x1;
	[dreg:$0x2] =	wrdreg s4  }
0xb8: {  	[dreg:$0x3] =	wrdreg s6  }
0xb9: {  	[dreg:$0x4] =	wrdreg $0xC0  }
0xba: {  	_ =	task [dreg:s22], $0x5FFFF  }
0xbb: {  	[dreg:$0x1] =	wrdreg $0xFFFFFFFF  }
0xbc: {  	[dreg:$0x0] =	wrdreg $0x60  }
0xbd: {  	[dreg:$0x2] =	wrdreg s18  }
0xbe: {  	[dreg:$0x3] =	wrdreg s24  }
0xbf: {  	[dreg:$0x4] =	wrdreg $0x54000  }
0xc0: {  	[dreg:$0x5] =	wrdreg $0x9  }
0xc1: {  	_ =	task.clear_ibuf [dreg:s22], $0x6FFFF;
	_ =	strace $0x90000049  }
0xc2: {  	s29 =	simm.s32 $0x9;
	_ =	strace $0x8000004B  }
0xc3: {  	_ =	swait.ge [sflag:s29], $0x1  }
0xc4: {  	[sflag:s29] =	ssyncadd.s32 $0xFFFFFFFF  }
0xc5: {  	_ =	strace $0x9000004B  }
0xc6: {  	_ =	sfence  }
0xc7: {  	s30 =	sld [smem:$0x0];
	_ =	sdelay $0x2  }
0xc8: {  	s31 =	sshll.u32 s1, $0xD;
	s1 =	sshrl.u32 s1, $0x2  }
0xc9: {  	s4 =	sand.u32 $0x4000, s31;
	s1 =	sadd.s32 s1, s30  }
0xca: {  	s0 =	sor.u32 s4, s0;
	s1 =	sshll.u32 s1, $0x11  }
0xcb: {  	s0 =	sor.u32 s1, s0  }
0xcc: {  	s0 =	sadd.s32 $0x8F2B, s0  }
0xcd: {  	[sflag:s0] =	ssyncadd.remote.s32 $0x1  }
0xce: {  	_ =	sfence.sel $0xFFFF  }
0xcf: {  	[dreg:$0x0] =	wrdreg $0xFFFFFFFF;
	(pc) =	sbr.abs _section_cstart, $3  }
0xd0: {  	[dreg:$0x1] =	wrdreg $0xFFFFFFFF  }
0xd1: {  	_ =	task.clear_ibuf [dreg:s22], $0x2FFFF;
	_ =	strace $0x9FFFFFFF  }
0xd2: {  	(tm) =	ssettm $0x7FFFFFFF  }
0xd3: {  	_ =	shalt  }
tec
execute0_lowered:
.L_overlay_start_1:
0x0: {  	(tag) =	ssettag $0x1  }
0x1: {  	s0 =	rddreg [dreg:$0x0]  }
0x2: {  	s2 =	rddreg [dreg:$0x1]  }
0x3: {  	s1 =	rddreg [dreg:$0x2];
	s3 =	simm.s32 $0x0;
	s4 =	srdreg.scid  }
0x4: {  	s10 =	stileid.u32;
	s28 =	simm.s32 $0x50;
	s29 =	simm.s32 $0x80  }
0x5: {  	s30 =	simm.s32 $0x100;
	s31 =	simm.s32 $0x180;
	[smem:$0x7FF] =	sst s3  }
0x6: {  	s4 =	sand.u32 $0x1, s4;
	s5 =	smul.u32 $0x50000, s10;
	s6 =	sadd.s32 $0x2200, s2  }
0x7: {  	s13 =	smul.u32 $0x14000, s10;
	s7 =	sadd.s32 $0x52800, s2;
	s2 =	sadd.s32 $0x52E00, s2  }
0x8: {  	s18 =	smul.u32 $0xC800, s10;
	_ =	strace $0x8000004A;
	[dreg:$0x4] =	wrdreg s6  }
0x9: {  	s24 =	ssub.s32 $0x2, s4;
	[dreg:$0x5] =	wrdreg s7;
	s16 =	smul.u32 $0x140000, s4  }
0xa: {  	s4 =	smul.u32 $0x6400, s4;
	s25 =	sshrl.u32 s24, $0x1;
	s5 =	sshrl.u32 s5, $0x2  }
0xb: {  	s14 =	sor.u32 $0x2800, s13;
	s26 =	sadd.s32 $0x5000, s13;
	s15 =	sadd.s32 $0x7800, s13  }
0xc: {  	s17 =	sadd.s32 $0xA000, s13;
	s19 =	sadd.s32 $0xC800, s13;
	s20 =	sadd.s32 $0xF000, s13  }
0xd: {  	s22 =	ssub.s32 s24, s25;
	s6 =	sadd.s32 s5, s1;
	s7 =	sadd.s32 s14, s1  }
0xe: {  	s8 =	sadd.s32 s26, s1;
	s9 =	sadd.s32 s15, s1;
	s10 =	sadd.s32 s17, s1  }
0xf: {  	s11 =	sadd.s32 s19, s1;
	s12 =	sadd.s32 s20, s1;
	s4 =	sadd.s32 s4, s18  }
0x10: {  	s18 =	sadd.s32 $0x11800, s13;
	s21 =	sadd.s32 s13, s16;
	s23 =	sadd.s32 s16, s14  }
0x11: {  	s5 =	sadd.s32 s16, s26;
	s24 =	sadd.s32 s16, s15;
	s25 =	sadd.s32 s16, s17  }
0x12: {  	s19 =	sadd.s32 s16, s19;
	s20 =	sadd.s32 s16, s20;
	s26 =	sadd.s32 s16, s18  }
0x13: {  	s13 =	sadd.s32 s18, s1;
	s17 =	sshrl.u32 s21, $0x3;
	s18 =	sshrl.u32 s23, $0x3  }
0x14: {  	s5 =	sshrl.u32 s5, $0x3;
	s23 =	sshrl.u32 s24, $0x3;
	s24 =	sshrl.u32 s25, $0x3  }
0x15: {  	s19 =	sshrl.u32 s19, $0x3;
	s25 =	sshrl.u32 s20, $0x3;
	s4 =	sshrl.u32 s4, $0x3  }
0x16: {  	s22 =	smax.u32 s22, $0x1;
	s14 =	sadd.s32 s2, s17;
	s21 =	sadd.s32 s2, s18  }
0x17: {  	s16 =	sadd.s32 s2, s5;
	s17 =	sadd.s32 s2, s23;
	s18 =	sadd.s32 s2, s24  }
0x18: {  	s19 =	sadd.s32 s2, s19;
	s20 =	sadd.s32 s2, s25;
	s26 =	sshrl.u32 s26, $0x3  }
0x19: {  	s23 =	sadd.s32 s4, s0;
	s24 =	simm.s32 $0x2C00;
	[dreg:$0x6] =	wrdreg s14  }
0x1a: {  	s25 =	simm.s32 $0x1;
	s0 =	simm.s32 $0x200;
	[dreg:$0x7] =	wrdreg s21  }
0x1b: {  	s21 =	sadd.s32 s2, s26;
	s26 =	simm.s32 $0x400;
	s2 =	simm.s32 $0x0  }
.LBB2_1:
0x1c: {  	s4 =	rddreg [dreg:$0x4]  }
0x1d: {  	[tilespmem:s24], [sflag:$0x1] =	stream.linear.gather [hbm4b:s4+s3], $0x2800, $0x38;
	[tilespmem:$0x19400] =	vst v63  }
0x1e: {  	_ =	swait.ge [sflag:s25], $0x2800  }
0x1f: {  	[sflag:s25] =	ssyncset.done $0x0  }
0x20: {  	s14 =	rddreg [dreg:$0x5];
	[sflag:s25] =	ssyncadd.s32 $0xFFFFD800  }
0x21: {  	[tilespmem:s26], [sflag:$0x1] =	stream.linear.gather [hbm4b:s14+s3], $0x2800, $0x38;
	[tilespmem:$0x19400] =	vst v63  }
0x22: {  	_ =	swait.ge [sflag:s25], $0x2800  }
0x23: {  	[sflag:s25] =	ssyncset.done $0x0  }
0x24: {  	[sflag:s25] =	ssyncadd.s32 $0xFFFFD800  }
0x25: {  	[spmem:s6] =	stream.linear.scatter [tilespmem:s24], [sflag:$0x1], $0x2800, $0x38;
	[tilespmem:$0x19400] =	vst v63  }
0x26: {  	_ =	swait.ge [sflag:s25], $0x2800  }
0x27: {  	[sflag:s25] =	ssyncset.done $0x0  }
0x28: {  	[sflag:s25] =	ssyncadd.s32 $0xFFFFD800  }
0x29: {  	[spmem:s7] =	stream.linear.scatter [tilespmem:s24], [sflag:$0x1], $0x2800, $0x38;
	[tilespmem:$0x19400] =	vst v63  }
0x2a: {  	_ =	swait.ge [sflag:s25], $0x2800  }
0x2b: {  	[sflag:s25] =	ssyncset.done $0x0  }
0x2c: {  	[sflag:s25] =	ssyncadd.s32 $0xFFFFD800  }
0x2d: {  	[spmem:s8] =	stream.linear.scatter [tilespmem:s24], [sflag:$0x1], $0x2800, $0x38;
	[tilespmem:$0x19400] =	vst v63  }
0x2e: {  	_ =	swait.ge [sflag:s25], $0x2800  }
0x2f: {  	[sflag:s25] =	ssyncset.done $0x0  }
0x30: {  	[sflag:s25] =	ssyncadd.s32 $0xFFFFD800  }
0x31: {  	[spmem:s9] =	stream.linear.scatter [tilespmem:s24], [sflag:$0x1], $0x2800, $0x38;
	[tilespmem:$0x19400] =	vst v63  }
0x32: {  	_ =	swait.ge [sflag:s25], $0x2800  }
0x33: {  	[sflag:s25] =	ssyncset.done $0x0  }
0x34: {  	[sflag:s25] =	ssyncadd.s32 $0xFFFFD800  }
0x35: {  	[spmem:s10] =	stream.linear.scatter [tilespmem:s24], [sflag:$0x1], $0x2800, $0x38;
	[tilespmem:$0x19400] =	vst v63  }
0x36: {  	_ =	swait.ge [sflag:s25], $0x2800  }
0x37: {  	[sflag:s25] =	ssyncset.done $0x0  }
0x38: {  	[sflag:s25] =	ssyncadd.s32 $0xFFFFD800  }
0x39: {  	[spmem:s11] =	stream.linear.scatter [tilespmem:s24], [sflag:$0x1], $0x2800, $0x38;
	[tilespmem:$0x19400] =	vst v63  }
0x3a: {  	_ =	swait.ge [sflag:s25], $0x2800  }
0x3b: {  	[sflag:s25] =	ssyncset.done $0x0  }
0x3c: {  	[sflag:s25] =	ssyncadd.s32 $0xFFFFD800  }
0x3d: {  	[spmem:s12] =	stream.linear.scatter [tilespmem:s24], [sflag:$0x1], $0x2800, $0x38;
	[tilespmem:$0x19400] =	vst v63  }
0x3e: {  	_ =	swait.ge [sflag:s25], $0x2800  }
0x3f: {  	[sflag:s25] =	ssyncset.done $0x0  }
0x40: {  	[sflag:s25] =	ssyncadd.s32 $0xFFFFD800  }
0x41: {  	[spmem:s13] =	stream.linear.scatter [tilespmem:s24], [sflag:$0x1], $0x2800, $0x38;
	[tilespmem:$0x19400] =	vst v63  }
0x42: {  	_ =	swait.ge [sflag:s25], $0x2800  }
0x43: {  	[sflag:s25] =	ssyncset.done $0x0  }
0x44: {  	[sflag:s25] =	ssyncadd.s32 $0xFFFFD800  }
0x45: {  	s15 =	sadd.s32 $0x0, s23;
	[bflag:$0x0] =	sbarrier.arrive $0xFFFF  }
0x46: {  	[tilespmem:s3], [sflag:$0x1] =	stream.linear.gather [hbm4b:s15+s3], $0x280, $0x38;
	[tilespmem:$0x19400] =	vst v63  }
0x47: {  	_ =	swait.ge [sflag:s25], $0x280  }
0x48: {  	[sflag:s25] =	ssyncset.done $0x0  }
0x49: {  	[sflag:s25] =	ssyncadd.s32 $0xFFFFFD80  }
0x4a: {  	[spmem:s1] =	stream.indirect.scatter.add.f32 [tilespmem:s26], [sflag:$0x1], $0x80, s3, s28, $0xb8;
	[tilespmem:$0x19400] =	vst v63  }
0x4b: {  	_ =	swait.ge [sflag:s25], $0x2800  }
0x4c: {  	[sflag:s25] =	ssyncset.done $0x0  }
0x4d: {  	[sflag:s25] =	ssyncadd.s32 $0xFFFFD800  }
0x4e: {  	[spmem:s1] =	stream.indirect.scatter.add.f32 [tilespmem:s26], [sflag:$0x1], $0x80, s29, s28, $0xb8;
	[tilespmem:$0x19400] =	vst v63  }
0x4f: {  	_ =	swait.ge [sflag:s25], $0x2800  }
0x50: {  	[sflag:s25] =	ssyncset.done $0x0  }
0x51: {  	[sflag:s25] =	ssyncadd.s32 $0xFFFFD800  }
0x52: {  	[spmem:s1] =	stream.indirect.scatter.add.f32 [tilespmem:s26], [sflag:$0x1], $0x80, s30, s28, $0xb8;
	[tilespmem:$0x19400] =	vst v63  }
0x53: {  	_ =	swait.ge [sflag:s25], $0x2800  }
0x54: {  	[sflag:s25] =	ssyncset.done $0x0  }
0x55: {  	[sflag:s25] =	ssyncadd.s32 $0xFFFFD800  }
0x56: {  	[spmem:s1] =	stream.indirect.scatter.add.f32 [tilespmem:s26], [sflag:$0x1], $0x80, s31, s28, $0xb8;
	[tilespmem:$0x19400] =	vst v63  }
0x57: {  	_ =	swait.ge [sflag:s25], $0x2800  }
0x58: {  	[sflag:s25] =	ssyncset.done $0x0  }
0x59: {  	[sflag:s25] =	ssyncadd.s32 $0xFFFFD800  }
0x5a: {  	[spmem:s1] =	stream.indirect.scatter.add.f32 [tilespmem:s26], [sflag:$0x1], $0x80, s0, s28, $0xb8;
	[tilespmem:$0x19400] =	vst v63  }
0x5b: {  	_ =	swait.ge [sflag:s25], $0x2800  }
0x5c: {  	s5 =	simm.s32 $0x100;
	s4 =	simm.s32 $0x80;
	[sflag:s25] =	ssyncset.done $0x0  }
.LBB2_2:
0x5d: {  	s14 =	sadd.s32 s4, s23  }
0x5e: {  	[sflag:s25] =	ssyncadd.s32 $0xFFFFD800;
	s4 =	smov.u32 s5;
	s15 =	sadd.s32 $0x80, s5  }
0x5f: {  	[tilespmem:s3], [sflag:$0x1] =	stream.linear.gather [hbm4b:s14+s3], $0x280, $0x38;
	[tilespmem:$0x19400] =	vst v63  }
0x60: {  	p0 =	sne.s32 s5, $0xC00;
	_ =	swait.ge [sflag:s25], $0x280  }
0x61: {  	[sflag:s25] =	ssyncset.done $0x0  }
0x62: {  	[sflag:s25] =	ssyncadd.s32 $0xFFFFFD80  }
0x63: {  	[spmem:s1] =	stream.indirect.scatter.add.f32 [tilespmem:s26], [sflag:$0x1], $0x80, s3, s28, $0xb8;
	[tilespmem:$0x19400] =	vst v63  }
0x64: {  	_ =	swait.ge [sflag:s25], $0x2800  }
0x65: {  	[sflag:s25] =	ssyncset.done $0x0  }
0x66: {  	[sflag:s25] =	ssyncadd.s32 $0xFFFFD800  }
0x67: {  	[spmem:s1] =	stream.indirect.scatter.add.f32 [tilespmem:s26], [sflag:$0x1], $0x80, s29, s28, $0xb8;
	[tilespmem:$0x19400] =	vst v63  }
0x68: {  	_ =	swait.ge [sflag:s25], $0x2800  }
0x69: {  	[sflag:s25] =	ssyncset.done $0x0  }
0x6a: {  	[sflag:s25] =	ssyncadd.s32 $0xFFFFD800  }
0x6b: {  	[spmem:s1] =	stream.indirect.scatter.add.f32 [tilespmem:s26], [sflag:$0x1], $0x80, s30, s28, $0xb8;
	[tilespmem:$0x19400] =	vst v63  }
0x6c: {  	_ =	swait.ge [sflag:s25], $0x2800  }
0x6d: {  	[sflag:s25] =	ssyncset.done $0x0  }
0x6e: {  	[sflag:s25] =	ssyncadd.s32 $0xFFFFD800  }
0x6f: {  	[spmem:s1] =	stream.indirect.scatter.add.f32 [tilespmem:s26], [sflag:$0x1], $0x80, s31, s28, $0xb8;
	[tilespmem:$0x19400] =	vst v63  }
0x70: {  	_ =	swait.ge [sflag:s25], $0x2800  }
.Ltmp0:
0x71: {  	[sflag:s25] =	ssyncset.done $0x0;
	(pc) =	sbr.rel @p0 .LBB2_2-.Ltmp0, $4  }
0x72: {  	[sflag:s25] =	ssyncadd.s32 $0xFFFFD800  }
0x73: {  	[spmem:s1] =	stream.indirect.scatter.add.f32 [tilespmem:s26], [sflag:$0x1], $0x80, s0, s28, $0xb8;
	[tilespmem:$0x19400] =	vst v63  }
0x74: {  	_ =	swait.ge [sflag:s25], $0x2800  }
0x75: {  	s5 =	smov.u32 s15;
	[sflag:s25] =	ssyncset.done $0x0  }
0x76: {  	s4 =	sadd.s32 s4, s23;
	[sflag:s25] =	ssyncadd.s32 $0xFFFFD800  }
0x77: {  	[tilespmem:s3], [sflag:$0x1] =	stream.linear.gather [hbm4b:s4+s3], $0x280, $0x38;
	[tilespmem:$0x19400] =	vst v63  }
0x78: {  	_ =	swait.ge [sflag:s25], $0x280  }
0x79: {  	[sflag:s25] =	ssyncset.done $0x0  }
0x7a: {  	[sflag:s25] =	ssyncadd.s32 $0xFFFFFD80  }
0x7b: {  	[spmem:s1] =	stream.indirect.scatter.add.f32 [tilespmem:s26], [sflag:$0x1], $0x80, s3, s28, $0xb8;
	[tilespmem:$0x19400] =	vst v63  }
0x7c: {  	_ =	swait.ge [sflag:s25], $0x2800  }
0x7d: {  	[sflag:s25] =	ssyncset.done $0x0  }
0x7e: {  	[sflag:s25] =	ssyncadd.s32 $0xFFFFD800  }
0x7f: {  	[spmem:s1] =	stream.indirect.scatter.add.f32 [tilespmem:s26], [sflag:$0x1], $0x80, s29, s28, $0xb8;
	[tilespmem:$0x19400] =	vst v63  }
0x80: {  	_ =	swait.ge [sflag:s25], $0x2800  }
0x81: {  	[sflag:s25] =	ssyncset.done $0x0  }
0x82: {  	[sflag:s25] =	ssyncadd.s32 $0xFFFFD800  }
0x83: {  	[spmem:s1] =	stream.indirect.scatter.add.f32 [tilespmem:s26], [sflag:$0x1], $0x80, s30, s28, $0xb8;
	[tilespmem:$0x19400] =	vst v63  }
0x84: {  	_ =	swait.ge [sflag:s25], $0x2800  }
0x85: {  	[sflag:s25] =	ssyncset.done $0x0  }
0x86: {  	[sflag:s25] =	ssyncadd.s32 $0xFFFFD800  }
0x87: {  	[spmem:s1] =	stream.indirect.scatter.add.f32 [tilespmem:s26], [sflag:$0x1], $0x80, s31, s28, $0xb8;
	[tilespmem:$0x19400] =	vst v63  }
0x88: {  	_ =	swait.ge [sflag:s25], $0x2800  }
0x89: {  	[sflag:s25] =	ssyncset.done $0x0  }
0x8a: {  	[sflag:s25] =	ssyncadd.s32 $0xFFFFD800  }
0x8b: {  	[spmem:s1] =	stream.indirect.scatter.add.f32 [tilespmem:s26], [sflag:$0x1], $0x80, s0, s28, $0xb8;
	[tilespmem:$0x19400] =	vst v63  }
0x8c: {  	_ =	swait.ge [sflag:s25], $0x2800  }
0x8d: {  	[sflag:s25] =	ssyncset.done $0x0  }
0x8e: {  	[sflag:s25] =	ssyncadd.s32 $0xFFFFD800  }
0x8f: {  	[bflag:$0x0] =	sbarrier.arrive $0xFFFF  }
0x90: {  	[tilespmem:s24], [sflag:$0x1] =	stream.linear.gather [spmem:s6], $0x2800, $0x38;
	[tilespmem:$0x19400] =	vst v63  }
0x91: {  	_ =	swait.ge [sflag:s25], $0x2800  }
0x92: {  	[sflag:s25] =	ssyncset.done $0x0  }
0x93: {  	s14 =	rddreg [dreg:$0x6];
	[sflag:s25] =	ssyncadd.s32 $0xFFFFD800  }
0x94: {  	[hbm4b:s14+s3] =	stream.linear.scatter [tilespmem:s24], [sflag:$0x1], $0x2800, $0x38;
	[tilespmem:$0x19400] =	vst v63  }
0x95: {  	_ =	swait.ge [sflag:s25], $0x2800  }
0x96: {  	[sflag:s25] =	ssyncset.done $0x0  }
0x97: {  	[sflag:s25] =	ssyncadd.s32 $0xFFFFD800  }
0x98: {  	[tilespmem:s24], [sflag:$0x1] =	stream.linear.gather [spmem:s7], $0x2800, $0x38;
	[tilespmem:$0x19400] =	vst v63  }
0x99: {  	_ =	swait.ge [sflag:s25], $0x2800  }
0x9a: {  	[sflag:s25] =	ssyncset.done $0x0  }
0x9b: {  	s15 =	rddreg [dreg:$0x7];
	[sflag:s25] =	ssyncadd.s32 $0xFFFFD800  }
0x9c: {  	[hbm4b:s15+s3] =	stream.linear.scatter [tilespmem:s24], [sflag:$0x1], $0x2800, $0x38;
	[tilespmem:$0x19400] =	vst v63  }
0x9d: {  	_ =	swait.ge [sflag:s25], $0x2800  }
0x9e: {  	[sflag:s25] =	ssyncset.done $0x0  }
0x9f: {  	[sflag:s25] =	ssyncadd.s32 $0xFFFFD800  }
0xa0: {  	[tilespmem:s24], [sflag:$0x1] =	stream.linear.gather [spmem:s8], $0x2800, $0x38;
	[tilespmem:$0x19400] =	vst v63  }
0xa1: {  	_ =	swait.ge [sflag:s25], $0x2800  }
0xa2: {  	[sflag:s25] =	ssyncset.done $0x0  }
0xa3: {  	[sflag:s25] =	ssyncadd.s32 $0xFFFFD800  }
0xa4: {  	[hbm4b:s16+s3] =	stream.linear.scatter [tilespmem:s24], [sflag:$0x1], $0x2800, $0x38;
	[tilespmem:$0x19400] =	vst v63  }
0xa5: {  	_ =	swait.ge [sflag:s25], $0x2800  }
0xa6: {  	[sflag:s25] =	ssyncset.done $0x0  }
0xa7: {  	[sflag:s25] =	ssyncadd.s32 $0xFFFFD800  }
0xa8: {  	[tilespmem:s24], [sflag:$0x1] =	stream.linear.gather [spmem:s9], $0x2800, $0x38;
	[tilespmem:$0x19400] =	vst v63  }
0xa9: {  	_ =	swait.ge [sflag:s25], $0x2800  }
0xaa: {  	[sflag:s25] =	ssyncset.done $0x0  }
0xab: {  	[sflag:s25] =	ssyncadd.s32 $0xFFFFD800  }
0xac: {  	[hbm4b:s17+s3] =	stream.linear.scatter [tilespmem:s24], [sflag:$0x1], $0x2800, $0x38;
	[tilespmem:$0x19400] =	vst v63  }
0xad: {  	_ =	swait.ge [sflag:s25], $0x2800  }
0xae: {  	[sflag:s25] =	ssyncset.done $0x0  }
0xaf: {  	[sflag:s25] =	ssyncadd.s32 $0xFFFFD800  }
0xb0: {  	[tilespmem:s24], [sflag:$0x1] =	stream.linear.gather [spmem:s10], $0x2800, $0x38;
	[tilespmem:$0x19400] =	vst v63  }
0xb1: {  	_ =	swait.ge [sflag:s25], $0x2800  }
0xb2: {  	[sflag:s25] =	ssyncset.done $0x0  }
0xb3: {  	[sflag:s25] =	ssyncadd.s32 $0xFFFFD800  }
0xb4: {  	[hbm4b:s18+s3] =	stream.linear.scatter [tilespmem:s24], [sflag:$0x1], $0x2800, $0x38;
	[tilespmem:$0x19400] =	vst v63  }
0xb5: {  	_ =	swait.ge [sflag:s25], $0x2800  }
0xb6: {  	[sflag:s25] =	ssyncset.done $0x0  }
0xb7: {  	[sflag:s25] =	ssyncadd.s32 $0xFFFFD800  }
0xb8: {  	[tilespmem:s24], [sflag:$0x1] =	stream.linear.gather [spmem:s11], $0x2800, $0x38;
	[tilespmem:$0x19400] =	vst v63  }
0xb9: {  	_ =	swait.ge [sflag:s25], $0x2800  }
0xba: {  	[sflag:s25] =	ssyncset.done $0x0  }
0xbb: {  	[sflag:s25] =	ssyncadd.s32 $0xFFFFD800  }
0xbc: {  	[hbm4b:s19+s3] =	stream.linear.scatter [tilespmem:s24], [sflag:$0x1], $0x2800, $0x38;
	[tilespmem:$0x19400] =	vst v63  }
0xbd: {  	_ =	swait.ge [sflag:s25], $0x2800  }
0xbe: {  	[sflag:s25] =	ssyncset.done $0x0  }
0xbf: {  	[sflag:s25] =	ssyncadd.s32 $0xFFFFD800  }
0xc0: {  	[tilespmem:s24], [sflag:$0x1] =	stream.linear.gather [spmem:s12], $0x2800, $0x38;
	[tilespmem:$0x19400] =	vst v63  }
0xc1: {  	_ =	swait.ge [sflag:s25], $0x2800  }
0xc2: {  	[sflag:s25] =	ssyncset.done $0x0  }
0xc3: {  	[sflag:s25] =	ssyncadd.s32 $0xFFFFD800  }
0xc4: {  	[hbm4b:s20+s3] =	stream.linear.scatter [tilespmem:s24], [sflag:$0x1], $0x2800, $0x38;
	[tilespmem:$0x19400] =	vst v63  }
0xc5: {  	_ =	swait.ge [sflag:s25], $0x2800  }
0xc6: {  	[sflag:s25] =	ssyncset.done $0x0  }
0xc7: {  	[sflag:s25] =	ssyncadd.s32 $0xFFFFD800  }
0xc8: {  	[tilespmem:s24], [sflag:$0x1] =	stream.linear.gather [spmem:s13], $0x2800, $0x38;
	[tilespmem:$0x19400] =	vst v63  }
0xc9: {  	s2 =	sadd.s32 $0x1, s2;
	_ =	swait.ge [sflag:s25], $0x2800  }
0xca: {  	p0 =	sne.s32 s2, s22;
	[sflag:s25] =	ssyncset.done $0x0  }
.Ltmp1:
0xcb: {  	[sflag:s25] =	ssyncadd.s32 $0xFFFFD800;
	(pc) =	sbr.rel @p0 .LBB2_1-.Ltmp1, $4  }
0xcc: {  	[hbm4b:s21+s3] =	stream.linear.scatter [tilespmem:s24], [sflag:$0x1], $0x2800, $0x38;
	[tilespmem:$0x19400] =	vst v63  }
0xcd: {  	_ =	swait.ge [sflag:s25], $0x2800  }
0xce: {  	[sflag:s25] =	ssyncset.done $0x0  }
0xcf: {  	[sflag:s25] =	ssyncadd.s32 $0xFFFFD800  }
0xd0: {  	_ =	sfence.sel $0x180000  }
0xd1: {  	[bflag:$0x0] =	sbarrier.arrive $0xFFFF  }
0xd2: {  	_ =	strace $0x9000004A  }
0xd3: {  	s0 =	stileid.u32;
	[bflag:$0x2] =	sbarrier.arrive $0xFFFF  }
0xd4: {  	p0 =	sne.s32 s0, $0x0;
	s0 =	rddreg [dreg:$0x3]  }
0xd5: {  	s0 =	sadd.s32 @!p0 $0x100000, s0  }
0xd6: {  	[sflag:s0] =	ssyncadd.tile.s32 @!p0 $0x1;
	_ =	shalt  }
.Lfunc_end2:
_tile_overlayer_lowered:
.L_overlay_start_2:
0xd7: {  	(tag) =	ssettag $0x2  }
0xd8: {  	s0 =	rddreg [dreg:$0x0];
	s2 =	stileid.u32  }
0xd9: {  	s1 =	rddreg [dreg:$0x1];
	p0 =	sne.s32 s2, $0x0  }
0xda: {  	s3 =	rddreg [dreg:$0x2];
	[bflag:$0x3] =	sbarrier.arrive $0xFFFF;
	s2 =	simm.s32 @!p0 $0x1C01  }
0xdb: {  	[timem:s3], [sflag:s2] =	dma.local @!p0 [hbm:s0], s1  }
0xdc: {  	s0 =	simm.s32 @!p0 $0x1  }
0xdd: {  	_ =	swait.ge @!p0 [sflag:s0], s1  }
0xde: {  	s1 =	ssub.s32 @!p0 $0x0, s1;
	[sflag:s0] =	ssyncset.done @!p0 $0x0  }
0xdf: {  	[sflag:s0] =	ssyncadd.s32 @!p0 s1  }
0xe0: {  	[bflag:$0x3] =	sbarrier.arrive $0xFFFF  }
0xe1: {  	_ =	shalt  }

// kernel: kernel.9.cloned.1.call-start
scs
__scs_entry_jumppad:
0x0: {  	(pc) =	sbr.rel $0x88, $3  }
0x1: {  	(tag) =	ssettag $0x0;
	lr =	simm.s32 $0x1  }
0x2: {  	[smem:$0x3F92] =	sst lr;
	_ =	strace $0xD0000000  }
0x3: {  	_ = 	snop  }
0x4: {  	_ = 	snop  }
0x5: {  	_ = 	snop  }
0x6: {  	_ = 	snop  }
0x7: {  	_ = 	snop  }
__scs_overlays_trampoline_lowered:
0x8: {  	[smem:$0x3FA1] =	sst s0  }
0x9: {  	[smem:$0x3FA2] =	sst s1  }
0xa: {  	[smem:$0x3FA3] =	sst s2  }
0xb: {  	[smem:$0x3FA4] =	sst s3  }
0xc: {  	[smem:$0x3FA5] =	sst s4  }
0xd: {  	[smem:$0x3FA6] =	sst s5  }
0xe: {  	[smem:$0x3FA7] =	sst s6  }
0xf: {  	[smem:$0x3FA8] =	sst s7  }
0x10: {  	[smem:$0x3FA9] =	sst s8  }
0x11: {  	[smem:$0x3FAA] =	sst s9;
	s0 =	simm.s32 @!p0 $0x0  }
0x12: {  	s1 =	sld [smem:$0x3F90];
	s0 =	simm.s32 @p0 $0x1  }
0x13: {  	[smem:$0x3FAB] =	sst s0;
	s0 =	simm.s32 @!p1 $0x0  }
0x14: {  	s2 =	sld [smem:$0x3F8F];
	s0 =	simm.s32 @p1 $0x1  }
0x15: {  	[smem:$0x3FAC] =	sst s0;
	s0 =	simm.s32 @!p2 $0x0  }
0x16: {  	s3 =	sld [smem:$0x3FDB];
	s0 =	simm.s32 @p2 $0x1  }
0x17: {  	s4 =	simm.s32 $0x1BF5;
	[smem:$0x3FAE] =	sst s0  }
0x18: {  	s0 =	sld [smem:$0x3F91];
	_ =	swait.ge [sflag:s4], $0x0  }
0x19: {  	s7 =	sld [smem:$0x3F92]  }
0x1a: {  	s8 =	sadd.s32 $0xFFFFE003, lr  }
0x1b: {  	s9 =	sadd.s32 $0xFFFFFEF7, lr;
	s5 =	simm.s32 $0xFFFFFFFF;
	p2 =	slt.u32 s8, $0xFFFFF086  }
0x1c: {  	p1 =	slt.u32 s9, $0xF7A;
	s5 =	simm.s32 @!p2 $0x0  }
0x1d: {  	s5 =	simm.s32 @p1 $0x1;
	p0 =	seq.s32 s7, s2  }
0x1e: {  	s7 =	smul.u32 @!p0 $0xF7A, s2;
	p2 =	seq.s32 @!p0 s5, $0x0  }
0x1f: {  	s9 =	smul.u32 $0xF7A, s1;
	s8 =	simm.s32 @!p0 $0x1BF5;
	p2 =	por !p2, p0  }
0x20: {  	[sflag:s8] =	ssyncset.s32 @!p0 $0xFFFFF086;
	s6 =	sadd.s32 @!p0 s3, s7;
	s7 =	simm.s32 @!p0 $0x108  }
0x21: {  	s3 =	sadd.s32 s3, s9;
	s6 =	sadd.s32 @!p0 $0x88, s6;
	s7 =	simm.s32 @p2 $0x1082  }
0x22: {  	[simem:s7], [sflag:s8] =	dma.local @!p0 [hbm:s6], $0xF7A  }
0x23: {  	s9 =	sor.u32 $0xD0000000, s2;
	s6 =	simm.s32 $0x108;
	_ =	swait.ge @!p0 [sflag:s8], $0x0  }
0x24: {  	s3 =	sadd.s32 $0x88, s3;
	s6 =	simm.s32 @!p1 $0x1082;
	[sflag:s4] =	ssyncset.s32 $0xFFFFF086  }
0x25: {  	[simem:s6], [sflag:s4] =	dma.local [hbm:s3], $0xF7A  }
0x26: {  	[smem:$0x3F92] =	sst s1;
	(tag) =	ssettag s2;
	_ =	strace s9  }
0x27: {  	s1 =	sld [smem:$0x3FA2]  }
0x28: {  	s2 =	sld [smem:$0x3FA3]  }
0x29: {  	s4 =	sld [smem:$0x3FA5]  }
0x2a: {  	p0 =	seq.s32 s5, $0x0;
	s5 =	sld [smem:$0x3FA6]  }
0x2b: {  	s6 =	sld [smem:$0x3FA7]  }
0x2c: {  	s7 =	sld [smem:$0x3FA8]  }
0x2d: {  	s3 =	simm.s32 $0x108;
	s8 =	sld [smem:$0x3FA9]  }
0x2e: {  	s3 =	simm.s32 @!p0 $0x1082;
	s9 =	sld [smem:$0x3FAA]  }
0x2f: {  	lr =	sadd.s32 s0, s3;
	s0 =	sld [smem:$0x3FA1]  }
0x30: {  	s3 =	sld [smem:$0x3FA4]  }
0x31: {  	[smem:$0x3FAD] =	sst s10  }
0x32: {  	s10 =	sld [smem:$0x3FAB];
	_ =	sdelay $0x3  }
0x33: {  	p0 =	seq.s32 s10, $0x1;
	s10 =	sld [smem:$0x3FAD];
	_ =	sdelay $0x3  }
0x34: {  	[smem:$0x3FAD] =	sst s10  }
0x35: {  	s10 =	sld [smem:$0x3FAC];
	_ =	sdelay $0x3  }
0x36: {  	p1 =	seq.s32 s10, $0x1;
	s10 =	sld [smem:$0x3FAD];
	_ =	sdelay $0x3  }
0x37: {  	[smem:$0x3FAD] =	sst s10  }
0x38: {  	s10 =	sld [smem:$0x3FAE]  }
0x39: {  	_ = 	snop;
	(pc) =	sbr.ind lr, $3  }
0x3a: {  	_ = 	snop  }
0x3b: {  	_ = 	snop  }
0x3c: {  	p2 =	seq.s32 s10, $0x1;
	s10 =	sld [smem:$0x3FAD]  }
0x3d: {  	_ =	shalt  }
0x3e: {  	_ =	shalt  }
0x3f: {  	_ =	shalt  }
0x40: {  	_ =	shalt  }
0x41: {  	_ =	shalt  }
0x42: {  	_ =	shalt  }
0x43: {  	_ =	shalt  }
0x44: {  	_ =	shalt  }
0x45: {  	_ =	shalt  }
0x46: {  	_ =	shalt  }
0x47: {  	_ =	shalt  }
0x48: {  	_ =	shalt  }
0x49: {  	_ =	shalt  }
0x4a: {  	_ =	shalt  }
0x4b: {  	_ =	shalt  }
0x4c: {  	_ =	shalt  }
0x4d: {  	_ =	shalt  }
0x4e: {  	_ =	shalt  }
0x4f: {  	_ =	shalt  }
0x50: {  	_ =	shalt  }
0x51: {  	_ =	shalt  }
0x52: {  	_ =	shalt  }
0x53: {  	_ =	shalt  }
0x54: {  	_ =	shalt  }
0x55: {  	_ =	shalt  }
0x56: {  	_ =	shalt  }
0x57: {  	_ =	shalt  }
0x58: {  	_ =	shalt  }
0x59: {  	_ =	shalt  }
0x5a: {  	_ =	shalt  }
0x5b: {  	_ =	shalt  }
0x5c: {  	_ =	shalt  }
0x5d: {  	_ =	shalt  }
0x5e: {  	_ =	shalt  }
0x5f: {  	_ =	shalt  }
0x60: {  	_ =	shalt  }
0x61: {  	_ =	shalt  }
0x62: {  	_ =	shalt  }
0x63: {  	_ =	shalt  }
0x64: {  	_ =	shalt  }
0x65: {  	_ =	shalt  }
0x66: {  	_ =	shalt  }
0x67: {  	_ =	shalt  }
0x68: {  	_ =	shalt  }
0x69: {  	_ =	shalt  }
0x6a: {  	_ =	shalt  }
0x6b: {  	_ =	shalt  }
0x6c: {  	_ =	shalt  }
0x6d: {  	_ =	shalt  }
0x6e: {  	_ =	shalt  }
0x6f: {  	_ =	shalt  }
0x70: {  	_ =	shalt  }
0x71: {  	_ =	shalt  }
0x72: {  	_ =	shalt  }
0x73: {  	_ =	shalt  }
0x74: {  	_ =	shalt  }
0x75: {  	_ =	shalt  }
0x76: {  	_ =	shalt  }
0x77: {  	_ =	shalt  }
0x78: {  	_ =	shalt  }
0x79: {  	_ =	shalt  }
0x7a: {  	_ =	shalt  }
0x7b: {  	_ =	shalt  }
0x7c: {  	_ =	shalt  }
0x7d: {  	_ =	shalt  }
0x7e: {  	_ =	shalt  }
0x7f: {  	_ =	shalt  }
0x80: {  	_ =	shalt  }
0x81: {  	_ =	shalt  }
0x82: {  	_ =	shalt  }
0x83: {  	_ =	shalt  }
0x84: {  	_ =	shalt  }
0x85: {  	_ =	shalt  }
0x86: {  	_ =	shalt  }
0x87: {  	_ =	shalt  }
.Lfunc_end0:
.L_simem_size_0:
called_computation.1_lowered:
.L_overlay_start_0:
0x88: {  	s2 =	sld [smem:$0x3FD9]  }
0x89: {  	s3 =	sld [smem:$0x3FFE];
	_ =	sdelay $0x1  }
0x8a: {  	s1 =	srdreg.scid  }
0x8b: {  	s0 =	sand.u32 $0x1, s1  }
0x8c: {  	s17 =	sshll.u32 s0, $0xA;
	s2 =	sadd.s32 s3, s2  }
0x8d: {  	s2 =	sadd.s32 s2, s17  }
0x8e: {  	[smem:$0x3FB9] =	sst s2  }
0x8f: {  	_ = 	snop  }
0x90: {  	s2 =	sld [smem:$0x3FD0];
	(tm) =	ssettm $0x1  }
0x91: {  	s18 =	sld [smem:$0x3FFB];
	_ =	sdelay $0x3  }
0x92: {  	_ =	strace s18  }
0x93: {  	s3 =	sld [smem:$0x3FFC];
	_ =	sdelay $0x3  }
0x94: {  	_ =	strace s3  }
0x95: {  	s3 =	sld [smem:$0x3FFD];
	_ =	sdelay $0x3  }
0x96: {  	_ =	strace s3  }
0x97: {  	_ =	strace $0x8FFFFFFF  }
0x98: {  	s19 =	sld [smem:$0x3FDB];
	_ =	sdelay $0x1  }
0x99: {  	s4 =	simm.s32 $_scs_section_size  }
0x9a: {  	s5 =	simm.s32 $_size__tile_overlayer_lowered;
	s6 =	simm.s32 $_tile_overlayer_lowered  }
0x9b: {  	s22 =	simm.s32 $0x1BFF;
	s21 =	sshll.u32 s6, $0x1;
	s3 =	sadd.s32 s4, s19  }
0x9c: {  	s7 =	simm.s32 $0x0;
	s20 =	sshll.u32 s5, $0x1;
	s5 =	sadd.s32 s21, s3  }
0x9d: {  	[timem:s7], [sflag:s22] =	dma.local [hbm:s5], s20  }
0x9e: {  	_ =	swait.ge [sflag:s22], s20  }
0x9f: {  	s4 =	ssub.s32 $0x0, s20;
	[sflag:s22] =	ssyncset.done $0x0  }
0xa0: {  	[sflag:s22] =	ssyncadd.s32 s4;
	_ =	sdelay $0x1  }
0xa1: {  	s23 =	simm.s32 $0x1B8B  }
0xa2: {  	_ =	swait.ge [sflag:s23], $0x1  }
0xa3: {  	[sflag:s23] =	ssyncset.done $0x0  }
0xa4: {  	s25 =	simm.s32 $0x1B8E;
	s24 =	sld [smem:$0x3FFE];
	[sflag:s23] =	ssyncadd.s32 $0xFFFFFFFF  }
0xa5: {  	s26 =	simm.s32 $execute0_lowered;
	[smem:$0x3FD2] =	sst s25  }
0xa6: {  	s5 =	sshll.u32 s26, $0x1;
	_ =	strace $0x80000046;
	[dreg:$0x1] =	wrdreg $0xFFFFFFFF  }
0xa7: {  	s28 =	simm.s32 $_size_execute0_lowered;
	s3 =	sadd.s32 s3, s5;
	[dreg:$0x0] =	wrdreg $0x0  }
0xa8: {  	s5 =	sshll.u32 s28, $0x1;
	[dreg:$0x2] =	wrdreg s3  }
0xa9: {  	[dreg:$0x3] =	wrdreg s5  }
0xaa: {  	[dreg:$0x4] =	wrdreg $0xC0  }
0xab: {  	_ =	task [dreg:s7], $0x5FFFF  }
0xac: {  	[dreg:$0x1] =	wrdreg $0xFFFFFFFF  }
0xad: {  	[dreg:$0x0] =	wrdreg $0x60  }
0xae: {  	[dreg:$0x2] =	wrdreg s24  }
0xaf: {  	[dreg:$0x3] =	wrdreg s2  }
0xb0: {  	[dreg:$0x4] =	wrdreg $0x2C000  }
0xb1: {  	[dreg:$0x5] =	wrdreg $0xA  }
0xb2: {  	_ =	task.clear_ibuf [dreg:s7], $0x6FFFF;
	_ =	strace $0x90000046  }
0xb3: {  	s29 =	simm.s32 $0xA;
	_ =	strace $0x80000048  }
0xb4: {  	_ =	swait.ge [sflag:s29], $0x1  }
0xb5: {  	[sflag:s29] =	ssyncadd.s32 $0xFFFFFFFF  }
0xb6: {  	_ =	strace $0x90000048  }
0xb7: {  	_ =	sfence  }
0xb8: {  	s30 =	sld [smem:$0x0];
	_ =	sdelay $0x2  }
0xb9: {  	s31 =	sshll.u32 s1, $0xD;
	s1 =	sshrl.u32 s1, $0x2  }
0xba: {  	s3 =	sand.u32 $0x4000, s31;
	s1 =	sadd.s32 s1, s30  }
0xbb: {  	s0 =	sor.u32 s3, s0;
	s1 =	sshll.u32 s1, $0x11  }
0xbc: {  	s0 =	sor.u32 s1, s0  }
0xbd: {  	s0 =	sadd.s32 $0x8F2B, s0  }
0xbe: {  	[sflag:s0] =	ssyncadd.remote.s32 $0x1  }
0xbf: {  	_ =	sfence.sel $0xFFFF  }
0xc0: {  	[dreg:$0x0] =	wrdreg $0xFFFFFFFF;
	(pc) =	sbr.abs _section_cstart, $3  }
0xc1: {  	[dreg:$0x1] =	wrdreg $0xFFFFFFFF  }
0xc2: {  	_ =	task.clear_ibuf [dreg:s7], $0x2FFFF;
	_ =	strace $0x9FFFFFFF  }
0xc3: {  	(tm) =	ssettm $0x7FFFFFFF  }
tec
execute0_lowered:
.L_overlay_start_1:
0x0: {  	(tag) =	ssettag $0x1  }
0x1: {  	s1 =	rddreg [dreg:$0x0]  }
0x2: {  	s0 =	rddreg [dreg:$0x1]  }
0x3: {  	s3 =	srdreg.scid;
	s2 =	rddreg [dreg:$0x2]  }
0x4: {  	s23 =	stileid.u32;
	s28 =	simm.s32 $0x80;
	s29 =	simm.s32 $0x100  }
0x5: {  	s30 =	simm.s32 $0x180;
	s31 =	simm.s32 $0x200;
	s7 =	smul.u32 $0x14000, s23  }
0x6: {  	s4 =	sand.u32 $0x1, s3;
	s3 =	simm.s32 $0x0;
	s12 =	smul.u32 $0x50000, s23  }
0x7: {  	s11 =	sadd.s32 $0x2800, s1;
	s5 =	ssub.s32 $0x2, s4;
	s10 =	smul.u32 $0x140000, s4  }
0x8: {  	[smem:$0x7FF] =	sst s3;
	s6 =	sshrl.u32 s5, $0x1;
	s14 =	sor.u32 $0x2800, s7  }
0x9: {  	s15 =	sadd.s32 $0x5000, s7;
	s16 =	sadd.s32 $0x7800, s7;
	s17 =	sadd.s32 $0xA000, s7  }
0xa: {  	s18 =	sadd.s32 $0xC800, s7;
	s19 =	sadd.s32 $0xF000, s7;
	s20 =	sadd.s32 $0x11800, s7  }
0xb: {  	s5 =	ssub.s32 s5, s6;
	s25 =	sadd.s32 s7, s10;
	s26 =	sadd.s32 s10, s14  }
0xc: {  	s8 =	sadd.s32 s10, s15;
	s21 =	sadd.s32 s10, s16;
	s22 =	sadd.s32 s10, s17  }
0xd: {  	s14 =	sadd.s32 s14, s2;
	s15 =	sadd.s32 s15, s2;
	s16 =	sadd.s32 s16, s2  }
0xe: {  	s9 =	sshrl.u32 s8, $0x3;
	s8 =	sshrl.u32 s22, $0x3;
	s22 =	smul.u32 $0xC800, s23  }
0xf: {  	s17 =	sadd.s32 s17, s2;
	s6 =	sshrl.u32 s25, $0x3;
	s25 =	smul.u32 $0x6400, s4  }
0x10: {  	s7 =	sshrl.u32 s26, $0x3;
	s26 =	smul.u32 $0x4E200, s23;
	s6 =	sadd.s32 s11, s6  }
0x11: {  	s13 =	sadd.s32 s11, s9;
	s9 =	sadd.s32 s10, s18;
	s8 =	sadd.s32 s11, s8  }
0x12: {  	s18 =	sadd.s32 s18, s2;
	[dreg:$0x4] =	wrdreg s6;
	s6 =	sadd.s32 s11, s7  }
0x13: {  	[dreg:$0x6] =	wrdreg s13;
	s7 =	sshrl.u32 s21, $0x3;
	s9 =	sshrl.u32 s9, $0x3  }
0x14: {  	s13 =	sadd.s32 s10, s19;
	s21 =	sadd.s32 s10, s20;
	s23 =	sadd.s32 s26, s1  }
0x15: {  	s19 =	sadd.s32 s19, s2;
	s20 =	sadd.s32 s20, s2;
	[dreg:$0x5] =	wrdreg s6  }
0x16: {  	s7 =	sadd.s32 s11, s7;
	s9 =	sadd.s32 s11, s9;
	s13 =	sshrl.u32 s13, $0x3  }
0x17: {  	s24 =	sshrl.u32 s21, $0x3;
	s21 =	sadd.s32 s25, s22;
	s6 =	sshrl.u32 s12, $0x2  }
0x18: {  	s12 =	sadd.s32 $0x2200, s1;
	s10 =	sadd.s32 s11, s13;
	s11 =	sadd.s32 s11, s24  }
0x19: {  	_ =	strace $0x80000047;
	s24 =	smul.u32 $0x27100, s4;
	s25 =	sshrl.u32 s21, $0x3  }
0x1a: {  	s13 =	sadd.s32 s6, s2;
	s21 =	smax.u32 s5, $0x1;
	s4 =	sadd.s32 s25, s0  }
0x1b: {  	s25 =	simm.s32 $0x1;
	s0 =	simm.s32 $0x0;
	s26 =	sadd.s32 s24, s23  }
0x1c: {  	s24 =	simm.s32 $0x400;
	s23 =	sadd.s32 $0x9C6200, s26;
	s26 =	simm.s32 $0x50  }
.LBB2_1:
0x1d: {  	[tilespmem:s24], [sflag:$0x1] =	stream.linear.gather [hbm4b:s12+s3], $0x2800, $0x38;
	[tilespmem:$0x16C00] =	vst v63  }
0x1e: {  	_ =	swait.ge [sflag:s25], $0x2800  }
0x1f: {  	[sflag:s25] =	ssyncset.done $0x0  }
0x20: {  	[sflag:s25] =	ssyncadd.s32 $0xFFFFD800  }
0x21: {  	[spmem:s13] =	stream.linear.scatter [tilespmem:s24], [sflag:$0x1], $0x2800, $0x38;
	[tilespmem:$0x16C00] =	vst v63  }
0x22: {  	_ =	swait.ge [sflag:s25], $0x2800  }
0x23: {  	[sflag:s25] =	ssyncset.done $0x0  }
0x24: {  	[sflag:s25] =	ssyncadd.s32 $0xFFFFD800  }
0x25: {  	[spmem:s14] =	stream.linear.scatter [tilespmem:s24], [sflag:$0x1], $0x2800, $0x38;
	[tilespmem:$0x16C00] =	vst v63  }
0x26: {  	_ =	swait.ge [sflag:s25], $0x2800  }
0x27: {  	[sflag:s25] =	ssyncset.done $0x0  }
0x28: {  	[sflag:s25] =	ssyncadd.s32 $0xFFFFD800  }
0x29: {  	[spmem:s15] =	stream.linear.scatter [tilespmem:s24], [sflag:$0x1], $0x2800, $0x38;
	[tilespmem:$0x16C00] =	vst v63  }
0x2a: {  	_ =	swait.ge [sflag:s25], $0x2800  }
0x2b: {  	[sflag:s25] =	ssyncset.done $0x0  }
0x2c: {  	[sflag:s25] =	ssyncadd.s32 $0xFFFFD800  }
0x2d: {  	[spmem:s16] =	stream.linear.scatter [tilespmem:s24], [sflag:$0x1], $0x2800, $0x38;
	[tilespmem:$0x16C00] =	vst v63  }
0x2e: {  	_ =	swait.ge [sflag:s25], $0x2800  }
0x2f: {  	[sflag:s25] =	ssyncset.done $0x0  }
0x30: {  	[sflag:s25] =	ssyncadd.s32 $0xFFFFD800  }
0x31: {  	[spmem:s17] =	stream.linear.scatter [tilespmem:s24], [sflag:$0x1], $0x2800, $0x38;
	[tilespmem:$0x16C00] =	vst v63  }
0x32: {  	_ =	swait.ge [sflag:s25], $0x2800  }
0x33: {  	[sflag:s25] =	ssyncset.done $0x0  }
0x34: {  	[sflag:s25] =	ssyncadd.s32 $0xFFFFD800  }
0x35: {  	[spmem:s18] =	stream.linear.scatter [tilespmem:s24], [sflag:$0x1], $0x2800, $0x38;
	[tilespmem:$0x16C00] =	vst v63  }
0x36: {  	_ =	swait.ge [sflag:s25], $0x2800  }
0x37: {  	[sflag:s25] =	ssyncset.done $0x0  }
0x38: {  	[sflag:s25] =	ssyncadd.s32 $0xFFFFD800  }
0x39: {  	[spmem:s19] =	stream.linear.scatter [tilespmem:s24], [sflag:$0x1], $0x2800, $0x38;
	[tilespmem:$0x16C00] =	vst v63  }
0x3a: {  	_ =	swait.ge [sflag:s25], $0x2800  }
0x3b: {  	[sflag:s25] =	ssyncset.done $0x0  }
0x3c: {  	[sflag:s25] =	ssyncadd.s32 $0xFFFFD800  }
0x3d: {  	[spmem:s20] =	stream.linear.scatter [tilespmem:s24], [sflag:$0x1], $0x2800, $0x38;
	[tilespmem:$0x16C00] =	vst v63  }
0x3e: {  	_ =	swait.ge [sflag:s25], $0x2800  }
0x3f: {  	[sflag:s25] =	ssyncset.done $0x0  }
0x40: {  	[sflag:s25] =	ssyncadd.s32 $0xFFFFD800  }
0x41: {  	[bflag:$0x0] =	sbarrier.arrive $0xFFFF  }
0x42: {  	[tilespmem:s3], [sflag:$0x1] =	stream.linear.gather [hbm4b:s4+s3], $0x280, $0x38;
	[tilespmem:$0x16C00] =	vst v63  }
0x43: {  	_ =	swait.ge [sflag:s25], $0x280  }
0x44: {  	[sflag:s25] =	ssyncset.done $0x0  }
0x45: {  	s1 =	sadd.s32 $0x0, s23;
	[sflag:s25] =	ssyncadd.s32 $0xFFFFFD80  }
0x46: {  	[tilespmem:s24], [sflag:$0x1] =	stream.linear.gather [hbm4b:s1+s3], $0x2800, $0x38;
	[tilespmem:$0x16C00] =	vst v63  }
0x47: {  	_ =	swait.ge [sflag:s25], $0x2800  }
0x48: {  	[sflag:s25] =	ssyncset.done $0x0  }
0x49: {  	[sflag:s25] =	ssyncadd.s32 $0xFFFFD800  }
0x4a: {  	[spmem:s2] =	stream.indirect.scatter.add.f32 [tilespmem:s24], [sflag:$0x1], $0x80, s3, s26, $0xb8;
	[tilespmem:$0x16C00] =	vst v63  }
0x4b: {  	_ =	swait.ge [sflag:s25], $0x2800  }
0x4c: {  	[sflag:s25] =	ssyncset.done $0x0  }
0x4d: {  	s5 =	sadd.s32 $0x500, s1;
	[sflag:s25] =	ssyncadd.s32 $0xFFFFD800  }
0x4e: {  	[tilespmem:s24], [sflag:$0x1] =	stream.linear.gather [hbm4b:s5+s3], $0x2800, $0x38;
	[tilespmem:$0x16C00] =	vst v63  }
0x4f: {  	_ =	swait.ge [sflag:s25], $0x2800  }
0x50: {  	[sflag:s25] =	ssyncset.done $0x0  }
0x51: {  	[sflag:s25] =	ssyncadd.s32 $0xFFFFD800  }
0x52: {  	[spmem:s2] =	stream.indirect.scatter.add.f32 [tilespmem:s24], [sflag:$0x1], $0x80, s28, s26, $0xb8;
	[tilespmem:$0x16C00] =	vst v63  }
0x53: {  	_ =	swait.ge [sflag:s25], $0x2800  }
0x54: {  	[sflag:s25] =	ssyncset.done $0x0  }
0x55: {  	s6 =	sadd.s32 $0xA00, s1;
	[sflag:s25] =	ssyncadd.s32 $0xFFFFD800  }
0x56: {  	[tilespmem:s24], [sflag:$0x1] =	stream.linear.gather [hbm4b:s6+s3], $0x2800, $0x38;
	[tilespmem:$0x16C00] =	vst v63  }
0x57: {  	_ =	swait.ge [sflag:s25], $0x2800  }
0x58: {  	[sflag:s25] =	ssyncset.done $0x0  }
0x59: {  	[sflag:s25] =	ssyncadd.s32 $0xFFFFD800  }
0x5a: {  	[spmem:s2] =	stream.indirect.scatter.add.f32 [tilespmem:s24], [sflag:$0x1], $0x80, s29, s26, $0xb8;
	[tilespmem:$0x16C00] =	vst v63  }
0x5b: {  	_ =	swait.ge [sflag:s25], $0x2800  }
0x5c: {  	[sflag:s25] =	ssyncset.done $0x0  }
0x5d: {  	s22 =	sadd.s32 $0xF00, s1;
	[sflag:s25] =	ssyncadd.s32 $0xFFFFD800  }
0x5e: {  	[tilespmem:s24], [sflag:$0x1] =	stream.linear.gather [hbm4b:s22+s3], $0x2800, $0x38;
	[tilespmem:$0x16C00] =	vst v63  }
0x5f: {  	_ =	swait.ge [sflag:s25], $0x2800  }
0x60: {  	[sflag:s25] =	ssyncset.done $0x0  }
0x61: {  	[sflag:s25] =	ssyncadd.s32 $0xFFFFD800  }
0x62: {  	[spmem:s2] =	stream.indirect.scatter.add.f32 [tilespmem:s24], [sflag:$0x1], $0x80, s30, s26, $0xb8;
	[tilespmem:$0x16C00] =	vst v63  }
0x63: {  	_ =	swait.ge [sflag:s25], $0x2800  }
0x64: {  	[sflag:s25] =	ssyncset.done $0x0  }
0x65: {  	s1 =	sadd.s32 $0x1400, s1;
	[sflag:s25] =	ssyncadd.s32 $0xFFFFD800  }
0x66: {  	[tilespmem:s24], [sflag:$0x1] =	stream.linear.gather [hbm4b:s1+s3], $0x2800, $0x38;
	[tilespmem:$0x16C00] =	vst v63  }
0x67: {  	_ =	swait.ge [sflag:s25], $0x2800  }
0x68: {  	[sflag:s25] =	ssyncset.done $0x0  }
0x69: {  	[sflag:s25] =	ssyncadd.s32 $0xFFFFD800  }
0x6a: {  	[spmem:s2] =	stream.indirect.scatter.add.f32 [tilespmem:s24], [sflag:$0x1], $0x80, s31, s26, $0xb8;
	[tilespmem:$0x16C00] =	vst v63  }
0x6b: {  	_ =	swait.ge [sflag:s25], $0x2800  }
0x6c: {  	s22 =	smov.u32 s4;
	s1 =	simm.s32 $0x1900;
	[sflag:s25] =	ssyncset.done $0x0  }
.LBB2_2:
0x6d: {  	p0 =	sne.s32 s1, $0x25800;
	[sflag:s25] =	ssyncadd.s32 $0xFFFFD800;
	s22 =	sadd.s32 $0x80, s22  }
0x6e: {  	[tilespmem:s3], [sflag:$0x1] =	stream.linear.gather [hbm4b:s22+s3], $0x280, $0x38;
	[tilespmem:$0x16C00] =	vst v63  }
0x6f: {  	s5 =	smov.u32 s1;
	s1 =	sadd.s32 $0x1900, s1;
	_ =	swait.ge [sflag:s25], $0x280  }
0x70: {  	[sflag:s25] =	ssyncset.done $0x0  }
0x71: {  	s5 =	sadd.s32 s5, s23;
	[sflag:s25] =	ssyncadd.s32 $0xFFFFFD80  }
0x72: {  	[tilespmem:s24], [sflag:$0x1] =	stream.linear.gather [hbm4b:s5+s3], $0x2800, $0x38;
	[tilespmem:$0x16C00] =	vst v63  }
0x73: {  	_ =	swait.ge [sflag:s25], $0x2800  }
0x74: {  	[sflag:s25] =	ssyncset.done $0x0  }
0x75: {  	[sflag:s25] =	ssyncadd.s32 $0xFFFFD800  }
0x76: {  	[spmem:s2] =	stream.indirect.scatter.add.f32 [tilespmem:s24], [sflag:$0x1], $0x80, s3, s26, $0xb8;
	[tilespmem:$0x16C00] =	vst v63  }
0x77: {  	_ =	swait.ge [sflag:s25], $0x2800  }
0x78: {  	[sflag:s25] =	ssyncset.done $0x0  }
0x79: {  	s6 =	sadd.s32 $0x500, s5;
	[sflag:s25] =	ssyncadd.s32 $0xFFFFD800  }
0x7a: {  	[tilespmem:s24], [sflag:$0x1] =	stream.linear.gather [hbm4b:s6+s3], $0x2800, $0x38;
	[tilespmem:$0x16C00] =	vst v63  }
0x7b: {  	_ =	swait.ge [sflag:s25], $0x2800  }
0x7c: {  	[sflag:s25] =	ssyncset.done $0x0  }
0x7d: {  	[sflag:s25] =	ssyncadd.s32 $0xFFFFD800  }
0x7e: {  	[spmem:s2] =	stream.indirect.scatter.add.f32 [tilespmem:s24], [sflag:$0x1], $0x80, s28, s26, $0xb8;
	[tilespmem:$0x16C00] =	vst v63  }
0x7f: {  	_ =	swait.ge [sflag:s25], $0x2800  }
0x80: {  	[sflag:s25] =	ssyncset.done $0x0  }
0x81: {  	s6 =	sadd.s32 $0xA00, s5;
	[sflag:s25] =	ssyncadd.s32 $0xFFFFD800  }
0x82: {  	[tilespmem:s24], [sflag:$0x1] =	stream.linear.gather [hbm4b:s6+s3], $0x2800, $0x38;
	[tilespmem:$0x16C00] =	vst v63  }
0x83: {  	_ =	swait.ge [sflag:s25], $0x2800  }
0x84: {  	[sflag:s25] =	ssyncset.done $0x0  }
0x85: {  	[sflag:s25] =	ssyncadd.s32 $0xFFFFD800  }
0x86: {  	[spmem:s2] =	stream.indirect.scatter.add.f32 [tilespmem:s24], [sflag:$0x1], $0x80, s29, s26, $0xb8;
	[tilespmem:$0x16C00] =	vst v63  }
0x87: {  	_ =	swait.ge [sflag:s25], $0x2800  }
0x88: {  	[sflag:s25] =	ssyncset.done $0x0  }
0x89: {  	s6 =	sadd.s32 $0xF00, s5;
	[sflag:s25] =	ssyncadd.s32 $0xFFFFD800  }
0x8a: {  	[tilespmem:s24], [sflag:$0x1] =	stream.linear.gather [hbm4b:s6+s3], $0x2800, $0x38;
	[tilespmem:$0x16C00] =	vst v63  }
0x8b: {  	_ =	swait.ge [sflag:s25], $0x2800  }
0x8c: {  	[sflag:s25] =	ssyncset.done $0x0  }
0x8d: {  	[sflag:s25] =	ssyncadd.s32 $0xFFFFD800  }
0x8e: {  	[spmem:s2] =	stream.indirect.scatter.add.f32 [tilespmem:s24], [sflag:$0x1], $0x80, s30, s26, $0xb8;
	[tilespmem:$0x16C00] =	vst v63  }
0x8f: {  	_ =	swait.ge [sflag:s25], $0x2800  }
0x90: {  	[sflag:s25] =	ssyncset.done $0x0  }
0x91: {  	s5 =	sadd.s32 $0x1400, s5;
	[sflag:s25] =	ssyncadd.s32 $0xFFFFD800  }
0x92: {  	[tilespmem:s24], [sflag:$0x1] =	stream.linear.gather [hbm4b:s5+s3], $0x2800, $0x38;
	[tilespmem:$0x16C00] =	vst v63  }
0x93: {  	_ =	swait.ge [sflag:s25], $0x2800  }
.Ltmp0:
0x94: {  	[sflag:s25] =	ssyncset.done $0x0;
	(pc) =	sbr.rel @p0 .LBB2_2-.Ltmp0, $4  }
0x95: {  	[sflag:s25] =	ssyncadd.s32 $0xFFFFD800  }
0x96: {  	[spmem:s2] =	stream.indirect.scatter.add.f32 [tilespmem:s24], [sflag:$0x1], $0x80, s31, s26, $0xb8;
	[tilespmem:$0x16C00] =	vst v63  }
0x97: {  	_ =	swait.ge [sflag:s25], $0x2800  }
0x98: {  	[sflag:s25] =	ssyncset.done $0x0  }
0x99: {  	[sflag:s25] =	ssyncadd.s32 $0xFFFFD800  }
0x9a: {  	[bflag:$0x0] =	sbarrier.arrive $0xFFFF  }
0x9b: {  	[tilespmem:s24], [sflag:$0x1] =	stream.linear.gather [spmem:s13], $0x2800, $0x38;
	[tilespmem:$0x16C00] =	vst v63  }
0x9c: {  	_ =	swait.ge [sflag:s25], $0x2800  }
0x9d: {  	[sflag:s25] =	ssyncset.done $0x0  }
0x9e: {  	s1 =	rddreg [dreg:$0x4];
	[sflag:s25] =	ssyncadd.s32 $0xFFFFD800  }
0x9f: {  	[hbm4b:s1+s3] =	stream.linear.scatter [tilespmem:s24], [sflag:$0x1], $0x2800, $0x38;
	[tilespmem:$0x16C00] =	vst v63  }
0xa0: {  	_ =	swait.ge [sflag:s25], $0x2800  }
0xa1: {  	[sflag:s25] =	ssyncset.done $0x0  }
0xa2: {  	[sflag:s25] =	ssyncadd.s32 $0xFFFFD800  }
0xa3: {  	[tilespmem:s24], [sflag:$0x1] =	stream.linear.gather [spmem:s14], $0x2800, $0x38;
	[tilespmem:$0x16C00] =	vst v63  }
0xa4: {  	_ =	swait.ge [sflag:s25], $0x2800  }
0xa5: {  	[sflag:s25] =	ssyncset.done $0x0  }
0xa6: {  	s6 =	rddreg [dreg:$0x5];
	[sflag:s25] =	ssyncadd.s32 $0xFFFFD800  }
0xa7: {  	[hbm4b:s6+s3] =	stream.linear.scatter [tilespmem:s24], [sflag:$0x1], $0x2800, $0x38;
	[tilespmem:$0x16C00] =	vst v63  }
0xa8: {  	_ =	swait.ge [sflag:s25], $0x2800  }
0xa9: {  	[sflag:s25] =	ssyncset.done $0x0  }
0xaa: {  	[sflag:s25] =	ssyncadd.s32 $0xFFFFD800  }
0xab: {  	[tilespmem:s24], [sflag:$0x1] =	stream.linear.gather [spmem:s15], $0x2800, $0x38;
	[tilespmem:$0x16C00] =	vst v63  }
0xac: {  	_ =	swait.ge [sflag:s25], $0x2800  }
0xad: {  	[sflag:s25] =	ssyncset.done $0x0  }
0xae: {  	s22 =	rddreg [dreg:$0x6];
	[sflag:s25] =	ssyncadd.s32 $0xFFFFD800  }
0xaf: {  	[hbm4b:s22+s3] =	stream.linear.scatter [tilespmem:s24], [sflag:$0x1], $0x2800, $0x38;
	[tilespmem:$0x16C00] =	vst v63  }
0xb0: {  	_ =	swait.ge [sflag:s25], $0x2800  }
0xb1: {  	[sflag:s25] =	ssyncset.done $0x0  }
0xb2: {  	[sflag:s25] =	ssyncadd.s32 $0xFFFFD800  }
0xb3: {  	[tilespmem:s24], [sflag:$0x1] =	stream.linear.gather [spmem:s16], $0x2800, $0x38;
	[tilespmem:$0x16C00] =	vst v63  }
0xb4: {  	_ =	swait.ge [sflag:s25], $0x2800  }
0xb5: {  	[sflag:s25] =	ssyncset.done $0x0  }
0xb6: {  	[sflag:s25] =	ssyncadd.s32 $0xFFFFD800  }
0xb7: {  	[hbm4b:s7+s3] =	stream.linear.scatter [tilespmem:s24], [sflag:$0x1], $0x2800, $0x38;
	[tilespmem:$0x16C00] =	vst v63  }
0xb8: {  	_ =	swait.ge [sflag:s25], $0x2800  }
0xb9: {  	[sflag:s25] =	ssyncset.done $0x0  }
0xba: {  	[sflag:s25] =	ssyncadd.s32 $0xFFFFD800  }
0xbb: {  	[tilespmem:s24], [sflag:$0x1] =	stream.linear.gather [spmem:s17], $0x2800, $0x38;
	[tilespmem:$0x16C00] =	vst v63  }
0xbc: {  	_ =	swait.ge [sflag:s25], $0x2800  }
0xbd: {  	[sflag:s25] =	ssyncset.done $0x0  }
0xbe: {  	[sflag:s25] =	ssyncadd.s32 $0xFFFFD800  }
0xbf: {  	[hbm4b:s8+s3] =	stream.linear.scatter [tilespmem:s24], [sflag:$0x1], $0x2800, $0x38;
	[tilespmem:$0x16C00] =	vst v63  }
0xc0: {  	_ =	swait.ge [sflag:s25], $0x2800  }
0xc1: {  	[sflag:s25] =	ssyncset.done $0x0  }
0xc2: {  	[sflag:s25] =	ssyncadd.s32 $0xFFFFD800  }
0xc3: {  	[tilespmem:s24], [sflag:$0x1] =	stream.linear.gather [spmem:s18], $0x2800, $0x38;
	[tilespmem:$0x16C00] =	vst v63  }
0xc4: {  	_ =	swait.ge [sflag:s25], $0x2800  }
0xc5: {  	[sflag:s25] =	ssyncset.done $0x0  }
0xc6: {  	[sflag:s25] =	ssyncadd.s32 $0xFFFFD800  }
0xc7: {  	[hbm4b:s9+s3] =	stream.linear.scatter [tilespmem:s24], [sflag:$0x1], $0x2800, $0x38;
	[tilespmem:$0x16C00] =	vst v63  }
0xc8: {  	_ =	swait.ge [sflag:s25], $0x2800  }
0xc9: {  	[sflag:s25] =	ssyncset.done $0x0  }
0xca: {  	[sflag:s25] =	ssyncadd.s32 $0xFFFFD800  }
0xcb: {  	[tilespmem:s24], [sflag:$0x1] =	stream.linear.gather [spmem:s19], $0x2800, $0x38;
	[tilespmem:$0x16C00] =	vst v63  }
0xcc: {  	_ =	swait.ge [sflag:s25], $0x2800  }
0xcd: {  	[sflag:s25] =	ssyncset.done $0x0  }
0xce: {  	[sflag:s25] =	ssyncadd.s32 $0xFFFFD800  }
0xcf: {  	[hbm4b:s10+s3] =	stream.linear.scatter [tilespmem:s24], [sflag:$0x1], $0x2800, $0x38;
	[tilespmem:$0x16C00] =	vst v63  }
0xd0: {  	_ =	swait.ge [sflag:s25], $0x2800  }
0xd1: {  	[sflag:s25] =	ssyncset.done $0x0  }
0xd2: {  	[sflag:s25] =	ssyncadd.s32 $0xFFFFD800  }
0xd3: {  	[tilespmem:s24], [sflag:$0x1] =	stream.linear.gather [spmem:s20], $0x2800, $0x38;
	[tilespmem:$0x16C00] =	vst v63  }
0xd4: {  	s0 =	sadd.s32 $0x1, s0;
	_ =	swait.ge [sflag:s25], $0x2800  }
0xd5: {  	p0 =	sne.s32 s0, s21;
	[sflag:s25] =	ssyncset.done $0x0  }
.Ltmp1:
0xd6: {  	[sflag:s25] =	ssyncadd.s32 $0xFFFFD800;
	(pc) =	sbr.rel @p0 .LBB2_1-.Ltmp1, $4  }
0xd7: {  	[hbm4b:s11+s3] =	stream.linear.scatter [tilespmem:s24], [sflag:$0x1], $0x2800, $0x38;
	[tilespmem:$0x16C00] =	vst v63  }
0xd8: {  	_ =	swait.ge [sflag:s25], $0x2800  }
0xd9: {  	[sflag:s25] =	ssyncset.done $0x0  }
0xda: {  	[sflag:s25] =	ssyncadd.s32 $0xFFFFD800  }
0xdb: {  	_ =	sfence.sel $0x180000  }
0xdc: {  	[bflag:$0x0] =	sbarrier.arrive $0xFFFF  }
0xdd: {  	_ =	strace $0x90000047  }
0xde: {  	s0 =	stileid.u32;
	[bflag:$0x2] =	sbarrier.arrive $0xFFFF  }
0xdf: {  	p0 =	sne.s32 s0, $0x0;
	s0 =	rddreg [dreg:$0x3]  }
0xe0: {  	s0 =	sadd.s32 @!p0 $0x100000, s0  }
0xe1: {  	[sflag:s0] =	ssyncadd.tile.s32 @!p0 $0x1;
	_ =	shalt  }
.Lfunc_end2:
_tile_overlayer_lowered:
.L_overlay_start_2:
0xe2: {  	(tag) =	ssettag $0x2  }
0xe3: {  	s0 =	rddreg [dreg:$0x0];
	s2 =	stileid.u32  }
0xe4: {  	s1 =	rddreg [dreg:$0x1];
	p0 =	sne.s32 s2, $0x0  }
0xe5: {  	s3 =	rddreg [dreg:$0x2];
	[bflag:$0x3] =	sbarrier.arrive $0xFFFF;
	s2 =	simm.s32 @!p0 $0x1C01  }
0xe6: {  	[timem:s3], [sflag:s2] =	dma.local @!p0 [hbm:s0], s1  }
0xe7: {  	s0 =	simm.s32 @!p0 $0x1  }
0xe8: {  	_ =	swait.ge @!p0 [sflag:s0], s1  }
0xe9: {  	s1 =	ssub.s32 @!p0 $0x0, s1;
	[sflag:s0] =	ssyncset.done @!p0 $0x0  }
0xea: {  	[sflag:s0] =	ssyncadd.s32 @!p0 s1  }
0xeb: {  	[bflag:$0x3] =	sbarrier.arrive $0xFFFF  }
0xec: {  	_ =	shalt  }

</sc_bundles>
